<compile_context>
chip_gen: v7x
topology: tpu7x:2x2x1
jax: 0.10.2.dev20260603
libtpu: 0.0.44.dev20260713+nightly
codegen_flags: <defaults>
</compile_context>

<pallas_src>
import functools

import jax
import jax.numpy as jnp
from jax import lax
from jax.experimental import pallas as pl
from jax.experimental.pallas import tpu as pltpu
from jax.experimental.pallas import tpu_sc as plsc

NC = 2
NS = 16
NW = NC * NS
LANES = 16
CH = 128


def _body(idx_hbm, z_hbm, mean_hbm, logvar_hbm, v_hbm, mu_hbm, lv_hbm,
          idx_v, mu_v, lv_v, z_v, t_v, t_mu, t_lv,
          sem_mu, sem_lv, sem_z, sem_o):
    D = mean_hbm.shape[1]
    B = z_hbm.shape[0]
    n_chunks = idx_v.shape[0]
    wid = lax.axis_index("s") * NC + lax.axis_index("c")
    row0 = wid * n_chunks
    pltpu.sync_copy(idx_hbm.at[pl.ds(row0, n_chunks)], idx_v)
    iot = lax.broadcasted_iota(jnp.int32, (LANES,), 0)

    for c in range(n_chunks):
        base = (row0 + c) * CH
        g_mu = pltpu.async_copy(mean_hbm.at[idx_v.at[c]], mu_v, sem_mu)
        g_lv = pltpu.async_copy(logvar_hbm.at[idx_v.at[c]], lv_v, sem_lv)
        g_z = pltpu.async_copy(z_hbm.at[pl.ds(base, CH)], z_v, sem_z)
        g_mu.wait()
        g_lv.wait()
        g_z.wait()

        def row_body(r, carry):
            for k in range(D // LANES):
                sl = pl.ds(k * LANES, LANES)
                z_v[r, sl] = mu_v[r, sl] + jnp.exp(lv_v[r, sl] * 0.5) * z_v[r, sl]
            return carry

        lax.fori_loop(0, CH, row_body, 0)

        def tr_body(f, carry):
            f_idx = jnp.broadcast_to(f, (LANES,))
            for j in range(CH // LANES):
                e_idx = iot + j * LANES
                sl = pl.ds(j * LANES, LANES)
                t_v[f, sl] = plsc.load_gather(z_v, [e_idx, f_idx])
                t_mu[f, sl] = plsc.load_gather(mu_v, [e_idx, f_idx])
                t_lv[f, sl] = plsc.load_gather(lv_v, [e_idx, f_idx])
            return carry

        lax.fori_loop(0, D, tr_body, 0)

        def wr_body(f, carry):
            osl = pl.ds(f * B + base, CH)
            pltpu.async_copy(t_v.at[f], v_hbm.at[osl], sem_o)
            pltpu.async_copy(t_mu.at[f], mu_hbm.at[osl], sem_o)
            pltpu.async_copy(t_lv.at[f], lv_hbm.at[osl], sem_o)
            return carry

        lax.fori_loop(0, D, wr_body, 0)

        def wr_drain(f, carry):
            sl0 = pl.ds(0, CH)
            pltpu.make_async_copy(t_v.at[0], v_hbm.at[sl0], sem_o).wait()
            pltpu.make_async_copy(t_mu.at[0], mu_hbm.at[sl0], sem_o).wait()
            pltpu.make_async_copy(t_lv.at[0], lv_hbm.at[sl0], sem_o).wait()
            return carry

        lax.fori_loop(0, D, wr_drain, 0)


@jax.jit
def _sc_embed(i2, z2, mean2, logvar2):
    B, D = z2.shape
    n_chunks = B // (NW * CH)
    run = functools.partial(
        pl.kernel,
        out_type=[jax.ShapeDtypeStruct((D * B,), jnp.float32)] * 3,
        mesh=plsc.VectorSubcoreMesh(core_axis_name="c", subcore_axis_name="s"),
        scratch_types=[
            pltpu.VMEM((n_chunks, CH), jnp.int32),
            pltpu.VMEM((CH, D), jnp.float32),
            pltpu.VMEM((CH, D), jnp.float32),
            pltpu.VMEM((CH, D), jnp.float32),
            pltpu.VMEM((D, CH), jnp.float32),
            pltpu.VMEM((D, CH), jnp.float32),
            pltpu.VMEM((D, CH), jnp.float32),
            pltpu.SemaphoreType.DMA,
            pltpu.SemaphoreType.DMA,
            pltpu.SemaphoreType.DMA,
            pltpu.SemaphoreType.DMA,
        ],
        compiler_params=pltpu.CompilerParams(
            use_tc_tiling_on_sc=False, needs_layout_passes=False),
    )(_body)
    return run(i2, z2, mean2, logvar2)


def kernel(i, z, mean, logvar):
    B, W, L = z.shape
    N = mean.shape[0]
    D = W * L
    v1, mu1, lv1 = _sc_embed(
        i.astype(jnp.int32).reshape(B // CH, CH),
        z.reshape(B, D),
        mean.reshape(N, D),
        logvar.reshape(N, D),
    )

    def back(t):
        return t.reshape(W, L, B).transpose(2, 0, 1)

    return (back(v1), back(mu1), back(lv1))

# --- scband reference (transcript-rebuilt; emitter-appended) ---
"""Pipeline reference for scband-embedding-64819646431449 (READ-ONLY COPY).

The authoritative reference and input builder live on the scoring server;
editing this copy changes nothing except your own understanding.
"""

import jax, jax.numpy as jnp
import numpy as np

N_CLASSES = 1000000
WIN = 3
LATENT = 32
BATCH = 16384


def setup_inputs(seed: int = 0) -> dict:
    key = jax.random.key(seed)
    k1, k2, k3, k4 = jax.random.split(key, 4)
    i = jax.random.randint(k1, (BATCH,), 0, N_CLASSES + 1)
    mean = jax.random.normal(k2, (N_CLASSES + 1, WIN, LATENT), dtype=jnp.float32)
    logvar = jax.random.normal(k3, (N_CLASSES + 1, WIN, LATENT), dtype=jnp.float32)
    z = jax.random.normal(k4, (BATCH, WIN, LATENT), dtype=jnp.float32)
    return {"i": i, "z": z, "mean": mean, "logvar": logvar}


def reference(i, z, mean, logvar):
    # stack_indices(arr, idxs) == arr[idxs] -> gather along axis 0
    mu = jnp.take(mean, i, axis=0)
    lv = jnp.take(logvar, i, axis=0)
    std = jnp.exp(0.5 * lv)
    v = mu + std * z
    return (v, mu, lv)

if __name__ == "__main__":
    import jax
    _d = setup_inputs()
    print(jax.jit(kernel)(*tuple(_d.values())))

</pallas_src>

<mosaic_0001>
#map = affine_map<(d0, d1) -> (0, 0)>
#map1 = affine_map<(d0, d1) -> (0)>
module attributes {stable_mosaic.version = 14 : i64} {
  func.func @_body(%arg0: i32, %arg1: i32, %arg2: memref<128x128xi32, #tpu.memory_space<hbm>>, %arg3: memref<16384x96xf32, #tpu.memory_space<hbm>>, %arg4: memref<1000001x96xf32, #tpu.memory_space<hbm>>, %arg5: memref<1000001x96xf32, #tpu.memory_space<hbm>>, %arg6: memref<1572864xf32, #tpu.memory_space<hbm>>, %arg7: memref<1572864xf32, #tpu.memory_space<hbm>>, %arg8: memref<1572864xf32, #tpu.memory_space<hbm>>, %arg9: memref<4x128xi32, #tpu.memory_space<vmem>>, %arg10: memref<128x96xf32, #tpu.memory_space<vmem>>, %arg11: memref<128x96xf32, #tpu.memory_space<vmem>>, %arg12: memref<128x96xf32, #tpu.memory_space<vmem>>, %arg13: memref<96x128xf32, #tpu.memory_space<vmem>>, %arg14: memref<96x128xf32, #tpu.memory_space<vmem>>, %arg15: memref<96x128xf32, #tpu.memory_space<vmem>>, %arg16: memref<!tpu.dma_semaphore, #tpu.memory_space<semaphore_mem>>, %arg17: memref<!tpu.dma_semaphore, #tpu.memory_space<semaphore_mem>>, %arg18: memref<!tpu.dma_semaphore, #tpu.memory_space<semaphore_mem>>, %arg19: memref<!tpu.dma_semaphore, #tpu.memory_space<semaphore_mem>>) attributes {dimension_semantics = [#tpu.dimension_semantics<core_parallel>, #tpu.dimension_semantics<subcore_parallel>], iteration_bounds = array<i64: 2, 16>, scalar_prefetch = 0 : i64, scratch_operands = 11 : i64, tpu.core_type = #tpu.core_type<sc_vector_subcore>, window_params = [{transform_indices = #map}, {transform_indices = #map}, {transform_indices = #map}, {transform_indices = #map}, {transform_indices = #map1}, {transform_indices = #map1}, {transform_indices = #map1}]} {
    %mul3A = arith.constant 2 : i32
    %mul3A_0 = arith.muli %arg1, %mul3A : i32
    %add3A = arith.addi %mul3A_0, %arg0 : i32
    %mul3A_1 = arith.constant 4 : i32
    %mul3A_2 = arith.muli %add3A, %mul3A_1 : i32
    "tpu.region"() ({
      %run_scoped3A = tpu.sem_alloc : memref<!tpu.dma_semaphore, #tpu.memory_space<semaphore_mem>>
      %dma_start3A_256 = arith.constant 0 : i32
      %dma_start3A_257 = tpu.memref_slice %arg2[%mul3A_2, %dma_start3A_256] : memref<128x128xi32, #tpu.memory_space<hbm>> -> memref<4x128xi32, #tpu.memory_space<hbm>>
      %dma_start3A_258 = arith.constant 0 : i32
      %dma_start3A_259 = tpu.memref_slice %arg2[%mul3A_2, %dma_start3A_258] : memref<128x128xi32, #tpu.memory_space<hbm>> -> memref<4x128xi32, #tpu.memory_space<hbm>>
      tpu.enqueue_dma source(%dma_start3A_259 : memref<4x128xi32, #tpu.memory_space<hbm>>) target(%arg9 : memref<4x128xi32, #tpu.memory_space<vmem>>) target_semaphore(%run_scoped3A : memref<!tpu.dma_semaphore, #tpu.memory_space<semaphore_mem>>)
      %dma_wait3A_260 = arith.constant 0 : i32
      %dma_wait3A_261 = tpu.memref_slice %arg2[%mul3A_2, %dma_wait3A_260] : memref<128x128xi32, #tpu.memory_space<hbm>> -> memref<4x128xi32, #tpu.memory_space<hbm>>
      %dma_wait3A_262 = arith.constant 0 : i32
      %dma_wait3A_263 = tpu.memref_slice %arg2[%mul3A_2, %dma_wait3A_262] : memref<128x128xi32, #tpu.memory_space<hbm>> -> memref<4x128xi32, #tpu.memory_space<hbm>>
      tpu.wait_dma2 semaphore(%run_scoped3A : memref<!tpu.dma_semaphore, #tpu.memory_space<semaphore_mem>>) src(%dma_wait3A_263 : memref<4x128xi32, #tpu.memory_space<hbm>>) dst(%arg9 : memref<4x128xi32, #tpu.memory_space<vmem>>)
      tpu.yield
    }) : () -> ()
    %iota3A = tpu.iota {dimensions = array<i32: 0>} : vector<16xi32>
    %add3A_3 = arith.constant 0 : i32
    %add3A_4 = arith.addi %mul3A_2, %add3A_3 : i32
    %mul3A_5 = arith.constant 128 : i32
    %mul3A_6 = arith.muli %add3A_4, %mul3A_5 : i32
    %dma_start3A = arith.constant 0 : i32
    %dma_start3A_7 = arith.constant 0 : i32
    %dma_start3A_8 = tpu.memref_slice %arg9[%dma_start3A, %dma_start3A_7] : memref<4x128xi32, #tpu.memory_space<vmem>> -> memref<1x128xi32, #tpu.memory_space<vmem>>
    %dma_start3A_9 = tpu.memref_squeeze %dma_start3A_8 : memref<1x128xi32, #tpu.memory_space<vmem>> -> memref<128xi32, #tpu.memory_space<vmem>>
    %dma_start3A_10 = arith.constant 0 : i32
    %dma_start3A_11 = arith.constant 0 : i32
    %dma_start3A_12 = tpu.memref_slice %arg4[%dma_start3A_10, %dma_start3A_11] : memref<1000001x96xf32, #tpu.memory_space<hbm>> -> memref<1000001x96xf32, #tpu.memory_space<hbm>>
    tpu.enqueue_indirect_dma source(%dma_start3A_12 : memref<1000001x96xf32, #tpu.memory_space<hbm>>) target(%arg10 : memref<128x96xf32, #tpu.memory_space<vmem>>) offsets(%dma_start3A_9 : memref<128xi32, #tpu.memory_space<vmem>>) semaphore(%arg16 : memref<!tpu.dma_semaphore, #tpu.memory_space<semaphore_mem>>)
    %dma_start3A_13 = arith.constant 0 : i32
    %dma_start3A_14 = arith.constant 0 : i32
    %dma_start3A_15 = tpu.memref_slice %arg9[%dma_start3A_13, %dma_start3A_14] : memref<4x128xi32, #tpu.memory_space<vmem>> -> memref<1x128xi32, #tpu.memory_space<vmem>>
    %dma_start3A_16 = tpu.memref_squeeze %dma_start3A_15 : memref<1x128xi32, #tpu.memory_space<vmem>> -> memref<128xi32, #tpu.memory_space<vmem>>
    %dma_start3A_17 = arith.constant 0 : i32
    %dma_start3A_18 = arith.constant 0 : i32
    %dma_start3A_19 = tpu.memref_slice %arg5[%dma_start3A_17, %dma_start3A_18] : memref<1000001x96xf32, #tpu.memory_space<hbm>> -> memref<1000001x96xf32, #tpu.memory_space<hbm>>
    tpu.enqueue_indirect_dma source(%dma_start3A_19 : memref<1000001x96xf32, #tpu.memory_space<hbm>>) target(%arg11 : memref<128x96xf32, #tpu.memory_space<vmem>>) offsets(%dma_start3A_16 : memref<128xi32, #tpu.memory_space<vmem>>) semaphore(%arg17 : memref<!tpu.dma_semaphore, #tpu.memory_space<semaphore_mem>>)
    %dma_start3A_20 = arith.constant 0 : i32
    %dma_start3A_21 = tpu.memref_slice %arg3[%mul3A_6, %dma_start3A_20] : memref<16384x96xf32, #tpu.memory_space<hbm>> -> memref<128x96xf32, #tpu.memory_space<hbm>>
    %dma_start3A_22 = arith.constant 0 : i32
    %dma_start3A_23 = tpu.memref_slice %arg3[%mul3A_6, %dma_start3A_22] : memref<16384x96xf32, #tpu.memory_space<hbm>> -> memref<128x96xf32, #tpu.memory_space<hbm>>
    tpu.enqueue_dma source(%dma_start3A_23 : memref<128x96xf32, #tpu.memory_space<hbm>>) target(%arg12 : memref<128x96xf32, #tpu.memory_space<vmem>>) target_semaphore(%arg18 : memref<!tpu.dma_semaphore, #tpu.memory_space<semaphore_mem>>)
    %dma_wait3A = arith.constant 0 : i32
    %dma_wait3A_24 = arith.constant 0 : i32
    %dma_wait3A_25 = tpu.memref_slice %arg9[%dma_wait3A, %dma_wait3A_24] : memref<4x128xi32, #tpu.memory_space<vmem>> -> memref<1x128xi32, #tpu.memory_space<vmem>>
    %dma_wait3A_26 = tpu.memref_squeeze %dma_wait3A_25 : memref<1x128xi32, #tpu.memory_space<vmem>> -> memref<128xi32, #tpu.memory_space<vmem>>
    %dma_wait3A_27 = arith.constant 0 : i32
    %dma_wait3A_28 = arith.constant 0 : i32
    %dma_wait3A_29 = tpu.memref_slice %arg4[%dma_wait3A_27, %dma_wait3A_28] : memref<1000001x96xf32, #tpu.memory_space<hbm>> -> memref<1000001x96xf32, #tpu.memory_space<hbm>>
    tpu.wait_indirect_dma semaphore(%arg16 : memref<!tpu.dma_semaphore, #tpu.memory_space<semaphore_mem>>) src(%dma_wait3A_29 : memref<1000001x96xf32, #tpu.memory_space<hbm>>) dst(%arg10 : memref<128x96xf32, #tpu.memory_space<vmem>>)
    %dma_wait3A_30 = arith.constant 0 : i32
    %dma_wait3A_31 = arith.constant 0 : i32
    %dma_wait3A_32 = tpu.memref_slice %arg9[%dma_wait3A_30, %dma_wait3A_31] : memref<4x128xi32, #tpu.memory_space<vmem>> -> memref<1x128xi32, #tpu.memory_space<vmem>>
    %dma_wait3A_33 = tpu.memref_squeeze %dma_wait3A_32 : memref<1x128xi32, #tpu.memory_space<vmem>> -> memref<128xi32, #tpu.memory_space<vmem>>
    %dma_wait3A_34 = arith.constant 0 : i32
    %dma_wait3A_35 = arith.constant 0 : i32
    %dma_wait3A_36 = tpu.memref_slice %arg5[%dma_wait3A_34, %dma_wait3A_35] : memref<1000001x96xf32, #tpu.memory_space<hbm>> -> memref<1000001x96xf32, #tpu.memory_space<hbm>>
    tpu.wait_indirect_dma semaphore(%arg17 : memref<!tpu.dma_semaphore, #tpu.memory_space<semaphore_mem>>) src(%dma_wait3A_36 : memref<1000001x96xf32, #tpu.memory_space<hbm>>) dst(%arg11 : memref<128x96xf32, #tpu.memory_space<vmem>>)
    %dma_wait3A_37 = arith.constant 0 : i32
    %dma_wait3A_38 = tpu.memref_slice %arg3[%mul3A_6, %dma_wait3A_37] : memref<16384x96xf32, #tpu.memory_space<hbm>> -> memref<128x96xf32, #tpu.memory_space<hbm>>
    %dma_wait3A_39 = arith.constant 0 : i32
    %dma_wait3A_40 = tpu.memref_slice %arg3[%mul3A_6, %dma_wait3A_39] : memref<16384x96xf32, #tpu.memory_space<hbm>> -> memref<128x96xf32, #tpu.memory_space<hbm>>
    tpu.wait_dma2 semaphore(%arg18 : memref<!tpu.dma_semaphore, #tpu.memory_space<semaphore_mem>>) src(%dma_wait3A_40 : memref<128x96xf32, #tpu.memory_space<hbm>>) dst(%arg12 : memref<128x96xf32, #tpu.memory_space<vmem>>)
    %scan3A = arith.constant 0 : i32
    %scan3A_41 = arith.constant 0 : i32
    %scan3A_42 = arith.constant 128 : i32
    %scan3A_43 = arith.addi %scan3A_41, %scan3A_42 : i32
    %scan3A_44 = arith.constant 1 : i32
    scf.for %scan3A_256 = %scan3A_41 to %scan3A_43 step %scan3A_44  : i32 {
      %get3A = arith.index_cast %scan3A_256 : i32 to index
      %get3A_257 = arith.constant 0 : index
      %get3A_258 = tpu.vector_load %arg10[%get3A, %get3A_257] {strides = array<i32>} : memref<128x96xf32, #tpu.memory_space<vmem>>, vector<16xf32>,
      %get3A_259 = arith.index_cast %scan3A_256 : i32 to index
      %get3A_260 = arith.constant 0 : index
      %get3A_261 = tpu.vector_load %arg11[%get3A_259, %get3A_260] {strides = array<i32>} : memref<128x96xf32, #tpu.memory_space<vmem>>, vector<16xf32>,
      %mul3A_262 = arith.constant 5.000000e-01 : f32
      %mul3A_263 = vector.broadcast %mul3A_262 : f32 to vector<16xf32>
      %mul3A_264 = arith.mulf %get3A_261, %mul3A_263 : vector<16xf32>
      %exp3A = math.exp %mul3A_264 : vector<16xf32>
      %get3A_265 = arith.index_cast %scan3A_256 : i32 to index
      %get3A_266 = arith.constant 0 : index
      %get3A_267 = tpu.vector_load %arg12[%get3A_265, %get3A_266] {strides = array<i32>} : memref<128x96xf32, #tpu.memory_space<vmem>>, vector<16xf32>,
      %mul3A_268 = arith.mulf %exp3A, %get3A_267 : vector<16xf32>
      %add3A_269 = arith.addf %get3A_258, %mul3A_268 : vector<16xf32>
      %swap3A = arith.index_cast %scan3A_256 : i32 to index
      %swap3A_270 = arith.constant 0 : index
      %swap3A_271 = tpu.vector_load %arg12[%swap3A, %swap3A_270] {strides = array<i32>} : memref<128x96xf32, #tpu.memory_space<vmem>>, vector<16xf32>,
      tpu.vector_store %arg12[%swap3A, %swap3A_270], %add3A_269 {strides = array<i32>} : memref<128x96xf32, #tpu.memory_space<vmem>>, vector<16xf32>,
      %get3A_272 = arith.index_cast %scan3A_256 : i32 to index
      %get3A_273 = arith.constant 16 : index
      %get3A_274 = tpu.vector_load %arg10[%get3A_272, %get3A_273] {strides = array<i32>} : memref<128x96xf32, #tpu.memory_space<vmem>>, vector<16xf32>,
      %get3A_275 = arith.index_cast %scan3A_256 : i32 to index
      %get3A_276 = arith.constant 16 : index
      %get3A_277 = tpu.vector_load %arg11[%get3A_275, %get3A_276] {strides = array<i32>} : memref<128x96xf32, #tpu.memory_space<vmem>>, vector<16xf32>,
      %mul3A_278 = arith.constant 5.000000e-01 : f32
      %mul3A_279 = vector.broadcast %mul3A_278 : f32 to vector<16xf32>
      %mul3A_280 = arith.mulf %get3A_277, %mul3A_279 : vector<16xf32>
      %exp3A_281 = math.exp %mul3A_280 : vector<16xf32>
      %get3A_282 = arith.index_cast %scan3A_256 : i32 to index
      %get3A_283 = arith.constant 16 : index
      %get3A_284 = tpu.vector_load %arg12[%get3A_282, %get3A_283] {strides = array<i32>} : memref<128x96xf32, #tpu.memory_space<vmem>>, vector<16xf32>,
      %mul3A_285 = arith.mulf %exp3A_281, %get3A_284 : vector<16xf32>
      %add3A_286 = arith.addf %get3A_274, %mul3A_285 : vector<16xf32>
      %swap3A_287 = arith.index_cast %scan3A_256 : i32 to index
      %swap3A_288 = arith.constant 16 : index
      %swap3A_289 = tpu.vector_load %arg12[%swap3A_287, %swap3A_288] {strides = array<i32>} : memref<128x96xf32, #tpu.memory_space<vmem>>, vector<16xf32>,
      tpu.vector_store %arg12[%swap3A_287, %swap3A_288], %add3A_286 {strides = array<i32>} : memref<128x96xf32, #tpu.memory_space<vmem>>, vector<16xf32>,
      %get3A_290 = arith.index_cast %scan3A_256 : i32 to index
      %get3A_291 = arith.constant 32 : index
      %get3A_292 = tpu.vector_load %arg10[%get3A_290, %get3A_291] {strides = array<i32>} : memref<128x96xf32, #tpu.memory_space<vmem>>, vector<16xf32>,
      %get3A_293 = arith.index_cast %scan3A_256 : i32 to index
      %get3A_294 = arith.constant 32 : index
      %get3A_295 = tpu.vector_load %arg11[%get3A_293, %get3A_294] {strides = array<i32>} : memref<128x96xf32, #tpu.memory_space<vmem>>, vector<16xf32>,
      %mul3A_296 = arith.constant 5.000000e-01 : f32
      %mul3A_297 = vector.broadcast %mul3A_296 : f32 to vector<16xf32>
      %mul3A_298 = arith.mulf %get3A_295, %mul3A_297 : vector<16xf32>
      %exp3A_299 = math.exp %mul3A_298 : vector<16xf32>
      %get3A_300 = arith.index_cast %scan3A_256 : i32 to index
      %get3A_301 = arith.constant 32 : index
      %get3A_302 = tpu.vector_load %arg12[%get3A_300, %get3A_301] {strides = array<i32>} : memref<128x96xf32, #tpu.memory_space<vmem>>, vector<16xf32>,
      %mul3A_303 = arith.mulf %exp3A_299, %get3A_302 : vector<16xf32>
      %add3A_304 = arith.addf %get3A_292, %mul3A_303 : vector<16xf32>
      %swap3A_305 = arith.index_cast %scan3A_256 : i32 to index
      %swap3A_306 = arith.constant 32 : index
      %swap3A_307 = tpu.vector_load %arg12[%swap3A_305, %swap3A_306] {strides = array<i32>} : memref<128x96xf32, #tpu.memory_space<vmem>>, vector<16xf32>,
      tpu.vector_store %arg12[%swap3A_305, %swap3A_306], %add3A_304 {strides = array<i32>} : memref<128x96xf32, #tpu.memory_space<vmem>>, vector<16xf32>,
      %get3A_308 = arith.index_cast %scan3A_256 : i32 to index
      %get3A_309 = arith.constant 48 : index
      %get3A_310 = tpu.vector_load %arg10[%get3A_308, %get3A_309] {strides = array<i32>} : memref<128x96xf32, #tpu.memory_space<vmem>>, vector<16xf32>,
      %get3A_311 = arith.index_cast %scan3A_256 : i32 to index
      %get3A_312 = arith.constant 48 : index
      %get3A_313 = tpu.vector_load %arg11[%get3A_311, %get3A_312] {strides = array<i32>} : memref<128x96xf32, #tpu.memory_space<vmem>>, vector<16xf32>,
      %mul3A_314 = arith.constant 5.000000e-01 : f32
      %mul3A_315 = vector.broadcast %mul3A_314 : f32 to vector<16xf32>
      %mul3A_316 = arith.mulf %get3A_313, %mul3A_315 : vector<16xf32>
      %exp3A_317 = math.exp %mul3A_316 : vector<16xf32>
      %get3A_318 = arith.index_cast %scan3A_256 : i32 to index
      %get3A_319 = arith.constant 48 : index
      %get3A_320 = tpu.vector_load %arg12[%get3A_318, %get3A_319] {strides = array<i32>} : memref<128x96xf32, #tpu.memory_space<vmem>>, vector<16xf32>,
      %mul3A_321 = arith.mulf %exp3A_317, %get3A_320 : vector<16xf32>
      %add3A_322 = arith.addf %get3A_310, %mul3A_321 : vector<16xf32>
      %swap3A_323 = arith.index_cast %scan3A_256 : i32 to index
      %swap3A_324 = arith.constant 48 : index
      %swap3A_325 = tpu.vector_load %arg12[%swap3A_323, %swap3A_324] {strides = array<i32>} : memref<128x96xf32, #tpu.memory_space<vmem>>, vector<16xf32>,
      tpu.vector_store %arg12[%swap3A_323, %swap3A_324], %add3A_322 {strides = array<i32>} : memref<128x96xf32, #tpu.memory_space<vmem>>, vector<16xf32>,
      %get3A_326 = arith.index_cast %scan3A_256 : i32 to index
      %get3A_327 = arith.constant 64 : index
      %get3A_328 = tpu.vector_load %arg10[%get3A_326, %get3A_327] {strides = array<i32>} : memref<128x96xf32, #tpu.memory_space<vmem>>, vector<16xf32>,
      %get3A_329 = arith.index_cast %scan3A_256 : i32 to index
      %get3A_330 = arith.constant 64 : index
      %get3A_331 = tpu.vector_load %arg11[%get3A_329, %get3A_330] {strides = array<i32>} : memref<128x96xf32, #tpu.memory_space<vmem>>, vector<16xf32>,
      %mul3A_332 = arith.constant 5.000000e-01 : f32
      %mul3A_333 = vector.broadcast %mul3A_332 : f32 to vector<16xf32>
      %mul3A_334 = arith.mulf %get3A_331, %mul3A_333 : vector<16xf32>
      %exp3A_335 = math.exp %mul3A_334 : vector<16xf32>
      %get3A_336 = arith.index_cast %scan3A_256 : i32 to index
      %get3A_337 = arith.constant 64 : index
      %get3A_338 = tpu.vector_load %arg12[%get3A_336, %get3A_337] {strides = array<i32>} : memref<128x96xf32, #tpu.memory_space<vmem>>, vector<16xf32>,
      %mul3A_339 = arith.mulf %exp3A_335, %get3A_338 : vector<16xf32>
      %add3A_340 = arith.addf %get3A_328, %mul3A_339 : vector<16xf32>
      %swap3A_341 = arith.index_cast %scan3A_256 : i32 to index
      %swap3A_342 = arith.constant 64 : index
      %swap3A_343 = tpu.vector_load %arg12[%swap3A_341, %swap3A_342] {strides = array<i32>} : memref<128x96xf32, #tpu.memory_space<vmem>>, vector<16xf32>,
      tpu.vector_store %arg12[%swap3A_341, %swap3A_342], %add3A_340 {strides = array<i32>} : memref<128x96xf32, #tpu.memory_space<vmem>>, vector<16xf32>,
      %get3A_344 = arith.index_cast %scan3A_256 : i32 to index
      %get3A_345 = arith.constant 80 : index
      %get3A_346 = tpu.vector_load %arg10[%get3A_344, %get3A_345] {strides = array<i32>} : memref<128x96xf32, #tpu.memory_space<vmem>>, vector<16xf32>,
      %get3A_347 = arith.index_cast %scan3A_256 : i32 to index
      %get3A_348 = arith.constant 80 : index
      %get3A_349 = tpu.vector_load %arg11[%get3A_347, %get3A_348] {strides = array<i32>} : memref<128x96xf32, #tpu.memory_space<vmem>>, vector<16xf32>,
      %mul3A_350 = arith.constant 5.000000e-01 : f32
      %mul3A_351 = vector.broadcast %mul3A_350 : f32 to vector<16xf32>
      %mul3A_352 = arith.mulf %get3A_349, %mul3A_351 : vector<16xf32>
      %exp3A_353 = math.exp %mul3A_352 : vector<16xf32>
      %get3A_354 = arith.index_cast %scan3A_256 : i32 to index
      %get3A_355 = arith.constant 80 : index
      %get3A_356 = tpu.vector_load %arg12[%get3A_354, %get3A_355] {strides = array<i32>} : memref<128x96xf32, #tpu.memory_space<vmem>>, vector<16xf32>,
      %mul3A_357 = arith.mulf %exp3A_353, %get3A_356 : vector<16xf32>
      %add3A_358 = arith.addf %get3A_346, %mul3A_357 : vector<16xf32>
      %swap3A_359 = arith.index_cast %scan3A_256 : i32 to index
      %swap3A_360 = arith.constant 80 : index
      %swap3A_361 = tpu.vector_load %arg12[%swap3A_359, %swap3A_360] {strides = array<i32>} : memref<128x96xf32, #tpu.memory_space<vmem>>, vector<16xf32>,
      tpu.vector_store %arg12[%swap3A_359, %swap3A_360], %add3A_358 {strides = array<i32>} : memref<128x96xf32, #tpu.memory_space<vmem>>, vector<16xf32>,
    }
    %scan3A_45 = arith.constant 128 : i32
    %scan3A_46 = arith.constant 0 : i32
    %scan3A_47 = arith.constant 0 : i32
    %scan3A_48 = arith.constant 96 : i32
    %scan3A_49 = arith.addi %scan3A_47, %scan3A_48 : i32
    %scan3A_50 = arith.constant 1 : i32
    scf.for %scan3A_256 = %scan3A_47 to %scan3A_49 step %scan3A_50  : i32 {
      %broadcast_in_dim3A = vector.broadcast %scan3A_256 : i32 to vector<16xi32>
      %add3A_257 = arith.constant 0 : i32
      %add3A_258 = vector.broadcast %add3A_257 : i32 to vector<16xi32>
      %add3A_259 = arith.addi %iota3A, %add3A_258 : vector<16xi32>
      %gather3A = tpu.vector_load_idx %arg12[%add3A_259, %broadcast_in_dim3A] : memref<128x96xf32, #tpu.memory_space<vmem>>[vector<16xi32>, vector<16xi32>], vector<16xf32>,
      %swap3A = arith.index_cast %scan3A_256 : i32 to index
      %swap3A_260 = arith.constant 0 : index
      %swap3A_261 = tpu.vector_load %arg13[%swap3A, %swap3A_260] {strides = array<i32>} : memref<96x128xf32, #tpu.memory_space<vmem>>, vector<16xf32>,
      tpu.vector_store %arg13[%swap3A, %swap3A_260], %gather3A {strides = array<i32>} : memref<96x128xf32, #tpu.memory_space<vmem>>, vector<16xf32>,
      %gather3A_262 = tpu.vector_load_idx %arg10[%add3A_259, %broadcast_in_dim3A] : memref<128x96xf32, #tpu.memory_space<vmem>>[vector<16xi32>, vector<16xi32>], vector<16xf32>,
      %swap3A_263 = arith.index_cast %scan3A_256 : i32 to index
      %swap3A_264 = arith.constant 0 : index
      %swap3A_265 = tpu.vector_load %arg14[%swap3A_263, %swap3A_264] {strides = array<i32>} : memref<96x128xf32, #tpu.memory_space<vmem>>, vector<16xf32>,
      tpu.vector_store %arg14[%swap3A_263, %swap3A_264], %gather3A_262 {strides = array<i32>} : memref<96x128xf32, #tpu.memory_space<vmem>>, vector<16xf32>,
      %gather3A_266 = tpu.vector_load_idx %arg11[%add3A_259, %broadcast_in_dim3A] : memref<128x96xf32, #tpu.memory_space<vmem>>[vector<16xi32>, vector<16xi32>], vector<16xf32>,
      %swap3A_267 = arith.index_cast %scan3A_256 : i32 to index
      %swap3A_268 = arith.constant 0 : index
      %swap3A_269 = tpu.vector_load %arg15[%swap3A_267, %swap3A_268] {strides = array<i32>} : memref<96x128xf32, #tpu.memory_space<vmem>>, vector<16xf32>,
      tpu.vector_store %arg15[%swap3A_267, %swap3A_268], %gather3A_266 {strides = array<i32>} : memref<96x128xf32, #tpu.memory_space<vmem>>, vector<16xf32>,
      %add3A_270 = arith.constant 16 : i32
      %add3A_271 = vector.broadcast %add3A_270 : i32 to vector<16xi32>
      %add3A_272 = arith.addi %iota3A, %add3A_271 : vector<16xi32>
      %gather3A_273 = tpu.vector_load_idx %arg12[%add3A_272, %broadcast_in_dim3A] : memref<128x96xf32, #tpu.memory_space<vmem>>[vector<16xi32>, vector<16xi32>], vector<16xf32>,
      %swap3A_274 = arith.index_cast %scan3A_256 : i32 to index
      %swap3A_275 = arith.constant 16 : index
      %swap3A_276 = tpu.vector_load %arg13[%swap3A_274, %swap3A_275] {strides = array<i32>} : memref<96x128xf32, #tpu.memory_space<vmem>>, vector<16xf32>,
      tpu.vector_store %arg13[%swap3A_274, %swap3A_275], %gather3A_273 {strides = array<i32>} : memref<96x128xf32, #tpu.memory_space<vmem>>, vector<16xf32>,
      %gather3A_277 = tpu.vector_load_idx %arg10[%add3A_272, %broadcast_in_dim3A] : memref<128x96xf32, #tpu.memory_space<vmem>>[vector<16xi32>, vector<16xi32>], vector<16xf32>,
      %swap3A_278 = arith.index_cast %scan3A_256 : i32 to index
      %swap3A_279 = arith.constant 16 : index
      %swap3A_280 = tpu.vector_load %arg14[%swap3A_278, %swap3A_279] {strides = array<i32>} : memref<96x128xf32, #tpu.memory_space<vmem>>, vector<16xf32>,
      tpu.vector_store %arg14[%swap3A_278, %swap3A_279], %gather3A_277 {strides = array<i32>} : memref<96x128xf32, #tpu.memory_space<vmem>>, vector<16xf32>,
      %gather3A_281 = tpu.vector_load_idx %arg11[%add3A_272, %broadcast_in_dim3A] : memref<128x96xf32, #tpu.memory_space<vmem>>[vector<16xi32>, vector<16xi32>], vector<16xf32>,
      %swap3A_282 = arith.index_cast %scan3A_256 : i32 to index
      %swap3A_283 = arith.constant 16 : index
      %swap3A_284 = tpu.vector_load %arg15[%swap3A_282, %swap3A_283] {strides = array<i32>} : memref<96x128xf32, #tpu.memory_space<vmem>>, vector<16xf32>,
      tpu.vector_store %arg15[%swap3A_282, %swap3A_283], %gather3A_281 {strides = array<i32>} : memref<96x128xf32, #tpu.memory_space<vmem>>, vector<16xf32>,
      %add3A_285 = arith.constant 32 : i32
      %add3A_286 = vector.broadcast %add3A_285 : i32 to vector<16xi32>
      %add3A_287 = arith.addi %iota3A, %add3A_286 : vector<16xi32>
      %gather3A_288 = tpu.vector_load_idx %arg12[%add3A_287, %broadcast_in_dim3A] : memref<128x96xf32, #tpu.memory_space<vmem>>[vector<16xi32>, vector<16xi32>], vector<16xf32>,
      %swap3A_289 = arith.index_cast %scan3A_256 : i32 to index
      %swap3A_290 = arith.constant 32 : index
      %swap3A_291 = tpu.vector_load %arg13[%swap3A_289, %swap3A_290] {strides = array<i32>} : memref<96x128xf32, #tpu.memory_space<vmem>>, vector<16xf32>,
      tpu.vector_store %arg13[%swap3A_289, %swap3A_290], %gather3A_288 {strides = array<i32>} : memref<96x128xf32, #tpu.memory_space<vmem>>, vector<16xf32>,
      %gather3A_292 = tpu.vector_load_idx %arg10[%add3A_287, %broadcast_in_dim3A] : memref<128x96xf32, #tpu.memory_space<vmem>>[vector<16xi32>, vector<16xi32>], vector<16xf32>,
      %swap3A_293 = arith.index_cast %scan3A_256 : i32 to index
      %swap3A_294 = arith.constant 32 : index
      %swap3A_295 = tpu.vector_load %arg14[%swap3A_293, %swap3A_294] {strides = array<i32>} : memref<96x128xf32, #tpu.memory_space<vmem>>, vector<16xf32>,
      tpu.vector_store %arg14[%swap3A_293, %swap3A_294], %gather3A_292 {strides = array<i32>} : memref<96x128xf32, #tpu.memory_space<vmem>>, vector<16xf32>,
      %gather3A_296 = tpu.vector_load_idx %arg11[%add3A_287, %broadcast_in_dim3A] : memref<128x96xf32, #tpu.memory_space<vmem>>[vector<16xi32>, vector<16xi32>], vector<16xf32>,
      %swap3A_297 = arith.index_cast %scan3A_256 : i32 to index
      %swap3A_298 = arith.constant 32 : index
      %swap3A_299 = tpu.vector_load %arg15[%swap3A_297, %swap3A_298] {strides = array<i32>} : memref<96x128xf32, #tpu.memory_space<vmem>>, vector<16xf32>,
      tpu.vector_store %arg15[%swap3A_297, %swap3A_298], %gather3A_296 {strides = array<i32>} : memref<96x128xf32, #tpu.memory_space<vmem>>, vector<16xf32>,
      %add3A_300 = arith.constant 48 : i32
      %add3A_301 = vector.broadcast %add3A_300 : i32 to vector<16xi32>
      %add3A_302 = arith.addi %iota3A, %add3A_301 : vector<16xi32>
      %gather3A_303 = tpu.vector_load_idx %arg12[%add3A_302, %broadcast_in_dim3A] : memref<128x96xf32, #tpu.memory_space<vmem>>[vector<16xi32>, vector<16xi32>], vector<16xf32>,
      %swap3A_304 = arith.index_cast %scan3A_256 : i32 to index
      %swap3A_305 = arith.constant 48 : index
      %swap3A_306 = tpu.vector_load %arg13[%swap3A_304, %swap3A_305] {strides = array<i32>} : memref<96x128xf32, #tpu.memory_space<vmem>>, vector<16xf32>,
      tpu.vector_store %arg13[%swap3A_304, %swap3A_305], %gather3A_303 {strides = array<i32>} : memref<96x128xf32, #tpu.memory_space<vmem>>, vector<16xf32>,
      %gather3A_307 = tpu.vector_load_idx %arg10[%add3A_302, %broadcast_in_dim3A] : memref<128x96xf32, #tpu.memory_space<vmem>>[vector<16xi32>, vector<16xi32>], vector<16xf32>,
      %swap3A_308 = arith.index_cast %scan3A_256 : i32 to index
      %swap3A_309 = arith.constant 48 : index
      %swap3A_310 = tpu.vector_load %arg14[%swap3A_308, %swap3A_309] {strides = array<i32>} : memref<96x128xf32, #tpu.memory_space<vmem>>, vector<16xf32>,
      tpu.vector_store %arg14[%swap3A_308, %swap3A_309], %gather3A_307 {strides = array<i32>} : memref<96x128xf32, #tpu.memory_space<vmem>>, vector<16xf32>,
      %gather3A_311 = tpu.vector_load_idx %arg11[%add3A_302, %broadcast_in_dim3A] : memref<128x96xf32, #tpu.memory_space<vmem>>[vector<16xi32>, vector<16xi32>], vector<16xf32>,
      %swap3A_312 = arith.index_cast %scan3A_256 : i32 to index
      %swap3A_313 = arith.constant 48 : index
      %swap3A_314 = tpu.vector_load %arg15[%swap3A_312, %swap3A_313] {strides = array<i32>} : memref<96x128xf32, #tpu.memory_space<vmem>>, vector<16xf32>,
      tpu.vector_store %arg15[%swap3A_312, %swap3A_313], %gather3A_311 {strides = array<i32>} : memref<96x128xf32, #tpu.memory_space<vmem>>, vector<16xf32>,
      %add3A_315 = arith.constant 64 : i32
      %add3A_316 = vector.broadcast %add3A_315 : i32 to vector<16xi32>
      %add3A_317 = arith.addi %iota3A, %add3A_316 : vector<16xi32>
      %gather3A_318 = tpu.vector_load_idx %arg12[%add3A_317, %broadcast_in_dim3A] : memref<128x96xf32, #tpu.memory_space<vmem>>[vector<16xi32>, vector<16xi32>], vector<16xf32>,
      %swap3A_319 = arith.index_cast %scan3A_256 : i32 to index
      %swap3A_320 = arith.constant 64 : index
      %swap3A_321 = tpu.vector_load %arg13[%swap3A_319, %swap3A_320] {strides = array<i32>} : memref<96x128xf32, #tpu.memory_space<vmem>>, vector<16xf32>,
      tpu.vector_store %arg13[%swap3A_319, %swap3A_320], %gather3A_318 {strides = array<i32>} : memref<96x128xf32, #tpu.memory_space<vmem>>, vector<16xf32>,
      %gather3A_322 = tpu.vector_load_idx %arg10[%add3A_317, %broadcast_in_dim3A] : memref<128x96xf32, #tpu.memory_space<vmem>>[vector<16xi32>, vector<16xi32>], vector<16xf32>,
      %swap3A_323 = arith.index_cast %scan3A_256 : i32 to index
      %swap3A_324 = arith.constant 64 : index
      %swap3A_325 = tpu.vector_load %arg14[%swap3A_323, %swap3A_324] {strides = array<i32>} : memref<96x128xf32, #tpu.memory_space<vmem>>, vector<16xf32>,
      tpu.vector_store %arg14[%swap3A_323, %swap3A_324], %gather3A_322 {strides = array<i32>} : memref<96x128xf32, #tpu.memory_space<vmem>>, vector<16xf32>,
      %gather3A_326 = tpu.vector_load_idx %arg11[%add3A_317, %broadcast_in_dim3A] : memref<128x96xf32, #tpu.memory_space<vmem>>[vector<16xi32>, vector<16xi32>], vector<16xf32>,
      %swap3A_327 = arith.index_cast %scan3A_256 : i32 to index
      %swap3A_328 = arith.constant 64 : index
      %swap3A_329 = tpu.vector_load %arg15[%swap3A_327, %swap3A_328] {strides = array<i32>} : memref<96x128xf32, #tpu.memory_space<vmem>>, vector<16xf32>,
      tpu.vector_store %arg15[%swap3A_327, %swap3A_328], %gather3A_326 {strides = array<i32>} : memref<96x128xf32, #tpu.memory_space<vmem>>, vector<16xf32>,
      %add3A_330 = arith.constant 80 : i32
      %add3A_331 = vector.broadcast %add3A_330 : i32 to vector<16xi32>
      %add3A_332 = arith.addi %iota3A, %add3A_331 : vector<16xi32>
      %gather3A_333 = tpu.vector_load_idx %arg12[%add3A_332, %broadcast_in_dim3A] : memref<128x96xf32, #tpu.memory_space<vmem>>[vector<16xi32>, vector<16xi32>], vector<16xf32>,
      %swap3A_334 = arith.index_cast %scan3A_256 : i32 to index
      %swap3A_335 = arith.constant 80 : index
      %swap3A_336 = tpu.vector_load %arg13[%swap3A_334, %swap3A_335] {strides = array<i32>} : memref<96x128xf32, #tpu.memory_space<vmem>>, vector<16xf32>,
      tpu.vector_store %arg13[%swap3A_334, %swap3A_335], %gather3A_333 {strides = array<i32>} : memref<96x128xf32, #tpu.memory_space<vmem>>, vector<16xf32>,
      %gather3A_337 = tpu.vector_load_idx %arg10[%add3A_332, %broadcast_in_dim3A] : memref<128x96xf32, #tpu.memory_space<vmem>>[vector<16xi32>, vector<16xi32>], vector<16xf32>,
      %swap3A_338 = arith.index_cast %scan3A_256 : i32 to index
      %swap3A_339 = arith.constant 80 : index
      %swap3A_340 = tpu.vector_load %arg14[%swap3A_338, %swap3A_339] {strides = array<i32>} : memref<96x128xf32, #tpu.memory_space<vmem>>, vector<16xf32>,
      tpu.vector_store %arg14[%swap3A_338, %swap3A_339], %gather3A_337 {strides = array<i32>} : memref<96x128xf32, #tpu.memory_space<vmem>>, vector<16xf32>,
      %gather3A_341 = tpu.vector_load_idx %arg11[%add3A_332, %broadcast_in_dim3A] : memref<128x96xf32, #tpu.memory_space<vmem>>[vector<16xi32>, vector<16xi32>], vector<16xf32>,
      %swap3A_342 = arith.index_cast %scan3A_256 : i32 to index
      %swap3A_343 = arith.constant 80 : index
      %swap3A_344 = tpu.vector_load %arg15[%swap3A_342, %swap3A_343] {strides = array<i32>} : memref<96x128xf32, #tpu.memory_space<vmem>>, vector<16xf32>,
      tpu.vector_store %arg15[%swap3A_342, %swap3A_343], %gather3A_341 {strides = array<i32>} : memref<96x128xf32, #tpu.memory_space<vmem>>, vector<16xf32>,
      %add3A_345 = arith.constant 96 : i32
      %add3A_346 = vector.broadcast %add3A_345 : i32 to vector<16xi32>
      %add3A_347 = arith.addi %iota3A, %add3A_346 : vector<16xi32>
      %gather3A_348 = tpu.vector_load_idx %arg12[%add3A_347, %broadcast_in_dim3A] : memref<128x96xf32, #tpu.memory_space<vmem>>[vector<16xi32>, vector<16xi32>], vector<16xf32>,
      %swap3A_349 = arith.index_cast %scan3A_256 : i32 to index
      %swap3A_350 = arith.constant 96 : index
      %swap3A_351 = tpu.vector_load %arg13[%swap3A_349, %swap3A_350] {strides = array<i32>} : memref<96x128xf32, #tpu.memory_space<vmem>>, vector<16xf32>,
      tpu.vector_store %arg13[%swap3A_349, %swap3A_350], %gather3A_348 {strides = array<i32>} : memref<96x128xf32, #tpu.memory_space<vmem>>, vector<16xf32>,
      %gather3A_352 = tpu.vector_load_idx %arg10[%add3A_347, %broadcast_in_dim3A] : memref<128x96xf32, #tpu.memory_space<vmem>>[vector<16xi32>, vector<16xi32>], vector<16xf32>,
      %swap3A_353 = arith.index_cast %scan3A_256 : i32 to index
      %swap3A_354 = arith.constant 96 : index
      %swap3A_355 = tpu.vector_load %arg14[%swap3A_353, %swap3A_354] {strides = array<i32>} : memref<96x128xf32, #tpu.memory_space<vmem>>, vector<16xf32>,
      tpu.vector_store %arg14[%swap3A_353, %swap3A_354], %gather3A_352 {strides = array<i32>} : memref<96x128xf32, #tpu.memory_space<vmem>>, vector<16xf32>,
      %gather3A_356 = tpu.vector_load_idx %arg11[%add3A_347, %broadcast_in_dim3A] : memref<128x96xf32, #tpu.memory_space<vmem>>[vector<16xi32>, vector<16xi32>], vector<16xf32>,
      %swap3A_357 = arith.index_cast %scan3A_256 : i32 to index
      %swap3A_358 = arith.constant 96 : index
      %swap3A_359 = tpu.vector_load %arg15[%swap3A_357, %swap3A_358] {strides = array<i32>} : memref<96x128xf32, #tpu.memory_space<vmem>>, vector<16xf32>,
      tpu.vector_store %arg15[%swap3A_357, %swap3A_358], %gather3A_356 {strides = array<i32>} : memref<96x128xf32, #tpu.memory_space<vmem>>, vector<16xf32>,
      %add3A_360 = arith.constant 112 : i32
      %add3A_361 = vector.broadcast %add3A_360 : i32 to vector<16xi32>
      %add3A_362 = arith.addi %iota3A, %add3A_361 : vector<16xi32>
      %gather3A_363 = tpu.vector_load_idx %arg12[%add3A_362, %broadcast_in_dim3A] : memref<128x96xf32, #tpu.memory_space<vmem>>[vector<16xi32>, vector<16xi32>], vector<16xf32>,
      %swap3A_364 = arith.index_cast %scan3A_256 : i32 to index
      %swap3A_365 = arith.constant 112 : index
      %swap3A_366 = tpu.vector_load %arg13[%swap3A_364, %swap3A_365] {strides = array<i32>} : memref<96x128xf32, #tpu.memory_space<vmem>>, vector<16xf32>,
      tpu.vector_store %arg13[%swap3A_364, %swap3A_365], %gather3A_363 {strides = array<i32>} : memref<96x128xf32, #tpu.memory_space<vmem>>, vector<16xf32>,
      %gather3A_367 = tpu.vector_load_idx %arg10[%add3A_362, %broadcast_in_dim3A] : memref<128x96xf32, #tpu.memory_space<vmem>>[vector<16xi32>, vector<16xi32>], vector<16xf32>,
      %swap3A_368 = arith.index_cast %scan3A_256 : i32 to index
      %swap3A_369 = arith.constant 112 : index
      %swap3A_370 = tpu.vector_load %arg14[%swap3A_368, %swap3A_369] {strides = array<i32>} : memref<96x128xf32, #tpu.memory_space<vmem>>, vector<16xf32>,
      tpu.vector_store %arg14[%swap3A_368, %swap3A_369], %gather3A_367 {strides = array<i32>} : memref<96x128xf32, #tpu.memory_space<vmem>>, vector<16xf32>,
      %gather3A_371 = tpu.vector_load_idx %arg11[%add3A_362, %broadcast_in_dim3A] : memref<128x96xf32, #tpu.memory_space<vmem>>[vector<16xi32>, vector<16xi32>], vector<16xf32>,
      %swap3A_372 = arith.index_cast %scan3A_256 : i32 to index
      %swap3A_373 = arith.constant 112 : index
      %swap3A_374 = tpu.vector_load %arg15[%swap3A_372, %swap3A_373] {strides = array<i32>} : memref<96x128xf32, #tpu.memory_space<vmem>>, vector<16xf32>,
      tpu.vector_store %arg15[%swap3A_372, %swap3A_373], %gather3A_371 {strides = array<i32>} : memref<96x128xf32, #tpu.memory_space<vmem>>, vector<16xf32>,
    }
    %scan3A_51 = arith.constant 96 : i32
    %scan3A_52 = arith.constant 0 : i32
    %scan3A_53 = arith.constant 0 : i32
    %scan3A_54 = arith.constant 96 : i32
    %scan3A_55 = arith.addi %scan3A_53, %scan3A_54 : i32
    %scan3A_56 = arith.constant 1 : i32
    scf.for %scan3A_256 = %scan3A_53 to %scan3A_55 step %scan3A_56  : i32 {
      %mul3A_257 = arith.constant 16384 : i32
      %mul3A_258 = arith.muli %scan3A_256, %mul3A_257 : i32
      %add3A_259 = arith.addi %mul3A_258, %mul3A_6 : i32
      %dma_start3A_260 = arith.constant 0 : i32
      %dma_start3A_261 = tpu.memref_slice %arg13[%scan3A_256, %dma_start3A_260] : memref<96x128xf32, #tpu.memory_space<vmem>> -> memref<1x128xf32, #tpu.memory_space<vmem>>
      %dma_start3A_262 = tpu.memref_squeeze %dma_start3A_261 : memref<1x128xf32, #tpu.memory_space<vmem>> -> memref<128xf32, #tpu.memory_space<vmem>>
      %dma_start3A_263 = tpu.memref_slice %arg6[%add3A_259] : memref<1572864xf32, #tpu.memory_space<hbm>> -> memref<128xf32, #tpu.memory_space<hbm>>
      %dma_start3A_264 = tpu.memref_slice %arg6[%add3A_259] : memref<1572864xf32, #tpu.memory_space<hbm>> -> memref<128xf32, #tpu.memory_space<hbm>>
      %dma_start3A_265 = arith.constant 0 : i32
      %dma_start3A_266 = tpu.memref_slice %arg13[%scan3A_256, %dma_start3A_265] : memref<96x128xf32, #tpu.memory_space<vmem>> -> memref<1x128xf32, #tpu.memory_space<vmem>>
      %dma_start3A_267 = tpu.memref_squeeze %dma_start3A_266 : memref<1x128xf32, #tpu.memory_space<vmem>> -> memref<128xf32, #tpu.memory_space<vmem>>
      tpu.enqueue_dma source(%dma_start3A_267 : memref<128xf32, #tpu.memory_space<vmem>>) target(%dma_start3A_264 : memref<128xf32, #tpu.memory_space<hbm>>) target_semaphore(%arg19 : memref<!tpu.dma_semaphore, #tpu.memory_space<semaphore_mem>>)
      %dma_start3A_268 = arith.constant 0 : i32
      %dma_start3A_269 = tpu.memref_slice %arg14[%scan3A_256, %dma_start3A_268] : memref<96x128xf32, #tpu.memory_space<vmem>> -> memref<1x128xf32, #tpu.memory_space<vmem>>
      %dma_start3A_270 = tpu.memref_squeeze %dma_start3A_269 : memref<1x128xf32, #tpu.memory_space<vmem>> -> memref<128xf32, #tpu.memory_space<vmem>>
      %dma_start3A_271 = tpu.memref_slice %arg7[%add3A_259] : memref<1572864xf32, #tpu.memory_space<hbm>> -> memref<128xf32, #tpu.memory_space<hbm>>
      %dma_start3A_272 = tpu.memref_slice %arg7[%add3A_259] : memref<1572864xf32, #tpu.memory_space<hbm>> -> memref<128xf32, #tpu.memory_space<hbm>>
      %dma_start3A_273 = arith.constant 0 : i32
      %dma_start3A_274 = tpu.memref_slice %arg14[%scan3A_256, %dma_start3A_273] : memref<96x128xf32, #tpu.memory_space<vmem>> -> memref<1x128xf32, #tpu.memory_space<vmem>>
      %dma_start3A_275 = tpu.memref_squeeze %dma_start3A_274 : memref<1x128xf32, #tpu.memory_space<vmem>> -> memref<128xf32, #tpu.memory_space<vmem>>
      tpu.enqueue_dma source(%dma_start3A_275 : memref<128xf32, #tpu.memory_space<vmem>>) target(%dma_start3A_272 : memref<128xf32, #tpu.memory_space<hbm>>) target_semaphore(%arg19 : memref<!tpu.dma_semaphore, #tpu.memory_space<semaphore_mem>>)
      %dma_start3A_276 = arith.constant 0 : i32
      %dma_start3A_277 = tpu.memref_slice %arg15[%scan3A_256, %dma_start3A_276] : memref<96x128xf32, #tpu.memory_space<vmem>> -> memref<1x128xf32, #tpu.memory_space<vmem>>
      %dma_start3A_278 = tpu.memref_squeeze %dma_start3A_277 : memref<1x128xf32, #tpu.memory_space<vmem>> -> memref<128xf32, #tpu.memory_space<vmem>>
      %dma_start3A_279 = tpu.memref_slice %arg8[%add3A_259] : memref<1572864xf32, #tpu.memory_space<hbm>> -> memref<128xf32, #tpu.memory_space<hbm>>
      %dma_start3A_280 = tpu.memref_slice %arg8[%add3A_259] : memref<1572864xf32, #tpu.memory_space<hbm>> -> memref<128xf32, #tpu.memory_space<hbm>>
      %dma_start3A_281 = arith.constant 0 : i32
      %dma_start3A_282 = tpu.memref_slice %arg15[%scan3A_256, %dma_start3A_281] : memref<96x128xf32, #tpu.memory_space<vmem>> -> memref<1x128xf32, #tpu.memory_space<vmem>>
      %dma_start3A_283 = tpu.memref_squeeze %dma_start3A_282 : memref<1x128xf32, #tpu.memory_space<vmem>> -> memref<128xf32, #tpu.memory_space<vmem>>
      tpu.enqueue_dma source(%dma_start3A_283 : memref<128xf32, #tpu.memory_space<vmem>>) target(%dma_start3A_280 : memref<128xf32, #tpu.memory_space<hbm>>) target_semaphore(%arg19 : memref<!tpu.dma_semaphore, #tpu.memory_space<semaphore_mem>>)
    }
    %scan3A_57 = arith.constant 96 : i32
    %scan3A_58 = arith.constant 0 : i32
    %scan3A_59 = arith.constant 0 : i32
    %scan3A_60 = arith.constant 96 : i32
    %scan3A_61 = arith.addi %scan3A_59, %scan3A_60 : i32
    %scan3A_62 = arith.constant 1 : i32
    scf.for %scan3A_256 = %scan3A_59 to %scan3A_61 step %scan3A_62  : i32 {
      %dma_wait3A_257 = arith.constant 0 : i32
      %dma_wait3A_258 = arith.constant 0 : i32
      %dma_wait3A_259 = tpu.memref_slice %arg13[%dma_wait3A_257, %dma_wait3A_258] : memref<96x128xf32, #tpu.memory_space<vmem>> -> memref<1x128xf32, #tpu.memory_space<vmem>>
      %dma_wait3A_260 = tpu.memref_squeeze %dma_wait3A_259 : memref<1x128xf32, #tpu.memory_space<vmem>> -> memref<128xf32, #tpu.memory_space<vmem>>
      %dma_wait3A_261 = arith.constant 0 : i32
      %dma_wait3A_262 = tpu.memref_slice %arg6[%dma_wait3A_261] : memref<1572864xf32, #tpu.memory_space<hbm>> -> memref<128xf32, #tpu.memory_space<hbm>>
      %dma_wait3A_263 = arith.constant 0 : i32
      %dma_wait3A_264 = tpu.memref_slice %arg6[%dma_wait3A_263] : memref<1572864xf32, #tpu.memory_space<hbm>> -> memref<128xf32, #tpu.memory_space<hbm>>
      %dma_wait3A_265 = arith.constant 0 : i32
      %dma_wait3A_266 = tpu.memref_slice %arg13[%dma_wait3A_257, %dma_wait3A_265] : memref<96x128xf32, #tpu.memory_space<vmem>> -> memref<1x128xf32, #tpu.memory_space<vmem>>
      %dma_wait3A_267 = tpu.memref_squeeze %dma_wait3A_266 : memref<1x128xf32, #tpu.memory_space<vmem>> -> memref<128xf32, #tpu.memory_space<vmem>>
      tpu.wait_dma2 semaphore(%arg19 : memref<!tpu.dma_semaphore, #tpu.memory_space<semaphore_mem>>) src(%dma_wait3A_267 : memref<128xf32, #tpu.memory_space<vmem>>) dst(%dma_wait3A_264 : memref<128xf32, #tpu.memory_space<hbm>>)
      %dma_wait3A_268 = arith.constant 0 : i32
      %dma_wait3A_269 = arith.constant 0 : i32
      %dma_wait3A_270 = tpu.memref_slice %arg14[%dma_wait3A_268, %dma_wait3A_269] : memref<96x128xf32, #tpu.memory_space<vmem>> -> memref<1x128xf32, #tpu.memory_space<vmem>>
      %dma_wait3A_271 = tpu.memref_squeeze %dma_wait3A_270 : memref<1x128xf32, #tpu.memory_space<vmem>> -> memref<128xf32, #tpu.memory_space<vmem>>
      %dma_wait3A_272 = arith.constant 0 : i32
      %dma_wait3A_273 = tpu.memref_slice %arg7[%dma_wait3A_272] : memref<1572864xf32, #tpu.memory_space<hbm>> -> memref<128xf32, #tpu.memory_space<hbm>>
      %dma_wait3A_274 = arith.constant 0 : i32
      %dma_wait3A_275 = tpu.memref_slice %arg7[%dma_wait3A_274] : memref<1572864xf32, #tpu.memory_space<hbm>> -> memref<128xf32, #tpu.memory_space<hbm>>
      %dma_wait3A_276 = arith.constant 0 : i32
      %dma_wait3A_277 = tpu.memref_slice %arg14[%dma_wait3A_268, %dma_wait3A_276] : memref<96x128xf32, #tpu.memory_space<vmem>> -> memref<1x128xf32, #tpu.memory_space<vmem>>
      %dma_wait3A_278 = tpu.memref_squeeze %dma_wait3A_277 : memref<1x128xf32, #tpu.memory_space<vmem>> -> memref<128xf32, #tpu.memory_space<vmem>>
      tpu.wait_dma2 semaphore(%arg19 : memref<!tpu.dma_semaphore, #tpu.memory_space<semaphore_mem>>) src(%dma_wait3A_278 : memref<128xf32, #tpu.memory_space<vmem>>) dst(%dma_wait3A_275 : memref<128xf32, #tpu.memory_space<hbm>>)
      %dma_wait3A_279 = arith.constant 0 : i32
      %dma_wait3A_280 = arith.constant 0 : i32
      %dma_wait3A_281 = tpu.memref_slice %arg15[%dma_wait3A_279, %dma_wait3A_280] : memref<96x128xf32, #tpu.memory_space<vmem>> -> memref<1x128xf32, #tpu.memory_space<vmem>>
      %dma_wait3A_282 = tpu.memref_squeeze %dma_wait3A_281 : memref<1x128xf32, #tpu.memory_space<vmem>> -> memref<128xf32, #tpu.memory_space<vmem>>
      %dma_wait3A_283 = arith.constant 0 : i32
      %dma_wait3A_284 = tpu.memref_slice %arg8[%dma_wait3A_283] : memref<1572864xf32, #tpu.memory_space<hbm>> -> memref<128xf32, #tpu.memory_space<hbm>>
      %dma_wait3A_285 = arith.constant 0 : i32
      %dma_wait3A_286 = tpu.memref_slice %arg8[%dma_wait3A_285] : memref<1572864xf32, #tpu.memory_space<hbm>> -> memref<128xf32, #tpu.memory_space<hbm>>
      %dma_wait3A_287 = arith.constant 0 : i32
      %dma_wait3A_288 = tpu.memref_slice %arg15[%dma_wait3A_279, %dma_wait3A_287] : memref<96x128xf32, #tpu.memory_space<vmem>> -> memref<1x128xf32, #tpu.memory_space<vmem>>
      %dma_wait3A_289 = tpu.memref_squeeze %dma_wait3A_288 : memref<1x128xf32, #tpu.memory_space<vmem>> -> memref<128xf32, #tpu.memory_space<vmem>>
      tpu.wait_dma2 semaphore(%arg19 : memref<!tpu.dma_semaphore, #tpu.memory_space<semaphore_mem>>) src(%dma_wait3A_289 : memref<128xf32, #tpu.memory_space<vmem>>) dst(%dma_wait3A_286 : memref<128xf32, #tpu.memory_space<hbm>>)
    }
    %scan3A_63 = arith.constant 96 : i32
    %add3A_64 = arith.constant 1 : i32
    %add3A_65 = arith.addi %mul3A_2, %add3A_64 : i32
    %mul3A_66 = arith.constant 128 : i32
    %mul3A_67 = arith.muli %add3A_65, %mul3A_66 : i32
    %dma_start3A_68 = arith.constant 1 : i32
    %dma_start3A_69 = arith.constant 0 : i32
    %dma_start3A_70 = tpu.memref_slice %arg9[%dma_start3A_68, %dma_start3A_69] : memref<4x128xi32, #tpu.memory_space<vmem>> -> memref<1x128xi32, #tpu.memory_space<vmem>>
    %dma_start3A_71 = tpu.memref_squeeze %dma_start3A_70 : memref<1x128xi32, #tpu.memory_space<vmem>> -> memref<128xi32, #tpu.memory_space<vmem>>
    %dma_start3A_72 = arith.constant 0 : i32
    %dma_start3A_73 = arith.constant 0 : i32
    %dma_start3A_74 = tpu.memref_slice %arg4[%dma_start3A_72, %dma_start3A_73] : memref<1000001x96xf32, #tpu.memory_space<hbm>> -> memref<1000001x96xf32, #tpu.memory_space<hbm>>
    tpu.enqueue_indirect_dma source(%dma_start3A_74 : memref<1000001x96xf32, #tpu.memory_space<hbm>>) target(%arg10 : memref<128x96xf32, #tpu.memory_space<vmem>>) offsets(%dma_start3A_71 : memref<128xi32, #tpu.memory_space<vmem>>) semaphore(%arg16 : memref<!tpu.dma_semaphore, #tpu.memory_space<semaphore_mem>>)
    %dma_start3A_75 = arith.constant 1 : i32
    %dma_start3A_76 = arith.constant 0 : i32
    %dma_start3A_77 = tpu.memref_slice %arg9[%dma_start3A_75, %dma_start3A_76] : memref<4x128xi32, #tpu.memory_space<vmem>> -> memref<1x128xi32, #tpu.memory_space<vmem>>
    %dma_start3A_78 = tpu.memref_squeeze %dma_start3A_77 : memref<1x128xi32, #tpu.memory_space<vmem>> -> memref<128xi32, #tpu.memory_space<vmem>>
    %dma_start3A_79 = arith.constant 0 : i32
    %dma_start3A_80 = arith.constant 0 : i32
    %dma_start3A_81 = tpu.memref_slice %arg5[%dma_start3A_79, %dma_start3A_80] : memref<1000001x96xf32, #tpu.memory_space<hbm>> -> memref<1000001x96xf32, #tpu.memory_space<hbm>>
    tpu.enqueue_indirect_dma source(%dma_start3A_81 : memref<1000001x96xf32, #tpu.memory_space<hbm>>) target(%arg11 : memref<128x96xf32, #tpu.memory_space<vmem>>) offsets(%dma_start3A_78 : memref<128xi32, #tpu.memory_space<vmem>>) semaphore(%arg17 : memref<!tpu.dma_semaphore, #tpu.memory_space<semaphore_mem>>)
    %dma_start3A_82 = arith.constant 0 : i32
    %dma_start3A_83 = tpu.memref_slice %arg3[%mul3A_67, %dma_start3A_82] : memref<16384x96xf32, #tpu.memory_space<hbm>> -> memref<128x96xf32, #tpu.memory_space<hbm>>
    %dma_start3A_84 = arith.constant 0 : i32
    %dma_start3A_85 = tpu.memref_slice %arg3[%mul3A_67, %dma_start3A_84] : memref<16384x96xf32, #tpu.memory_space<hbm>> -> memref<128x96xf32, #tpu.memory_space<hbm>>
    tpu.enqueue_dma source(%dma_start3A_85 : memref<128x96xf32, #tpu.memory_space<hbm>>) target(%arg12 : memref<128x96xf32, #tpu.memory_space<vmem>>) target_semaphore(%arg18 : memref<!tpu.dma_semaphore, #tpu.memory_space<semaphore_mem>>)
    %dma_wait3A_86 = arith.constant 1 : i32
    %dma_wait3A_87 = arith.constant 0 : i32
    %dma_wait3A_88 = tpu.memref_slice %arg9[%dma_wait3A_86, %dma_wait3A_87] : memref<4x128xi32, #tpu.memory_space<vmem>> -> memref<1x128xi32, #tpu.memory_space<vmem>>
    %dma_wait3A_89 = tpu.memref_squeeze %dma_wait3A_88 : memref<1x128xi32, #tpu.memory_space<vmem>> -> memref<128xi32, #tpu.memory_space<vmem>>
    %dma_wait3A_90 = arith.constant 0 : i32
    %dma_wait3A_91 = arith.constant 0 : i32
    %dma_wait3A_92 = tpu.memref_slice %arg4[%dma_wait3A_90, %dma_wait3A_91] : memref<1000001x96xf32, #tpu.memory_space<hbm>> -> memref<1000001x96xf32, #tpu.memory_space<hbm>>
    tpu.wait_indirect_dma semaphore(%arg16 : memref<!tpu.dma_semaphore, #tpu.memory_space<semaphore_mem>>) src(%dma_wait3A_92 : memref<1000001x96xf32, #tpu.memory_space<hbm>>) dst(%arg10 : memref<128x96xf32, #tpu.memory_space<vmem>>)
    %dma_wait3A_93 = arith.constant 1 : i32
    %dma_wait3A_94 = arith.constant 0 : i32
    %dma_wait3A_95 = tpu.memref_slice %arg9[%dma_wait3A_93, %dma_wait3A_94] : memref<4x128xi32, #tpu.memory_space<vmem>> -> memref<1x128xi32, #tpu.memory_space<vmem>>
    %dma_wait3A_96 = tpu.memref_squeeze %dma_wait3A_95 : memref<1x128xi32, #tpu.memory_space<vmem>> -> memref<128xi32, #tpu.memory_space<vmem>>
    %dma_wait3A_97 = arith.constant 0 : i32
    %dma_wait3A_98 = arith.constant 0 : i32
    %dma_wait3A_99 = tpu.memref_slice %arg5[%dma_wait3A_97, %dma_wait3A_98] : memref<1000001x96xf32, #tpu.memory_space<hbm>> -> memref<1000001x96xf32, #tpu.memory_space<hbm>>
    tpu.wait_indirect_dma semaphore(%arg17 : memref<!tpu.dma_semaphore, #tpu.memory_space<semaphore_mem>>) src(%dma_wait3A_99 : memref<1000001x96xf32, #tpu.memory_space<hbm>>) dst(%arg11 : memref<128x96xf32, #tpu.memory_space<vmem>>)
    %dma_wait3A_100 = arith.constant 0 : i32
    %dma_wait3A_101 = tpu.memref_slice %arg3[%mul3A_67, %dma_wait3A_100] : memref<16384x96xf32, #tpu.memory_space<hbm>> -> memref<128x96xf32, #tpu.memory_space<hbm>>
    %dma_wait3A_102 = arith.constant 0 : i32
    %dma_wait3A_103 = tpu.memref_slice %arg3[%mul3A_67, %dma_wait3A_102] : memref<16384x96xf32, #tpu.memory_space<hbm>> -> memref<128x96xf32, #tpu.memory_space<hbm>>
    tpu.wait_dma2 semaphore(%arg18 : memref<!tpu.dma_semaphore, #tpu.memory_space<semaphore_mem>>) src(%dma_wait3A_103 : memref<128x96xf32, #tpu.memory_space<hbm>>) dst(%arg12 : memref<128x96xf32, #tpu.memory_space<vmem>>)
    %scan3A_104 = arith.constant 0 : i32
    %scan3A_105 = arith.constant 0 : i32
    %scan3A_106 = arith.constant 128 : i32
    %scan3A_107 = arith.addi %scan3A_105, %scan3A_106 : i32
    %scan3A_108 = arith.constant 1 : i32
    scf.for %scan3A_256 = %scan3A_105 to %scan3A_107 step %scan3A_108  : i32 {
      %get3A = arith.index_cast %scan3A_256 : i32 to index
      %get3A_257 = arith.constant 0 : index
      %get3A_258 = tpu.vector_load %arg10[%get3A, %get3A_257] {strides = array<i32>} : memref<128x96xf32, #tpu.memory_space<vmem>>, vector<16xf32>,
      %get3A_259 = arith.index_cast %scan3A_256 : i32 to index
      %get3A_260 = arith.constant 0 : index
      %get3A_261 = tpu.vector_load %arg11[%get3A_259, %get3A_260] {strides = array<i32>} : memref<128x96xf32, #tpu.memory_space<vmem>>, vector<16xf32>,
      %mul3A_262 = arith.constant 5.000000e-01 : f32
      %mul3A_263 = vector.broadcast %mul3A_262 : f32 to vector<16xf32>
      %mul3A_264 = arith.mulf %get3A_261, %mul3A_263 : vector<16xf32>
      %exp3A = math.exp %mul3A_264 : vector<16xf32>
      %get3A_265 = arith.index_cast %scan3A_256 : i32 to index
      %get3A_266 = arith.constant 0 : index
      %get3A_267 = tpu.vector_load %arg12[%get3A_265, %get3A_266] {strides = array<i32>} : memref<128x96xf32, #tpu.memory_space<vmem>>, vector<16xf32>,
      %mul3A_268 = arith.mulf %exp3A, %get3A_267 : vector<16xf32>
      %add3A_269 = arith.addf %get3A_258, %mul3A_268 : vector<16xf32>
      %swap3A = arith.index_cast %scan3A_256 : i32 to index
      %swap3A_270 = arith.constant 0 : index
      %swap3A_271 = tpu.vector_load %arg12[%swap3A, %swap3A_270] {strides = array<i32>} : memref<128x96xf32, #tpu.memory_space<vmem>>, vector<16xf32>,
      tpu.vector_store %arg12[%swap3A, %swap3A_270], %add3A_269 {strides = array<i32>} : memref<128x96xf32, #tpu.memory_space<vmem>>, vector<16xf32>,
      %get3A_272 = arith.index_cast %scan3A_256 : i32 to index
      %get3A_273 = arith.constant 16 : index
      %get3A_274 = tpu.vector_load %arg10[%get3A_272, %get3A_273] {strides = array<i32>} : memref<128x96xf32, #tpu.memory_space<vmem>>, vector<16xf32>,
      %get3A_275 = arith.index_cast %scan3A_256 : i32 to index
      %get3A_276 = arith.constant 16 : index
      %get3A_277 = tpu.vector_load %arg11[%get3A_275, %get3A_276] {strides = array<i32>} : memref<128x96xf32, #tpu.memory_space<vmem>>, vector<16xf32>,
      %mul3A_278 = arith.constant 5.000000e-01 : f32
      %mul3A_279 = vector.broadcast %mul3A_278 : f32 to vector<16xf32>
      %mul3A_280 = arith.mulf %get3A_277, %mul3A_279 : vector<16xf32>
      %exp3A_281 = math.exp %mul3A_280 : vector<16xf32>
      %get3A_282 = arith.index_cast %scan3A_256 : i32 to index
      %get3A_283 = arith.constant 16 : index
      %get3A_284 = tpu.vector_load %arg12[%get3A_282, %get3A_283] {strides = array<i32>} : memref<128x96xf32, #tpu.memory_space<vmem>>, vector<16xf32>,
      %mul3A_285 = arith.mulf %exp3A_281, %get3A_284 : vector<16xf32>
      %add3A_286 = arith.addf %get3A_274, %mul3A_285 : vector<16xf32>
      %swap3A_287 = arith.index_cast %scan3A_256 : i32 to index
      %swap3A_288 = arith.constant 16 : index
      %swap3A_289 = tpu.vector_load %arg12[%swap3A_287, %swap3A_288] {strides = array<i32>} : memref<128x96xf32, #tpu.memory_space<vmem>>, vector<16xf32>,
      tpu.vector_store %arg12[%swap3A_287, %swap3A_288], %add3A_286 {strides = array<i32>} : memref<128x96xf32, #tpu.memory_space<vmem>>, vector<16xf32>,
      %get3A_290 = arith.index_cast %scan3A_256 : i32 to index
      %get3A_291 = arith.constant 32 : index
      %get3A_292 = tpu.vector_load %arg10[%get3A_290, %get3A_291] {strides = array<i32>} : memref<128x96xf32, #tpu.memory_space<vmem>>, vector<16xf32>,
      %get3A_293 = arith.index_cast %scan3A_256 : i32 to index
      %get3A_294 = arith.constant 32 : index
      %get3A_295 = tpu.vector_load %arg11[%get3A_293, %get3A_294] {strides = array<i32>} : memref<128x96xf32, #tpu.memory_space<vmem>>, vector<16xf32>,
      %mul3A_296 = arith.constant 5.000000e-01 : f32
      %mul3A_297 = vector.broadcast %mul3A_296 : f32 to vector<16xf32>
      %mul3A_298 = arith.mulf %get3A_295, %mul3A_297 : vector<16xf32>
      %exp3A_299 = math.exp %mul3A_298 : vector<16xf32>
      %get3A_300 = arith.index_cast %scan3A_256 : i32 to index
      %get3A_301 = arith.constant 32 : index
      %get3A_302 = tpu.vector_load %arg12[%get3A_300, %get3A_301] {strides = array<i32>} : memref<128x96xf32, #tpu.memory_space<vmem>>, vector<16xf32>,
      %mul3A_303 = arith.mulf %exp3A_299, %get3A_302 : vector<16xf32>
      %add3A_304 = arith.addf %get3A_292, %mul3A_303 : vector<16xf32>
      %swap3A_305 = arith.index_cast %scan3A_256 : i32 to index
      %swap3A_306 = arith.constant 32 : index
      %swap3A_307 = tpu.vector_load %arg12[%swap3A_305, %swap3A_306] {strides = array<i32>} : memref<128x96xf32, #tpu.memory_space<vmem>>, vector<16xf32>,
      tpu.vector_store %arg12[%swap3A_305, %swap3A_306], %add3A_304 {strides = array<i32>} : memref<128x96xf32, #tpu.memory_space<vmem>>, vector<16xf32>,
      %get3A_308 = arith.index_cast %scan3A_256 : i32 to index
      %get3A_309 = arith.constant 48 : index
      %get3A_310 = tpu.vector_load %arg10[%get3A_308, %get3A_309] {strides = array<i32>} : memref<128x96xf32, #tpu.memory_space<vmem>>, vector<16xf32>,
      %get3A_311 = arith.index_cast %scan3A_256 : i32 to index
      %get3A_312 = arith.constant 48 : index
      %get3A_313 = tpu.vector_load %arg11[%get3A_311, %get3A_312] {strides = array<i32>} : memref<128x96xf32, #tpu.memory_space<vmem>>, vector<16xf32>,
      %mul3A_314 = arith.constant 5.000000e-01 : f32
      %mul3A_315 = vector.broadcast %mul3A_314 : f32 to vector<16xf32>
      %mul3A_316 = arith.mulf %get3A_313, %mul3A_315 : vector<16xf32>
      %exp3A_317 = math.exp %mul3A_316 : vector<16xf32>
      %get3A_318 = arith.index_cast %scan3A_256 : i32 to index
      %get3A_319 = arith.constant 48 : index
      %get3A_320 = tpu.vector_load %arg12[%get3A_318, %get3A_319] {strides = array<i32>} : memref<128x96xf32, #tpu.memory_space<vmem>>, vector<16xf32>,
      %mul3A_321 = arith.mulf %exp3A_317, %get3A_320 : vector<16xf32>
      %add3A_322 = arith.addf %get3A_310, %mul3A_321 : vector<16xf32>
      %swap3A_323 = arith.index_cast %scan3A_256 : i32 to index
      %swap3A_324 = arith.constant 48 : index
      %swap3A_325 = tpu.vector_load %arg12[%swap3A_323, %swap3A_324] {strides = array<i32>} : memref<128x96xf32, #tpu.memory_space<vmem>>, vector<16xf32>,
      tpu.vector_store %arg12[%swap3A_323, %swap3A_324], %add3A_322 {strides = array<i32>} : memref<128x96xf32, #tpu.memory_space<vmem>>, vector<16xf32>,
      %get3A_326 = arith.index_cast %scan3A_256 : i32 to index
      %get3A_327 = arith.constant 64 : index
      %get3A_328 = tpu.vector_load %arg10[%get3A_326, %get3A_327] {strides = array<i32>} : memref<128x96xf32, #tpu.memory_space<vmem>>, vector<16xf32>,
      %get3A_329 = arith.index_cast %scan3A_256 : i32 to index
      %get3A_330 = arith.constant 64 : index
      %get3A_331 = tpu.vector_load %arg11[%get3A_329, %get3A_330] {strides = array<i32>} : memref<128x96xf32, #tpu.memory_space<vmem>>, vector<16xf32>,
      %mul3A_332 = arith.constant 5.000000e-01 : f32
      %mul3A_333 = vector.broadcast %mul3A_332 : f32 to vector<16xf32>
      %mul3A_334 = arith.mulf %get3A_331, %mul3A_333 : vector<16xf32>
      %exp3A_335 = math.exp %mul3A_334 : vector<16xf32>
      %get3A_336 = arith.index_cast %scan3A_256 : i32 to index
      %get3A_337 = arith.constant 64 : index
      %get3A_338 = tpu.vector_load %arg12[%get3A_336, %get3A_337] {strides = array<i32>} : memref<128x96xf32, #tpu.memory_space<vmem>>, vector<16xf32>,
      %mul3A_339 = arith.mulf %exp3A_335, %get3A_338 : vector<16xf32>
      %add3A_340 = arith.addf %get3A_328, %mul3A_339 : vector<16xf32>
      %swap3A_341 = arith.index_cast %scan3A_256 : i32 to index
      %swap3A_342 = arith.constant 64 : index
      %swap3A_343 = tpu.vector_load %arg12[%swap3A_341, %swap3A_342] {strides = array<i32>} : memref<128x96xf32, #tpu.memory_space<vmem>>, vector<16xf32>,
      tpu.vector_store %arg12[%swap3A_341, %swap3A_342], %add3A_340 {strides = array<i32>} : memref<128x96xf32, #tpu.memory_space<vmem>>, vector<16xf32>,
      %get3A_344 = arith.index_cast %scan3A_256 : i32 to index
      %get3A_345 = arith.constant 80 : index
      %get3A_346 = tpu.vector_load %arg10[%get3A_344, %get3A_345] {strides = array<i32>} : memref<128x96xf32, #tpu.memory_space<vmem>>, vector<16xf32>,
      %get3A_347 = arith.index_cast %scan3A_256 : i32 to index
      %get3A_348 = arith.constant 80 : index
      %get3A_349 = tpu.vector_load %arg11[%get3A_347, %get3A_348] {strides = array<i32>} : memref<128x96xf32, #tpu.memory_space<vmem>>, vector<16xf32>,
      %mul3A_350 = arith.constant 5.000000e-01 : f32
      %mul3A_351 = vector.broadcast %mul3A_350 : f32 to vector<16xf32>
      %mul3A_352 = arith.mulf %get3A_349, %mul3A_351 : vector<16xf32>
      %exp3A_353 = math.exp %mul3A_352 : vector<16xf32>
      %get3A_354 = arith.index_cast %scan3A_256 : i32 to index
      %get3A_355 = arith.constant 80 : index
      %get3A_356 = tpu.vector_load %arg12[%get3A_354, %get3A_355] {strides = array<i32>} : memref<128x96xf32, #tpu.memory_space<vmem>>, vector<16xf32>,
      %mul3A_357 = arith.mulf %exp3A_353, %get3A_356 : vector<16xf32>
      %add3A_358 = arith.addf %get3A_346, %mul3A_357 : vector<16xf32>
      %swap3A_359 = arith.index_cast %scan3A_256 : i32 to index
      %swap3A_360 = arith.constant 80 : index
      %swap3A_361 = tpu.vector_load %arg12[%swap3A_359, %swap3A_360] {strides = array<i32>} : memref<128x96xf32, #tpu.memory_space<vmem>>, vector<16xf32>,
      tpu.vector_store %arg12[%swap3A_359, %swap3A_360], %add3A_358 {strides = array<i32>} : memref<128x96xf32, #tpu.memory_space<vmem>>, vector<16xf32>,
    }
    %scan3A_109 = arith.constant 128 : i32
    %scan3A_110 = arith.constant 0 : i32
    %scan3A_111 = arith.constant 0 : i32
    %scan3A_112 = arith.constant 96 : i32
    %scan3A_113 = arith.addi %scan3A_111, %scan3A_112 : i32
    %scan3A_114 = arith.constant 1 : i32
    scf.for %scan3A_256 = %scan3A_111 to %scan3A_113 step %scan3A_114  : i32 {
      %broadcast_in_dim3A = vector.broadcast %scan3A_256 : i32 to vector<16xi32>
      %add3A_257 = arith.constant 0 : i32
      %add3A_258 = vector.broadcast %add3A_257 : i32 to vector<16xi32>
      %add3A_259 = arith.addi %iota3A, %add3A_258 : vector<16xi32>
      %gather3A = tpu.vector_load_idx %arg12[%add3A_259, %broadcast_in_dim3A] : memref<128x96xf32, #tpu.memory_space<vmem>>[vector<16xi32>, vector<16xi32>], vector<16xf32>,
      %swap3A = arith.index_cast %scan3A_256 : i32 to index
      %swap3A_260 = arith.constant 0 : index
      %swap3A_261 = tpu.vector_load %arg13[%swap3A, %swap3A_260] {strides = array<i32>} : memref<96x128xf32, #tpu.memory_space<vmem>>, vector<16xf32>,
      tpu.vector_store %arg13[%swap3A, %swap3A_260], %gather3A {strides = array<i32>} : memref<96x128xf32, #tpu.memory_space<vmem>>, vector<16xf32>,
      %gather3A_262 = tpu.vector_load_idx %arg10[%add3A_259, %broadcast_in_dim3A] : memref<128x96xf32, #tpu.memory_space<vmem>>[vector<16xi32>, vector<16xi32>], vector<16xf32>,
      %swap3A_263 = arith.index_cast %scan3A_256 : i32 to index
      %swap3A_264 = arith.constant 0 : index
      %swap3A_265 = tpu.vector_load %arg14[%swap3A_263, %swap3A_264] {strides = array<i32>} : memref<96x128xf32, #tpu.memory_space<vmem>>, vector<16xf32>,
      tpu.vector_store %arg14[%swap3A_263, %swap3A_264], %gather3A_262 {strides = array<i32>} : memref<96x128xf32, #tpu.memory_space<vmem>>, vector<16xf32>,
      %gather3A_266 = tpu.vector_load_idx %arg11[%add3A_259, %broadcast_in_dim3A] : memref<128x96xf32, #tpu.memory_space<vmem>>[vector<16xi32>, vector<16xi32>], vector<16xf32>,
      %swap3A_267 = arith.index_cast %scan3A_256 : i32 to index
      %swap3A_268 = arith.constant 0 : index
      %swap3A_269 = tpu.vector_load %arg15[%swap3A_267, %swap3A_268] {strides = array<i32>} : memref<96x128xf32, #tpu.memory_space<vmem>>, vector<16xf32>,
      tpu.vector_store %arg15[%swap3A_267, %swap3A_268], %gather3A_266 {strides = array<i32>} : memref<96x128xf32, #tpu.memory_space<vmem>>, vector<16xf32>,
      %add3A_270 = arith.constant 16 : i32
      %add3A_271 = vector.broadcast %add3A_270 : i32 to vector<16xi32>
      %add3A_272 = arith.addi %iota3A, %add3A_271 : vector<16xi32>
      %gather3A_273 = tpu.vector_load_idx %arg12[%add3A_272, %broadcast_in_dim3A] : memref<128x96xf32, #tpu.memory_space<vmem>>[vector<16xi32>, vector<16xi32>], vector<16xf32>,
      %swap3A_274 = arith.index_cast %scan3A_256 : i32 to index
      %swap3A_275 = arith.constant 16 : index
      %swap3A_276 = tpu.vector_load %arg13[%swap3A_274, %swap3A_275] {strides = array<i32>} : memref<96x128xf32, #tpu.memory_space<vmem>>, vector<16xf32>,
      tpu.vector_store %arg13[%swap3A_274, %swap3A_275], %gather3A_273 {strides = array<i32>} : memref<96x128xf32, #tpu.memory_space<vmem>>, vector<16xf32>,
      %gather3A_277 = tpu.vector_load_idx %arg10[%add3A_272, %broadcast_in_dim3A] : memref<128x96xf32, #tpu.memory_space<vmem>>[vector<16xi32>, vector<16xi32>], vector<16xf32>,
      %swap3A_278 = arith.index_cast %scan3A_256 : i32 to index
      %swap3A_279 = arith.constant 16 : index
      %swap3A_280 = tpu.vector_load %arg14[%swap3A_278, %swap3A_279] {strides = array<i32>} : memref<96x128xf32, #tpu.memory_space<vmem>>, vector<16xf32>,
      tpu.vector_store %arg14[%swap3A_278, %swap3A_279], %gather3A_277 {strides = array<i32>} : memref<96x128xf32, #tpu.memory_space<vmem>>, vector<16xf32>,
      %gather3A_281 = tpu.vector_load_idx %arg11[%add3A_272, %broadcast_in_dim3A] : memref<128x96xf32, #tpu.memory_space<vmem>>[vector<16xi32>, vector<16xi32>], vector<16xf32>,
      %swap3A_282 = arith.index_cast %scan3A_256 : i32 to index
      %swap3A_283 = arith.constant 16 : index
      %swap3A_284 = tpu.vector_load %arg15[%swap3A_282, %swap3A_283] {strides = array<i32>} : memref<96x128xf32, #tpu.memory_space<vmem>>, vector<16xf32>,
      tpu.vector_store %arg15[%swap3A_282, %swap3A_283], %gather3A_281 {strides = array<i32>} : memref<96x128xf32, #tpu.memory_space<vmem>>, vector<16xf32>,
      %add3A_285 = arith.constant 32 : i32
      %add3A_286 = vector.broadcast %add3A_285 : i32 to vector<16xi32>
      %add3A_287 = arith.addi %iota3A, %add3A_286 : vector<16xi32>
      %gather3A_288 = tpu.vector_load_idx %arg12[%add3A_287, %broadcast_in_dim3A] : memref<128x96xf32, #tpu.memory_space<vmem>>[vector<16xi32>, vector<16xi32>], vector<16xf32>,
      %swap3A_289 = arith.index_cast %scan3A_256 : i32 to index
      %swap3A_290 = arith.constant 32 : index
      %swap3A_291 = tpu.vector_load %arg13[%swap3A_289, %swap3A_290] {strides = array<i32>} : memref<96x128xf32, #tpu.memory_space<vmem>>, vector<16xf32>,
      tpu.vector_store %arg13[%swap3A_289, %swap3A_290], %gather3A_288 {strides = array<i32>} : memref<96x128xf32, #tpu.memory_space<vmem>>, vector<16xf32>,
      %gather3A_292 = tpu.vector_load_idx %arg10[%add3A_287, %broadcast_in_dim3A] : memref<128x96xf32, #tpu.memory_space<vmem>>[vector<16xi32>, vector<16xi32>], vector<16xf32>,
      %swap3A_293 = arith.index_cast %scan3A_256 : i32 to index
      %swap3A_294 = arith.constant 32 : index
      %swap3A_295 = tpu.vector_load %arg14[%swap3A_293, %swap3A_294] {strides = array<i32>} : memref<96x128xf32, #tpu.memory_space<vmem>>, vector<16xf32>,
      tpu.vector_store %arg14[%swap3A_293, %swap3A_294], %gather3A_292 {strides = array<i32>} : memref<96x128xf32, #tpu.memory_space<vmem>>, vector<16xf32>,
      %gather3A_296 = tpu.vector_load_idx %arg11[%add3A_287, %broadcast_in_dim3A] : memref<128x96xf32, #tpu.memory_space<vmem>>[vector<16xi32>, vector<16xi32>], vector<16xf32>,
      %swap3A_297 = arith.index_cast %scan3A_256 : i32 to index
      %swap3A_298 = arith.constant 32 : index
      %swap3A_299 = tpu.vector_load %arg15[%swap3A_297, %swap3A_298] {strides = array<i32>} : memref<96x128xf32, #tpu.memory_space<vmem>>, vector<16xf32>,
      tpu.vector_store %arg15[%swap3A_297, %swap3A_298], %gather3A_296 {strides = array<i32>} : memref<96x128xf32, #tpu.memory_space<vmem>>, vector<16xf32>,
      %add3A_300 = arith.constant 48 : i32
      %add3A_301 = vector.broadcast %add3A_300 : i32 to vector<16xi32>
      %add3A_302 = arith.addi %iota3A, %add3A_301 : vector<16xi32>
      %gather3A_303 = tpu.vector_load_idx %arg12[%add3A_302, %broadcast_in_dim3A] : memref<128x96xf32, #tpu.memory_space<vmem>>[vector<16xi32>, vector<16xi32>], vector<16xf32>,
      %swap3A_304 = arith.index_cast %scan3A_256 : i32 to index
      %swap3A_305 = arith.constant 48 : index
      %swap3A_306 = tpu.vector_load %arg13[%swap3A_304, %swap3A_305] {strides = array<i32>} : memref<96x128xf32, #tpu.memory_space<vmem>>, vector<16xf32>,
      tpu.vector_store %arg13[%swap3A_304, %swap3A_305], %gather3A_303 {strides = array<i32>} : memref<96x128xf32, #tpu.memory_space<vmem>>, vector<16xf32>,
      %gather3A_307 = tpu.vector_load_idx %arg10[%add3A_302, %broadcast_in_dim3A] : memref<128x96xf32, #tpu.memory_space<vmem>>[vector<16xi32>, vector<16xi32>], vector<16xf32>,
      %swap3A_308 = arith.index_cast %scan3A_256 : i32 to index
      %swap3A_309 = arith.constant 48 : index
      %swap3A_310 = tpu.vector_load %arg14[%swap3A_308, %swap3A_309] {strides = array<i32>} : memref<96x128xf32, #tpu.memory_space<vmem>>, vector<16xf32>,
      tpu.vector_store %arg14[%swap3A_308, %swap3A_309], %gather3A_307 {strides = array<i32>} : memref<96x128xf32, #tpu.memory_space<vmem>>, vector<16xf32>,
      %gather3A_311 = tpu.vector_load_idx %arg11[%add3A_302, %broadcast_in_dim3A] : memref<128x96xf32, #tpu.memory_space<vmem>>[vector<16xi32>, vector<16xi32>], vector<16xf32>,
      %swap3A_312 = arith.index_cast %scan3A_256 : i32 to index
      %swap3A_313 = arith.constant 48 : index
      %swap3A_314 = tpu.vector_load %arg15[%swap3A_312, %swap3A_313] {strides = array<i32>} : memref<96x128xf32, #tpu.memory_space<vmem>>, vector<16xf32>,
      tpu.vector_store %arg15[%swap3A_312, %swap3A_313], %gather3A_311 {strides = array<i32>} : memref<96x128xf32, #tpu.memory_space<vmem>>, vector<16xf32>,
      %add3A_315 = arith.constant 64 : i32
      %add3A_316 = vector.broadcast %add3A_315 : i32 to vector<16xi32>
      %add3A_317 = arith.addi %iota3A, %add3A_316 : vector<16xi32>
      %gather3A_318 = tpu.vector_load_idx %arg12[%add3A_317, %broadcast_in_dim3A] : memref<128x96xf32, #tpu.memory_space<vmem>>[vector<16xi32>, vector<16xi32>], vector<16xf32>,
      %swap3A_319 = arith.index_cast %scan3A_256 : i32 to index
      %swap3A_320 = arith.constant 64 : index
      %swap3A_321 = tpu.vector_load %arg13[%swap3A_319, %swap3A_320] {strides = array<i32>} : memref<96x128xf32, #tpu.memory_space<vmem>>, vector<16xf32>,
      tpu.vector_store %arg13[%swap3A_319, %swap3A_320], %gather3A_318 {strides = array<i32>} : memref<96x128xf32, #tpu.memory_space<vmem>>, vector<16xf32>,
      %gather3A_322 = tpu.vector_load_idx %arg10[%add3A_317, %broadcast_in_dim3A] : memref<128x96xf32, #tpu.memory_space<vmem>>[vector<16xi32>, vector<16xi32>], vector<16xf32>,
      %swap3A_323 = arith.index_cast %scan3A_256 : i32 to index
      %swap3A_324 = arith.constant 64 : index
      %swap3A_325 = tpu.vector_load %arg14[%swap3A_323, %swap3A_324] {strides = array<i32>} : memref<96x128xf32, #tpu.memory_space<vmem>>, vector<16xf32>,
      tpu.vector_store %arg14[%swap3A_323, %swap3A_324], %gather3A_322 {strides = array<i32>} : memref<96x128xf32, #tpu.memory_space<vmem>>, vector<16xf32>,
      %gather3A_326 = tpu.vector_load_idx %arg11[%add3A_317, %broadcast_in_dim3A] : memref<128x96xf32, #tpu.memory_space<vmem>>[vector<16xi32>, vector<16xi32>], vector<16xf32>,
      %swap3A_327 = arith.index_cast %scan3A_256 : i32 to index
      %swap3A_328 = arith.constant 64 : index
      %swap3A_329 = tpu.vector_load %arg15[%swap3A_327, %swap3A_328] {strides = array<i32>} : memref<96x128xf32, #tpu.memory_space<vmem>>, vector<16xf32>,
      tpu.vector_store %arg15[%swap3A_327, %swap3A_328], %gather3A_326 {strides = array<i32>} : memref<96x128xf32, #tpu.memory_space<vmem>>, vector<16xf32>,
      %add3A_330 = arith.constant 80 : i32
      %add3A_331 = vector.broadcast %add3A_330 : i32 to vector<16xi32>
      %add3A_332 = arith.addi %iota3A, %add3A_331 : vector<16xi32>
      %gather3A_333 = tpu.vector_load_idx %arg12[%add3A_332, %broadcast_in_dim3A] : memref<128x96xf32, #tpu.memory_space<vmem>>[vector<16xi32>, vector<16xi32>], vector<16xf32>,
      %swap3A_334 = arith.index_cast %scan3A_256 : i32 to index
      %swap3A_335 = arith.constant 80 : index
      %swap3A_336 = tpu.vector_load %arg13[%swap3A_334, %swap3A_335] {strides = array<i32>} : memref<96x128xf32, #tpu.memory_space<vmem>>, vector<16xf32>,
      tpu.vector_store %arg13[%swap3A_334, %swap3A_335], %gather3A_333 {strides = array<i32>} : memref<96x128xf32, #tpu.memory_space<vmem>>, vector<16xf32>,
      %gather3A_337 = tpu.vector_load_idx %arg10[%add3A_332, %broadcast_in_dim3A] : memref<128x96xf32, #tpu.memory_space<vmem>>[vector<16xi32>, vector<16xi32>], vector<16xf32>,
      %swap3A_338 = arith.index_cast %scan3A_256 : i32 to index
      %swap3A_339 = arith.constant 80 : index
      %swap3A_340 = tpu.vector_load %arg14[%swap3A_338, %swap3A_339] {strides = array<i32>} : memref<96x128xf32, #tpu.memory_space<vmem>>, vector<16xf32>,
      tpu.vector_store %arg14[%swap3A_338, %swap3A_339], %gather3A_337 {strides = array<i32>} : memref<96x128xf32, #tpu.memory_space<vmem>>, vector<16xf32>,
      %gather3A_341 = tpu.vector_load_idx %arg11[%add3A_332, %broadcast_in_dim3A] : memref<128x96xf32, #tpu.memory_space<vmem>>[vector<16xi32>, vector<16xi32>], vector<16xf32>,
      %swap3A_342 = arith.index_cast %scan3A_256 : i32 to index
      %swap3A_343 = arith.constant 80 : index
      %swap3A_344 = tpu.vector_load %arg15[%swap3A_342, %swap3A_343] {strides = array<i32>} : memref<96x128xf32, #tpu.memory_space<vmem>>, vector<16xf32>,
      tpu.vector_store %arg15[%swap3A_342, %swap3A_343], %gather3A_341 {strides = array<i32>} : memref<96x128xf32, #tpu.memory_space<vmem>>, vector<16xf32>,
      %add3A_345 = arith.constant 96 : i32
      %add3A_346 = vector.broadcast %add3A_345 : i32 to vector<16xi32>
      %add3A_347 = arith.addi %iota3A, %add3A_346 : vector<16xi32>
      %gather3A_348 = tpu.vector_load_idx %arg12[%add3A_347, %broadcast_in_dim3A] : memref<128x96xf32, #tpu.memory_space<vmem>>[vector<16xi32>, vector<16xi32>], vector<16xf32>,
      %swap3A_349 = arith.index_cast %scan3A_256 : i32 to index
      %swap3A_350 = arith.constant 96 : index
      %swap3A_351 = tpu.vector_load %arg13[%swap3A_349, %swap3A_350] {strides = array<i32>} : memref<96x128xf32, #tpu.memory_space<vmem>>, vector<16xf32>,
      tpu.vector_store %arg13[%swap3A_349, %swap3A_350], %gather3A_348 {strides = array<i32>} : memref<96x128xf32, #tpu.memory_space<vmem>>, vector<16xf32>,
      %gather3A_352 = tpu.vector_load_idx %arg10[%add3A_347, %broadcast_in_dim3A] : memref<128x96xf32, #tpu.memory_space<vmem>>[vector<16xi32>, vector<16xi32>], vector<16xf32>,
      %swap3A_353 = arith.index_cast %scan3A_256 : i32 to index
      %swap3A_354 = arith.constant 96 : index
      %swap3A_355 = tpu.vector_load %arg14[%swap3A_353, %swap3A_354] {strides = array<i32>} : memref<96x128xf32, #tpu.memory_space<vmem>>, vector<16xf32>,
      tpu.vector_store %arg14[%swap3A_353, %swap3A_354], %gather3A_352 {strides = array<i32>} : memref<96x128xf32, #tpu.memory_space<vmem>>, vector<16xf32>,
      %gather3A_356 = tpu.vector_load_idx %arg11[%add3A_347, %broadcast_in_dim3A] : memref<128x96xf32, #tpu.memory_space<vmem>>[vector<16xi32>, vector<16xi32>], vector<16xf32>,
      %swap3A_357 = arith.index_cast %scan3A_256 : i32 to index
      %swap3A_358 = arith.constant 96 : index
      %swap3A_359 = tpu.vector_load %arg15[%swap3A_357, %swap3A_358] {strides = array<i32>} : memref<96x128xf32, #tpu.memory_space<vmem>>, vector<16xf32>,
      tpu.vector_store %arg15[%swap3A_357, %swap3A_358], %gather3A_356 {strides = array<i32>} : memref<96x128xf32, #tpu.memory_space<vmem>>, vector<16xf32>,
      %add3A_360 = arith.constant 112 : i32
      %add3A_361 = vector.broadcast %add3A_360 : i32 to vector<16xi32>
      %add3A_362 = arith.addi %iota3A, %add3A_361 : vector<16xi32>
      %gather3A_363 = tpu.vector_load_idx %arg12[%add3A_362, %broadcast_in_dim3A] : memref<128x96xf32, #tpu.memory_space<vmem>>[vector<16xi32>, vector<16xi32>], vector<16xf32>,
      %swap3A_364 = arith.index_cast %scan3A_256 : i32 to index
      %swap3A_365 = arith.constant 112 : index
      %swap3A_366 = tpu.vector_load %arg13[%swap3A_364, %swap3A_365] {strides = array<i32>} : memref<96x128xf32, #tpu.memory_space<vmem>>, vector<16xf32>,
      tpu.vector_store %arg13[%swap3A_364, %swap3A_365], %gather3A_363 {strides = array<i32>} : memref<96x128xf32, #tpu.memory_space<vmem>>, vector<16xf32>,
      %gather3A_367 = tpu.vector_load_idx %arg10[%add3A_362, %broadcast_in_dim3A] : memref<128x96xf32, #tpu.memory_space<vmem>>[vector<16xi32>, vector<16xi32>], vector<16xf32>,
      %swap3A_368 = arith.index_cast %scan3A_256 : i32 to index
      %swap3A_369 = arith.constant 112 : index
      %swap3A_370 = tpu.vector_load %arg14[%swap3A_368, %swap3A_369] {strides = array<i32>} : memref<96x128xf32, #tpu.memory_space<vmem>>, vector<16xf32>,
      tpu.vector_store %arg14[%swap3A_368, %swap3A_369], %gather3A_367 {strides = array<i32>} : memref<96x128xf32, #tpu.memory_space<vmem>>, vector<16xf32>,
      %gather3A_371 = tpu.vector_load_idx %arg11[%add3A_362, %broadcast_in_dim3A] : memref<128x96xf32, #tpu.memory_space<vmem>>[vector<16xi32>, vector<16xi32>], vector<16xf32>,
      %swap3A_372 = arith.index_cast %scan3A_256 : i32 to index
      %swap3A_373 = arith.constant 112 : index
      %swap3A_374 = tpu.vector_load %arg15[%swap3A_372, %swap3A_373] {strides = array<i32>} : memref<96x128xf32, #tpu.memory_space<vmem>>, vector<16xf32>,
      tpu.vector_store %arg15[%swap3A_372, %swap3A_373], %gather3A_371 {strides = array<i32>} : memref<96x128xf32, #tpu.memory_space<vmem>>, vector<16xf32>,
    }
    %scan3A_115 = arith.constant 96 : i32
    %scan3A_116 = arith.constant 0 : i32
    %scan3A_117 = arith.constant 0 : i32
    %scan3A_118 = arith.constant 96 : i32
    %scan3A_119 = arith.addi %scan3A_117, %scan3A_118 : i32
    %scan3A_120 = arith.constant 1 : i32
    scf.for %scan3A_256 = %scan3A_117 to %scan3A_119 step %scan3A_120  : i32 {
      %mul3A_257 = arith.constant 16384 : i32
      %mul3A_258 = arith.muli %scan3A_256, %mul3A_257 : i32
      %add3A_259 = arith.addi %mul3A_258, %mul3A_67 : i32
      %dma_start3A_260 = arith.constant 0 : i32
      %dma_start3A_261 = tpu.memref_slice %arg13[%scan3A_256, %dma_start3A_260] : memref<96x128xf32, #tpu.memory_space<vmem>> -> memref<1x128xf32, #tpu.memory_space<vmem>>
      %dma_start3A_262 = tpu.memref_squeeze %dma_start3A_261 : memref<1x128xf32, #tpu.memory_space<vmem>> -> memref<128xf32, #tpu.memory_space<vmem>>
      %dma_start3A_263 = tpu.memref_slice %arg6[%add3A_259] : memref<1572864xf32, #tpu.memory_space<hbm>> -> memref<128xf32, #tpu.memory_space<hbm>>
      %dma_start3A_264 = tpu.memref_slice %arg6[%add3A_259] : memref<1572864xf32, #tpu.memory_space<hbm>> -> memref<128xf32, #tpu.memory_space<hbm>>
      %dma_start3A_265 = arith.constant 0 : i32
      %dma_start3A_266 = tpu.memref_slice %arg13[%scan3A_256, %dma_start3A_265] : memref<96x128xf32, #tpu.memory_space<vmem>> -> memref<1x128xf32, #tpu.memory_space<vmem>>
      %dma_start3A_267 = tpu.memref_squeeze %dma_start3A_266 : memref<1x128xf32, #tpu.memory_space<vmem>> -> memref<128xf32, #tpu.memory_space<vmem>>
      tpu.enqueue_dma source(%dma_start3A_267 : memref<128xf32, #tpu.memory_space<vmem>>) target(%dma_start3A_264 : memref<128xf32, #tpu.memory_space<hbm>>) target_semaphore(%arg19 : memref<!tpu.dma_semaphore, #tpu.memory_space<semaphore_mem>>)
      %dma_start3A_268 = arith.constant 0 : i32
      %dma_start3A_269 = tpu.memref_slice %arg14[%scan3A_256, %dma_start3A_268] : memref<96x128xf32, #tpu.memory_space<vmem>> -> memref<1x128xf32, #tpu.memory_space<vmem>>
      %dma_start3A_270 = tpu.memref_squeeze %dma_start3A_269 : memref<1x128xf32, #tpu.memory_space<vmem>> -> memref<128xf32, #tpu.memory_space<vmem>>
      %dma_start3A_271 = tpu.memref_slice %arg7[%add3A_259] : memref<1572864xf32, #tpu.memory_space<hbm>> -> memref<128xf32, #tpu.memory_space<hbm>>
      %dma_start3A_272 = tpu.memref_slice %arg7[%add3A_259] : memref<1572864xf32, #tpu.memory_space<hbm>> -> memref<128xf32, #tpu.memory_space<hbm>>
      %dma_start3A_273 = arith.constant 0 : i32
      %dma_start3A_274 = tpu.memref_slice %arg14[%scan3A_256, %dma_start3A_273] : memref<96x128xf32, #tpu.memory_space<vmem>> -> memref<1x128xf32, #tpu.memory_space<vmem>>
      %dma_start3A_275 = tpu.memref_squeeze %dma_start3A_274 : memref<1x128xf32, #tpu.memory_space<vmem>> -> memref<128xf32, #tpu.memory_space<vmem>>
      tpu.enqueue_dma source(%dma_start3A_275 : memref<128xf32, #tpu.memory_space<vmem>>) target(%dma_start3A_272 : memref<128xf32, #tpu.memory_space<hbm>>) target_semaphore(%arg19 : memref<!tpu.dma_semaphore, #tpu.memory_space<semaphore_mem>>)
      %dma_start3A_276 = arith.constant 0 : i32
      %dma_start3A_277 = tpu.memref_slice %arg15[%scan3A_256, %dma_start3A_276] : memref<96x128xf32, #tpu.memory_space<vmem>> -> memref<1x128xf32, #tpu.memory_space<vmem>>
      %dma_start3A_278 = tpu.memref_squeeze %dma_start3A_277 : memref<1x128xf32, #tpu.memory_space<vmem>> -> memref<128xf32, #tpu.memory_space<vmem>>
      %dma_start3A_279 = tpu.memref_slice %arg8[%add3A_259] : memref<1572864xf32, #tpu.memory_space<hbm>> -> memref<128xf32, #tpu.memory_space<hbm>>
      %dma_start3A_280 = tpu.memref_slice %arg8[%add3A_259] : memref<1572864xf32, #tpu.memory_space<hbm>> -> memref<128xf32, #tpu.memory_space<hbm>>
      %dma_start3A_281 = arith.constant 0 : i32
      %dma_start3A_282 = tpu.memref_slice %arg15[%scan3A_256, %dma_start3A_281] : memref<96x128xf32, #tpu.memory_space<vmem>> -> memref<1x128xf32, #tpu.memory_space<vmem>>
      %dma_start3A_283 = tpu.memref_squeeze %dma_start3A_282 : memref<1x128xf32, #tpu.memory_space<vmem>> -> memref<128xf32, #tpu.memory_space<vmem>>
      tpu.enqueue_dma source(%dma_start3A_283 : memref<128xf32, #tpu.memory_space<vmem>>) target(%dma_start3A_280 : memref<128xf32, #tpu.memory_space<hbm>>) target_semaphore(%arg19 : memref<!tpu.dma_semaphore, #tpu.memory_space<semaphore_mem>>)
    }
    %scan3A_121 = arith.constant 96 : i32
    %scan3A_122 = arith.constant 0 : i32
    %scan3A_123 = arith.constant 0 : i32
    %scan3A_124 = arith.constant 96 : i32
    %scan3A_125 = arith.addi %scan3A_123, %scan3A_124 : i32
    %scan3A_126 = arith.constant 1 : i32
    scf.for %scan3A_256 = %scan3A_123 to %scan3A_125 step %scan3A_126  : i32 {
      %dma_wait3A_257 = arith.constant 0 : i32
      %dma_wait3A_258 = arith.constant 0 : i32
      %dma_wait3A_259 = tpu.memref_slice %arg13[%dma_wait3A_257, %dma_wait3A_258] : memref<96x128xf32, #tpu.memory_space<vmem>> -> memref<1x128xf32, #tpu.memory_space<vmem>>
      %dma_wait3A_260 = tpu.memref_squeeze %dma_wait3A_259 : memref<1x128xf32, #tpu.memory_space<vmem>> -> memref<128xf32, #tpu.memory_space<vmem>>
      %dma_wait3A_261 = arith.constant 0 : i32
      %dma_wait3A_262 = tpu.memref_slice %arg6[%dma_wait3A_261] : memref<1572864xf32, #tpu.memory_space<hbm>> -> memref<128xf32, #tpu.memory_space<hbm>>
      %dma_wait3A_263 = arith.constant 0 : i32
      %dma_wait3A_264 = tpu.memref_slice %arg6[%dma_wait3A_263] : memref<1572864xf32, #tpu.memory_space<hbm>> -> memref<128xf32, #tpu.memory_space<hbm>>
      %dma_wait3A_265 = arith.constant 0 : i32
      %dma_wait3A_266 = tpu.memref_slice %arg13[%dma_wait3A_257, %dma_wait3A_265] : memref<96x128xf32, #tpu.memory_space<vmem>> -> memref<1x128xf32, #tpu.memory_space<vmem>>
      %dma_wait3A_267 = tpu.memref_squeeze %dma_wait3A_266 : memref<1x128xf32, #tpu.memory_space<vmem>> -> memref<128xf32, #tpu.memory_space<vmem>>
      tpu.wait_dma2 semaphore(%arg19 : memref<!tpu.dma_semaphore, #tpu.memory_space<semaphore_mem>>) src(%dma_wait3A_267 : memref<128xf32, #tpu.memory_space<vmem>>) dst(%dma_wait3A_264 : memref<128xf32, #tpu.memory_space<hbm>>)
      %dma_wait3A_268 = arith.constant 0 : i32
      %dma_wait3A_269 = arith.constant 0 : i32
      %dma_wait3A_270 = tpu.memref_slice %arg14[%dma_wait3A_268, %dma_wait3A_269] : memref<96x128xf32, #tpu.memory_space<vmem>> -> memref<1x128xf32, #tpu.memory_space<vmem>>
      %dma_wait3A_271 = tpu.memref_squeeze %dma_wait3A_270 : memref<1x128xf32, #tpu.memory_space<vmem>> -> memref<128xf32, #tpu.memory_space<vmem>>
      %dma_wait3A_272 = arith.constant 0 : i32
      %dma_wait3A_273 = tpu.memref_slice %arg7[%dma_wait3A_272] : memref<1572864xf32, #tpu.memory_space<hbm>> -> memref<128xf32, #tpu.memory_space<hbm>>
      %dma_wait3A_274 = arith.constant 0 : i32
      %dma_wait3A_275 = tpu.memref_slice %arg7[%dma_wait3A_274] : memref<1572864xf32, #tpu.memory_space<hbm>> -> memref<128xf32, #tpu.memory_space<hbm>>
      %dma_wait3A_276 = arith.constant 0 : i32
      %dma_wait3A_277 = tpu.memref_slice %arg14[%dma_wait3A_268, %dma_wait3A_276] : memref<96x128xf32, #tpu.memory_space<vmem>> -> memref<1x128xf32, #tpu.memory_space<vmem>>
      %dma_wait3A_278 = tpu.memref_squeeze %dma_wait3A_277 : memref<1x128xf32, #tpu.memory_space<vmem>> -> memref<128xf32, #tpu.memory_space<vmem>>
      tpu.wait_dma2 semaphore(%arg19 : memref<!tpu.dma_semaphore, #tpu.memory_space<semaphore_mem>>) src(%dma_wait3A_278 : memref<128xf32, #tpu.memory_space<vmem>>) dst(%dma_wait3A_275 : memref<128xf32, #tpu.memory_space<hbm>>)
      %dma_wait3A_279 = arith.constant 0 : i32
      %dma_wait3A_280 = arith.constant 0 : i32
      %dma_wait3A_281 = tpu.memref_slice %arg15[%dma_wait3A_279, %dma_wait3A_280] : memref<96x128xf32, #tpu.memory_space<vmem>> -> memref<1x128xf32, #tpu.memory_space<vmem>>
      %dma_wait3A_282 = tpu.memref_squeeze %dma_wait3A_281 : memref<1x128xf32, #tpu.memory_space<vmem>> -> memref<128xf32, #tpu.memory_space<vmem>>
      %dma_wait3A_283 = arith.constant 0 : i32
      %dma_wait3A_284 = tpu.memref_slice %arg8[%dma_wait3A_283] : memref<1572864xf32, #tpu.memory_space<hbm>> -> memref<128xf32, #tpu.memory_space<hbm>>
      %dma_wait3A_285 = arith.constant 0 : i32
      %dma_wait3A_286 = tpu.memref_slice %arg8[%dma_wait3A_285] : memref<1572864xf32, #tpu.memory_space<hbm>> -> memref<128xf32, #tpu.memory_space<hbm>>
      %dma_wait3A_287 = arith.constant 0 : i32
      %dma_wait3A_288 = tpu.memref_slice %arg15[%dma_wait3A_279, %dma_wait3A_287] : memref<96x128xf32, #tpu.memory_space<vmem>> -> memref<1x128xf32, #tpu.memory_space<vmem>>
      %dma_wait3A_289 = tpu.memref_squeeze %dma_wait3A_288 : memref<1x128xf32, #tpu.memory_space<vmem>> -> memref<128xf32, #tpu.memory_space<vmem>>
      tpu.wait_dma2 semaphore(%arg19 : memref<!tpu.dma_semaphore, #tpu.memory_space<semaphore_mem>>) src(%dma_wait3A_289 : memref<128xf32, #tpu.memory_space<vmem>>) dst(%dma_wait3A_286 : memref<128xf32, #tpu.memory_space<hbm>>)
    }
    %scan3A_127 = arith.constant 96 : i32
    %add3A_128 = arith.constant 2 : i32
    %add3A_129 = arith.addi %mul3A_2, %add3A_128 : i32
    %mul3A_130 = arith.constant 128 : i32
    %mul3A_131 = arith.muli %add3A_129, %mul3A_130 : i32
    %dma_start3A_132 = arith.constant 2 : i32
    %dma_start3A_133 = arith.constant 0 : i32
    %dma_start3A_134 = tpu.memref_slice %arg9[%dma_start3A_132, %dma_start3A_133] : memref<4x128xi32, #tpu.memory_space<vmem>> -> memref<1x128xi32, #tpu.memory_space<vmem>>
    %dma_start3A_135 = tpu.memref_squeeze %dma_start3A_134 : memref<1x128xi32, #tpu.memory_space<vmem>> -> memref<128xi32, #tpu.memory_space<vmem>>
    %dma_start3A_136 = arith.constant 0 : i32
    %dma_start3A_137 = arith.constant 0 : i32
    %dma_start3A_138 = tpu.memref_slice %arg4[%dma_start3A_136, %dma_start3A_137] : memref<1000001x96xf32, #tpu.memory_space<hbm>> -> memref<1000001x96xf32, #tpu.memory_space<hbm>>
    tpu.enqueue_indirect_dma source(%dma_start3A_138 : memref<1000001x96xf32, #tpu.memory_space<hbm>>) target(%arg10 : memref<128x96xf32, #tpu.memory_space<vmem>>) offsets(%dma_start3A_135 : memref<128xi32, #tpu.memory_space<vmem>>) semaphore(%arg16 : memref<!tpu.dma_semaphore, #tpu.memory_space<semaphore_mem>>)
    %dma_start3A_139 = arith.constant 2 : i32
    %dma_start3A_140 = arith.constant 0 : i32
    %dma_start3A_141 = tpu.memref_slice %arg9[%dma_start3A_139, %dma_start3A_140] : memref<4x128xi32, #tpu.memory_space<vmem>> -> memref<1x128xi32, #tpu.memory_space<vmem>>
    %dma_start3A_142 = tpu.memref_squeeze %dma_start3A_141 : memref<1x128xi32, #tpu.memory_space<vmem>> -> memref<128xi32, #tpu.memory_space<vmem>>
    %dma_start3A_143 = arith.constant 0 : i32
    %dma_start3A_144 = arith.constant 0 : i32
    %dma_start3A_145 = tpu.memref_slice %arg5[%dma_start3A_143, %dma_start3A_144] : memref<1000001x96xf32, #tpu.memory_space<hbm>> -> memref<1000001x96xf32, #tpu.memory_space<hbm>>
    tpu.enqueue_indirect_dma source(%dma_start3A_145 : memref<1000001x96xf32, #tpu.memory_space<hbm>>) target(%arg11 : memref<128x96xf32, #tpu.memory_space<vmem>>) offsets(%dma_start3A_142 : memref<128xi32, #tpu.memory_space<vmem>>) semaphore(%arg17 : memref<!tpu.dma_semaphore, #tpu.memory_space<semaphore_mem>>)
    %dma_start3A_146 = arith.constant 0 : i32
    %dma_start3A_147 = tpu.memref_slice %arg3[%mul3A_131, %dma_start3A_146] : memref<16384x96xf32, #tpu.memory_space<hbm>> -> memref<128x96xf32, #tpu.memory_space<hbm>>
    %dma_start3A_148 = arith.constant 0 : i32
    %dma_start3A_149 = tpu.memref_slice %arg3[%mul3A_131, %dma_start3A_148] : memref<16384x96xf32, #tpu.memory_space<hbm>> -> memref<128x96xf32, #tpu.memory_space<hbm>>
    tpu.enqueue_dma source(%dma_start3A_149 : memref<128x96xf32, #tpu.memory_space<hbm>>) target(%arg12 : memref<128x96xf32, #tpu.memory_space<vmem>>) target_semaphore(%arg18 : memref<!tpu.dma_semaphore, #tpu.memory_space<semaphore_mem>>)
    %dma_wait3A_150 = arith.constant 2 : i32
    %dma_wait3A_151 = arith.constant 0 : i32
    %dma_wait3A_152 = tpu.memref_slice %arg9[%dma_wait3A_150, %dma_wait3A_151] : memref<4x128xi32, #tpu.memory_space<vmem>> -> memref<1x128xi32, #tpu.memory_space<vmem>>
    %dma_wait3A_153 = tpu.memref_squeeze %dma_wait3A_152 : memref<1x128xi32, #tpu.memory_space<vmem>> -> memref<128xi32, #tpu.memory_space<vmem>>
    %dma_wait3A_154 = arith.constant 0 : i32
    %dma_wait3A_155 = arith.constant 0 : i32
    %dma_wait3A_156 = tpu.memref_slice %arg4[%dma_wait3A_154, %dma_wait3A_155] : memref<1000001x96xf32, #tpu.memory_space<hbm>> -> memref<1000001x96xf32, #tpu.memory_space<hbm>>
    tpu.wait_indirect_dma semaphore(%arg16 : memref<!tpu.dma_semaphore, #tpu.memory_space<semaphore_mem>>) src(%dma_wait3A_156 : memref<1000001x96xf32, #tpu.memory_space<hbm>>) dst(%arg10 : memref<128x96xf32, #tpu.memory_space<vmem>>)
    %dma_wait3A_157 = arith.constant 2 : i32
    %dma_wait3A_158 = arith.constant 0 : i32
    %dma_wait3A_159 = tpu.memref_slice %arg9[%dma_wait3A_157, %dma_wait3A_158] : memref<4x128xi32, #tpu.memory_space<vmem>> -> memref<1x128xi32, #tpu.memory_space<vmem>>
    %dma_wait3A_160 = tpu.memref_squeeze %dma_wait3A_159 : memref<1x128xi32, #tpu.memory_space<vmem>> -> memref<128xi32, #tpu.memory_space<vmem>>
    %dma_wait3A_161 = arith.constant 0 : i32
    %dma_wait3A_162 = arith.constant 0 : i32
    %dma_wait3A_163 = tpu.memref_slice %arg5[%dma_wait3A_161, %dma_wait3A_162] : memref<1000001x96xf32, #tpu.memory_space<hbm>> -> memref<1000001x96xf32, #tpu.memory_space<hbm>>
    tpu.wait_indirect_dma semaphore(%arg17 : memref<!tpu.dma_semaphore, #tpu.memory_space<semaphore_mem>>) src(%dma_wait3A_163 : memref<1000001x96xf32, #tpu.memory_space<hbm>>) dst(%arg11 : memref<128x96xf32, #tpu.memory_space<vmem>>)
    %dma_wait3A_164 = arith.constant 0 : i32
    %dma_wait3A_165 = tpu.memref_slice %arg3[%mul3A_131, %dma_wait3A_164] : memref<16384x96xf32, #tpu.memory_space<hbm>> -> memref<128x96xf32, #tpu.memory_space<hbm>>
    %dma_wait3A_166 = arith.constant 0 : i32
    %dma_wait3A_167 = tpu.memref_slice %arg3[%mul3A_131, %dma_wait3A_166] : memref<16384x96xf32, #tpu.memory_space<hbm>> -> memref<128x96xf32, #tpu.memory_space<hbm>>
    tpu.wait_dma2 semaphore(%arg18 : memref<!tpu.dma_semaphore, #tpu.memory_space<semaphore_mem>>) src(%dma_wait3A_167 : memref<128x96xf32, #tpu.memory_space<hbm>>) dst(%arg12 : memref<128x96xf32, #tpu.memory_space<vmem>>)
    %scan3A_168 = arith.constant 0 : i32
    %scan3A_169 = arith.constant 0 : i32
    %scan3A_170 = arith.constant 128 : i32
    %scan3A_171 = arith.addi %scan3A_169, %scan3A_170 : i32
    %scan3A_172 = arith.constant 1 : i32
    scf.for %scan3A_256 = %scan3A_169 to %scan3A_171 step %scan3A_172  : i32 {
      %get3A = arith.index_cast %scan3A_256 : i32 to index
      %get3A_257 = arith.constant 0 : index
      %get3A_258 = tpu.vector_load %arg10[%get3A, %get3A_257] {strides = array<i32>} : memref<128x96xf32, #tpu.memory_space<vmem>>, vector<16xf32>,
      %get3A_259 = arith.index_cast %scan3A_256 : i32 to index
      %get3A_260 = arith.constant 0 : index
      %get3A_261 = tpu.vector_load %arg11[%get3A_259, %get3A_260] {strides = array<i32>} : memref<128x96xf32, #tpu.memory_space<vmem>>, vector<16xf32>,
      %mul3A_262 = arith.constant 5.000000e-01 : f32
      %mul3A_263 = vector.broadcast %mul3A_262 : f32 to vector<16xf32>
      %mul3A_264 = arith.mulf %get3A_261, %mul3A_263 : vector<16xf32>
      %exp3A = math.exp %mul3A_264 : vector<16xf32>
      %get3A_265 = arith.index_cast %scan3A_256 : i32 to index
      %get3A_266 = arith.constant 0 : index
      %get3A_267 = tpu.vector_load %arg12[%get3A_265, %get3A_266] {strides = array<i32>} : memref<128x96xf32, #tpu.memory_space<vmem>>, vector<16xf32>,
      %mul3A_268 = arith.mulf %exp3A, %get3A_267 : vector<16xf32>
      %add3A_269 = arith.addf %get3A_258, %mul3A_268 : vector<16xf32>
      %swap3A = arith.index_cast %scan3A_256 : i32 to index
      %swap3A_270 = arith.constant 0 : index
      %swap3A_271 = tpu.vector_load %arg12[%swap3A, %swap3A_270] {strides = array<i32>} : memref<128x96xf32, #tpu.memory_space<vmem>>, vector<16xf32>,
      tpu.vector_store %arg12[%swap3A, %swap3A_270], %add3A_269 {strides = array<i32>} : memref<128x96xf32, #tpu.memory_space<vmem>>, vector<16xf32>,
      %get3A_272 = arith.index_cast %scan3A_256 : i32 to index
      %get3A_273 = arith.constant 16 : index
      %get3A_274 = tpu.vector_load %arg10[%get3A_272, %get3A_273] {strides = array<i32>} : memref<128x96xf32, #tpu.memory_space<vmem>>, vector<16xf32>,
      %get3A_275 = arith.index_cast %scan3A_256 : i32 to index
      %get3A_276 = arith.constant 16 : index
      %get3A_277 = tpu.vector_load %arg11[%get3A_275, %get3A_276] {strides = array<i32>} : memref<128x96xf32, #tpu.memory_space<vmem>>, vector<16xf32>,
      %mul3A_278 = arith.constant 5.000000e-01 : f32
      %mul3A_279 = vector.broadcast %mul3A_278 : f32 to vector<16xf32>
      %mul3A_280 = arith.mulf %get3A_277, %mul3A_279 : vector<16xf32>
      %exp3A_281 = math.exp %mul3A_280 : vector<16xf32>
      %get3A_282 = arith.index_cast %scan3A_256 : i32 to index
      %get3A_283 = arith.constant 16 : index
      %get3A_284 = tpu.vector_load %arg12[%get3A_282, %get3A_283] {strides = array<i32>} : memref<128x96xf32, #tpu.memory_space<vmem>>, vector<16xf32>,
      %mul3A_285 = arith.mulf %exp3A_281, %get3A_284 : vector<16xf32>
      %add3A_286 = arith.addf %get3A_274, %mul3A_285 : vector<16xf32>
      %swap3A_287 = arith.index_cast %scan3A_256 : i32 to index
      %swap3A_288 = arith.constant 16 : index
      %swap3A_289 = tpu.vector_load %arg12[%swap3A_287, %swap3A_288] {strides = array<i32>} : memref<128x96xf32, #tpu.memory_space<vmem>>, vector<16xf32>,
      tpu.vector_store %arg12[%swap3A_287, %swap3A_288], %add3A_286 {strides = array<i32>} : memref<128x96xf32, #tpu.memory_space<vmem>>, vector<16xf32>,
      %get3A_290 = arith.index_cast %scan3A_256 : i32 to index
      %get3A_291 = arith.constant 32 : index
      %get3A_292 = tpu.vector_load %arg10[%get3A_290, %get3A_291] {strides = array<i32>} : memref<128x96xf32, #tpu.memory_space<vmem>>, vector<16xf32>,
      %get3A_293 = arith.index_cast %scan3A_256 : i32 to index
      %get3A_294 = arith.constant 32 : index
      %get3A_295 = tpu.vector_load %arg11[%get3A_293, %get3A_294] {strides = array<i32>} : memref<128x96xf32, #tpu.memory_space<vmem>>, vector<16xf32>,
      %mul3A_296 = arith.constant 5.000000e-01 : f32
      %mul3A_297 = vector.broadcast %mul3A_296 : f32 to vector<16xf32>
      %mul3A_298 = arith.mulf %get3A_295, %mul3A_297 : vector<16xf32>
      %exp3A_299 = math.exp %mul3A_298 : vector<16xf32>
      %get3A_300 = arith.index_cast %scan3A_256 : i32 to index
      %get3A_301 = arith.constant 32 : index
      %get3A_302 = tpu.vector_load %arg12[%get3A_300, %get3A_301] {strides = array<i32>} : memref<128x96xf32, #tpu.memory_space<vmem>>, vector<16xf32>,
      %mul3A_303 = arith.mulf %exp3A_299, %get3A_302 : vector<16xf32>
      %add3A_304 = arith.addf %get3A_292, %mul3A_303 : vector<16xf32>
      %swap3A_305 = arith.index_cast %scan3A_256 : i32 to index
      %swap3A_306 = arith.constant 32 : index
      %swap3A_307 = tpu.vector_load %arg12[%swap3A_305, %swap3A_306] {strides = array<i32>} : memref<128x96xf32, #tpu.memory_space<vmem>>, vector<16xf32>,
      tpu.vector_store %arg12[%swap3A_305, %swap3A_306], %add3A_304 {strides = array<i32>} : memref<128x96xf32, #tpu.memory_space<vmem>>, vector<16xf32>,
      %get3A_308 = arith.index_cast %scan3A_256 : i32 to index
      %get3A_309 = arith.constant 48 : index
      %get3A_310 = tpu.vector_load %arg10[%get3A_308, %get3A_309] {strides = array<i32>} : memref<128x96xf32, #tpu.memory_space<vmem>>, vector<16xf32>,
      %get3A_311 = arith.index_cast %scan3A_256 : i32 to index
      %get3A_312 = arith.constant 48 : index
      %get3A_313 = tpu.vector_load %arg11[%get3A_311, %get3A_312] {strides = array<i32>} : memref<128x96xf32, #tpu.memory_space<vmem>>, vector<16xf32>,
      %mul3A_314 = arith.constant 5.000000e-01 : f32
      %mul3A_315 = vector.broadcast %mul3A_314 : f32 to vector<16xf32>
      %mul3A_316 = arith.mulf %get3A_313, %mul3A_315 : vector<16xf32>
      %exp3A_317 = math.exp %mul3A_316 : vector<16xf32>
      %get3A_318 = arith.index_cast %scan3A_256 : i32 to index
      %get3A_319 = arith.constant 48 : index
      %get3A_320 = tpu.vector_load %arg12[%get3A_318, %get3A_319] {strides = array<i32>} : memref<128x96xf32, #tpu.memory_space<vmem>>, vector<16xf32>,
      %mul3A_321 = arith.mulf %exp3A_317, %get3A_320 : vector<16xf32>
      %add3A_322 = arith.addf %get3A_310, %mul3A_321 : vector<16xf32>
      %swap3A_323 = arith.index_cast %scan3A_256 : i32 to index
      %swap3A_324 = arith.constant 48 : index
      %swap3A_325 = tpu.vector_load %arg12[%swap3A_323, %swap3A_324] {strides = array<i32>} : memref<128x96xf32, #tpu.memory_space<vmem>>, vector<16xf32>,
      tpu.vector_store %arg12[%swap3A_323, %swap3A_324], %add3A_322 {strides = array<i32>} : memref<128x96xf32, #tpu.memory_space<vmem>>, vector<16xf32>,
      %get3A_326 = arith.index_cast %scan3A_256 : i32 to index
      %get3A_327 = arith.constant 64 : index
      %get3A_328 = tpu.vector_load %arg10[%get3A_326, %get3A_327] {strides = array<i32>} : memref<128x96xf32, #tpu.memory_space<vmem>>, vector<16xf32>,
      %get3A_329 = arith.index_cast %scan3A_256 : i32 to index
      %get3A_330 = arith.constant 64 : index
      %get3A_331 = tpu.vector_load %arg11[%get3A_329, %get3A_330] {strides = array<i32>} : memref<128x96xf32, #tpu.memory_space<vmem>>, vector<16xf32>,
      %mul3A_332 = arith.constant 5.000000e-01 : f32
      %mul3A_333 = vector.broadcast %mul3A_332 : f32 to vector<16xf32>
      %mul3A_334 = arith.mulf %get3A_331, %mul3A_333 : vector<16xf32>
      %exp3A_335 = math.exp %mul3A_334 : vector<16xf32>
      %get3A_336 = arith.index_cast %scan3A_256 : i32 to index
      %get3A_337 = arith.constant 64 : index
      %get3A_338 = tpu.vector_load %arg12[%get3A_336, %get3A_337] {strides = array<i32>} : memref<128x96xf32, #tpu.memory_space<vmem>>, vector<16xf32>,
      %mul3A_339 = arith.mulf %exp3A_335, %get3A_338 : vector<16xf32>
      %add3A_340 = arith.addf %get3A_328, %mul3A_339 : vector<16xf32>
      %swap3A_341 = arith.index_cast %scan3A_256 : i32 to index
      %swap3A_342 = arith.constant 64 : index
      %swap3A_343 = tpu.vector_load %arg12[%swap3A_341, %swap3A_342] {strides = array<i32>} : memref<128x96xf32, #tpu.memory_space<vmem>>, vector<16xf32>,
      tpu.vector_store %arg12[%swap3A_341, %swap3A_342], %add3A_340 {strides = array<i32>} : memref<128x96xf32, #tpu.memory_space<vmem>>, vector<16xf32>,
      %get3A_344 = arith.index_cast %scan3A_256 : i32 to index
      %get3A_345 = arith.constant 80 : index
      %get3A_346 = tpu.vector_load %arg10[%get3A_344, %get3A_345] {strides = array<i32>} : memref<128x96xf32, #tpu.memory_space<vmem>>, vector<16xf32>,
      %get3A_347 = arith.index_cast %scan3A_256 : i32 to index
      %get3A_348 = arith.constant 80 : index
      %get3A_349 = tpu.vector_load %arg11[%get3A_347, %get3A_348] {strides = array<i32>} : memref<128x96xf32, #tpu.memory_space<vmem>>, vector<16xf32>,
      %mul3A_350 = arith.constant 5.000000e-01 : f32
      %mul3A_351 = vector.broadcast %mul3A_350 : f32 to vector<16xf32>
      %mul3A_352 = arith.mulf %get3A_349, %mul3A_351 : vector<16xf32>
      %exp3A_353 = math.exp %mul3A_352 : vector<16xf32>
      %get3A_354 = arith.index_cast %scan3A_256 : i32 to index
      %get3A_355 = arith.constant 80 : index
      %get3A_356 = tpu.vector_load %arg12[%get3A_354, %get3A_355] {strides = array<i32>} : memref<128x96xf32, #tpu.memory_space<vmem>>, vector<16xf32>,
      %mul3A_357 = arith.mulf %exp3A_353, %get3A_356 : vector<16xf32>
      %add3A_358 = arith.addf %get3A_346, %mul3A_357 : vector<16xf32>
      %swap3A_359 = arith.index_cast %scan3A_256 : i32 to index
      %swap3A_360 = arith.constant 80 : index
      %swap3A_361 = tpu.vector_load %arg12[%swap3A_359, %swap3A_360] {strides = array<i32>} : memref<128x96xf32, #tpu.memory_space<vmem>>, vector<16xf32>,
      tpu.vector_store %arg12[%swap3A_359, %swap3A_360], %add3A_358 {strides = array<i32>} : memref<128x96xf32, #tpu.memory_space<vmem>>, vector<16xf32>,
    }
    %scan3A_173 = arith.constant 128 : i32
    %scan3A_174 = arith.constant 0 : i32
    %scan3A_175 = arith.constant 0 : i32
    %scan3A_176 = arith.constant 96 : i32
    %scan3A_177 = arith.addi %scan3A_175, %scan3A_176 : i32
    %scan3A_178 = arith.constant 1 : i32
    scf.for %scan3A_256 = %scan3A_175 to %scan3A_177 step %scan3A_178  : i32 {
      %broadcast_in_dim3A = vector.broadcast %scan3A_256 : i32 to vector<16xi32>
      %add3A_257 = arith.constant 0 : i32
      %add3A_258 = vector.broadcast %add3A_257 : i32 to vector<16xi32>
      %add3A_259 = arith.addi %iota3A, %add3A_258 : vector<16xi32>
      %gather3A = tpu.vector_load_idx %arg12[%add3A_259, %broadcast_in_dim3A] : memref<128x96xf32, #tpu.memory_space<vmem>>[vector<16xi32>, vector<16xi32>], vector<16xf32>,
      %swap3A = arith.index_cast %scan3A_256 : i32 to index
      %swap3A_260 = arith.constant 0 : index
      %swap3A_261 = tpu.vector_load %arg13[%swap3A, %swap3A_260] {strides = array<i32>} : memref<96x128xf32, #tpu.memory_space<vmem>>, vector<16xf32>,
      tpu.vector_store %arg13[%swap3A, %swap3A_260], %gather3A {strides = array<i32>} : memref<96x128xf32, #tpu.memory_space<vmem>>, vector<16xf32>,
      %gather3A_262 = tpu.vector_load_idx %arg10[%add3A_259, %broadcast_in_dim3A] : memref<128x96xf32, #tpu.memory_space<vmem>>[vector<16xi32>, vector<16xi32>], vector<16xf32>,
      %swap3A_263 = arith.index_cast %scan3A_256 : i32 to index
      %swap3A_264 = arith.constant 0 : index
      %swap3A_265 = tpu.vector_load %arg14[%swap3A_263, %swap3A_264] {strides = array<i32>} : memref<96x128xf32, #tpu.memory_space<vmem>>, vector<16xf32>,
      tpu.vector_store %arg14[%swap3A_263, %swap3A_264], %gather3A_262 {strides = array<i32>} : memref<96x128xf32, #tpu.memory_space<vmem>>, vector<16xf32>,
      %gather3A_266 = tpu.vector_load_idx %arg11[%add3A_259, %broadcast_in_dim3A] : memref<128x96xf32, #tpu.memory_space<vmem>>[vector<16xi32>, vector<16xi32>], vector<16xf32>,
      %swap3A_267 = arith.index_cast %scan3A_256 : i32 to index
      %swap3A_268 = arith.constant 0 : index
      %swap3A_269 = tpu.vector_load %arg15[%swap3A_267, %swap3A_268] {strides = array<i32>} : memref<96x128xf32, #tpu.memory_space<vmem>>, vector<16xf32>,
      tpu.vector_store %arg15[%swap3A_267, %swap3A_268], %gather3A_266 {strides = array<i32>} : memref<96x128xf32, #tpu.memory_space<vmem>>, vector<16xf32>,
      %add3A_270 = arith.constant 16 : i32
      %add3A_271 = vector.broadcast %add3A_270 : i32 to vector<16xi32>
      %add3A_272 = arith.addi %iota3A, %add3A_271 : vector<16xi32>
      %gather3A_273 = tpu.vector_load_idx %arg12[%add3A_272, %broadcast_in_dim3A] : memref<128x96xf32, #tpu.memory_space<vmem>>[vector<16xi32>, vector<16xi32>], vector<16xf32>,
      %swap3A_274 = arith.index_cast %scan3A_256 : i32 to index
      %swap3A_275 = arith.constant 16 : index
      %swap3A_276 = tpu.vector_load %arg13[%swap3A_274, %swap3A_275] {strides = array<i32>} : memref<96x128xf32, #tpu.memory_space<vmem>>, vector<16xf32>,
      tpu.vector_store %arg13[%swap3A_274, %swap3A_275], %gather3A_273 {strides = array<i32>} : memref<96x128xf32, #tpu.memory_space<vmem>>, vector<16xf32>,
      %gather3A_277 = tpu.vector_load_idx %arg10[%add3A_272, %broadcast_in_dim3A] : memref<128x96xf32, #tpu.memory_space<vmem>>[vector<16xi32>, vector<16xi32>], vector<16xf32>,
      %swap3A_278 = arith.index_cast %scan3A_256 : i32 to index
      %swap3A_279 = arith.constant 16 : index
      %swap3A_280 = tpu.vector_load %arg14[%swap3A_278, %swap3A_279] {strides = array<i32>} : memref<96x128xf32, #tpu.memory_space<vmem>>, vector<16xf32>,
      tpu.vector_store %arg14[%swap3A_278, %swap3A_279], %gather3A_277 {strides = array<i32>} : memref<96x128xf32, #tpu.memory_space<vmem>>, vector<16xf32>,
      %gather3A_281 = tpu.vector_load_idx %arg11[%add3A_272, %broadcast_in_dim3A] : memref<128x96xf32, #tpu.memory_space<vmem>>[vector<16xi32>, vector<16xi32>], vector<16xf32>,
      %swap3A_282 = arith.index_cast %scan3A_256 : i32 to index
      %swap3A_283 = arith.constant 16 : index
      %swap3A_284 = tpu.vector_load %arg15[%swap3A_282, %swap3A_283] {strides = array<i32>} : memref<96x128xf32, #tpu.memory_space<vmem>>, vector<16xf32>,
      tpu.vector_store %arg15[%swap3A_282, %swap3A_283], %gather3A_281 {strides = array<i32>} : memref<96x128xf32, #tpu.memory_space<vmem>>, vector<16xf32>,
      %add3A_285 = arith.constant 32 : i32
      %add3A_286 = vector.broadcast %add3A_285 : i32 to vector<16xi32>
      %add3A_287 = arith.addi %iota3A, %add3A_286 : vector<16xi32>
      %gather3A_288 = tpu.vector_load_idx %arg12[%add3A_287, %broadcast_in_dim3A] : memref<128x96xf32, #tpu.memory_space<vmem>>[vector<16xi32>, vector<16xi32>], vector<16xf32>,
      %swap3A_289 = arith.index_cast %scan3A_256 : i32 to index
      %swap3A_290 = arith.constant 32 : index
      %swap3A_291 = tpu.vector_load %arg13[%swap3A_289, %swap3A_290] {strides = array<i32>} : memref<96x128xf32, #tpu.memory_space<vmem>>, vector<16xf32>,
      tpu.vector_store %arg13[%swap3A_289, %swap3A_290], %gather3A_288 {strides = array<i32>} : memref<96x128xf32, #tpu.memory_space<vmem>>, vector<16xf32>,
      %gather3A_292 = tpu.vector_load_idx %arg10[%add3A_287, %broadcast_in_dim3A] : memref<128x96xf32, #tpu.memory_space<vmem>>[vector<16xi32>, vector<16xi32>], vector<16xf32>,
      %swap3A_293 = arith.index_cast %scan3A_256 : i32 to index
      %swap3A_294 = arith.constant 32 : index
      %swap3A_295 = tpu.vector_load %arg14[%swap3A_293, %swap3A_294] {strides = array<i32>} : memref<96x128xf32, #tpu.memory_space<vmem>>, vector<16xf32>,
      tpu.vector_store %arg14[%swap3A_293, %swap3A_294], %gather3A_292 {strides = array<i32>} : memref<96x128xf32, #tpu.memory_space<vmem>>, vector<16xf32>,
      %gather3A_296 = tpu.vector_load_idx %arg11[%add3A_287, %broadcast_in_dim3A] : memref<128x96xf32, #tpu.memory_space<vmem>>[vector<16xi32>, vector<16xi32>], vector<16xf32>,
      %swap3A_297 = arith.index_cast %scan3A_256 : i32 to index
      %swap3A_298 = arith.constant 32 : index
      %swap3A_299 = tpu.vector_load %arg15[%swap3A_297, %swap3A_298] {strides = array<i32>} : memref<96x128xf32, #tpu.memory_space<vmem>>, vector<16xf32>,
      tpu.vector_store %arg15[%swap3A_297, %swap3A_298], %gather3A_296 {strides = array<i32>} : memref<96x128xf32, #tpu.memory_space<vmem>>, vector<16xf32>,
      %add3A_300 = arith.constant 48 : i32
      %add3A_301 = vector.broadcast %add3A_300 : i32 to vector<16xi32>
      %add3A_302 = arith.addi %iota3A, %add3A_301 : vector<16xi32>
      %gather3A_303 = tpu.vector_load_idx %arg12[%add3A_302, %broadcast_in_dim3A] : memref<128x96xf32, #tpu.memory_space<vmem>>[vector<16xi32>, vector<16xi32>], vector<16xf32>,
      %swap3A_304 = arith.index_cast %scan3A_256 : i32 to index
      %swap3A_305 = arith.constant 48 : index
      %swap3A_306 = tpu.vector_load %arg13[%swap3A_304, %swap3A_305] {strides = array<i32>} : memref<96x128xf32, #tpu.memory_space<vmem>>, vector<16xf32>,
      tpu.vector_store %arg13[%swap3A_304, %swap3A_305], %gather3A_303 {strides = array<i32>} : memref<96x128xf32, #tpu.memory_space<vmem>>, vector<16xf32>,
      %gather3A_307 = tpu.vector_load_idx %arg10[%add3A_302, %broadcast_in_dim3A] : memref<128x96xf32, #tpu.memory_space<vmem>>[vector<16xi32>, vector<16xi32>], vector<16xf32>,
      %swap3A_308 = arith.index_cast %scan3A_256 : i32 to index
      %swap3A_309 = arith.constant 48 : index
      %swap3A_310 = tpu.vector_load %arg14[%swap3A_308, %swap3A_309] {strides = array<i32>} : memref<96x128xf32, #tpu.memory_space<vmem>>, vector<16xf32>,
      tpu.vector_store %arg14[%swap3A_308, %swap3A_309], %gather3A_307 {strides = array<i32>} : memref<96x128xf32, #tpu.memory_space<vmem>>, vector<16xf32>,
      %gather3A_311 = tpu.vector_load_idx %arg11[%add3A_302, %broadcast_in_dim3A] : memref<128x96xf32, #tpu.memory_space<vmem>>[vector<16xi32>, vector<16xi32>], vector<16xf32>,
      %swap3A_312 = arith.index_cast %scan3A_256 : i32 to index
      %swap3A_313 = arith.constant 48 : index
      %swap3A_314 = tpu.vector_load %arg15[%swap3A_312, %swap3A_313] {strides = array<i32>} : memref<96x128xf32, #tpu.memory_space<vmem>>, vector<16xf32>,
      tpu.vector_store %arg15[%swap3A_312, %swap3A_313], %gather3A_311 {strides = array<i32>} : memref<96x128xf32, #tpu.memory_space<vmem>>, vector<16xf32>,
      %add3A_315 = arith.constant 64 : i32
      %add3A_316 = vector.broadcast %add3A_315 : i32 to vector<16xi32>
      %add3A_317 = arith.addi %iota3A, %add3A_316 : vector<16xi32>
      %gather3A_318 = tpu.vector_load_idx %arg12[%add3A_317, %broadcast_in_dim3A] : memref<128x96xf32, #tpu.memory_space<vmem>>[vector<16xi32>, vector<16xi32>], vector<16xf32>,
      %swap3A_319 = arith.index_cast %scan3A_256 : i32 to index
      %swap3A_320 = arith.constant 64 : index
      %swap3A_321 = tpu.vector_load %arg13[%swap3A_319, %swap3A_320] {strides = array<i32>} : memref<96x128xf32, #tpu.memory_space<vmem>>, vector<16xf32>,
      tpu.vector_store %arg13[%swap3A_319, %swap3A_320], %gather3A_318 {strides = array<i32>} : memref<96x128xf32, #tpu.memory_space<vmem>>, vector<16xf32>,
      %gather3A_322 = tpu.vector_load_idx %arg10[%add3A_317, %broadcast_in_dim3A] : memref<128x96xf32, #tpu.memory_space<vmem>>[vector<16xi32>, vector<16xi32>], vector<16xf32>,
      %swap3A_323 = arith.index_cast %scan3A_256 : i32 to index
      %swap3A_324 = arith.constant 64 : index
      %swap3A_325 = tpu.vector_load %arg14[%swap3A_323, %swap3A_324] {strides = array<i32>} : memref<96x128xf32, #tpu.memory_space<vmem>>, vector<16xf32>,
      tpu.vector_store %arg14[%swap3A_323, %swap3A_324], %gather3A_322 {strides = array<i32>} : memref<96x128xf32, #tpu.memory_space<vmem>>, vector<16xf32>,
      %gather3A_326 = tpu.vector_load_idx %arg11[%add3A_317, %broadcast_in_dim3A] : memref<128x96xf32, #tpu.memory_space<vmem>>[vector<16xi32>, vector<16xi32>], vector<16xf32>,
      %swap3A_327 = arith.index_cast %scan3A_256 : i32 to index
      %swap3A_328 = arith.constant 64 : index
      %swap3A_329 = tpu.vector_load %arg15[%swap3A_327, %swap3A_328] {strides = array<i32>} : memref<96x128xf32, #tpu.memory_space<vmem>>, vector<16xf32>,
      tpu.vector_store %arg15[%swap3A_327, %swap3A_328], %gather3A_326 {strides = array<i32>} : memref<96x128xf32, #tpu.memory_space<vmem>>, vector<16xf32>,
      %add3A_330 = arith.constant 80 : i32
      %add3A_331 = vector.broadcast %add3A_330 : i32 to vector<16xi32>
      %add3A_332 = arith.addi %iota3A, %add3A_331 : vector<16xi32>
      %gather3A_333 = tpu.vector_load_idx %arg12[%add3A_332, %broadcast_in_dim3A] : memref<128x96xf32, #tpu.memory_space<vmem>>[vector<16xi32>, vector<16xi32>], vector<16xf32>,
      %swap3A_334 = arith.index_cast %scan3A_256 : i32 to index
      %swap3A_335 = arith.constant 80 : index
      %swap3A_336 = tpu.vector_load %arg13[%swap3A_334, %swap3A_335] {strides = array<i32>} : memref<96x128xf32, #tpu.memory_space<vmem>>, vector<16xf32>,
      tpu.vector_store %arg13[%swap3A_334, %swap3A_335], %gather3A_333 {strides = array<i32>} : memref<96x128xf32, #tpu.memory_space<vmem>>, vector<16xf32>,
      %gather3A_337 = tpu.vector_load_idx %arg10[%add3A_332, %broadcast_in_dim3A] : memref<128x96xf32, #tpu.memory_space<vmem>>[vector<16xi32>, vector<16xi32>], vector<16xf32>,
      %swap3A_338 = arith.index_cast %scan3A_256 : i32 to index
      %swap3A_339 = arith.constant 80 : index
      %swap3A_340 = tpu.vector_load %arg14[%swap3A_338, %swap3A_339] {strides = array<i32>} : memref<96x128xf32, #tpu.memory_space<vmem>>, vector<16xf32>,
      tpu.vector_store %arg14[%swap3A_338, %swap3A_339], %gather3A_337 {strides = array<i32>} : memref<96x128xf32, #tpu.memory_space<vmem>>, vector<16xf32>,
      %gather3A_341 = tpu.vector_load_idx %arg11[%add3A_332, %broadcast_in_dim3A] : memref<128x96xf32, #tpu.memory_space<vmem>>[vector<16xi32>, vector<16xi32>], vector<16xf32>,
      %swap3A_342 = arith.index_cast %scan3A_256 : i32 to index
      %swap3A_343 = arith.constant 80 : index
      %swap3A_344 = tpu.vector_load %arg15[%swap3A_342, %swap3A_343] {strides = array<i32>} : memref<96x128xf32, #tpu.memory_space<vmem>>, vector<16xf32>,
      tpu.vector_store %arg15[%swap3A_342, %swap3A_343], %gather3A_341 {strides = array<i32>} : memref<96x128xf32, #tpu.memory_space<vmem>>, vector<16xf32>,
      %add3A_345 = arith.constant 96 : i32
      %add3A_346 = vector.broadcast %add3A_345 : i32 to vector<16xi32>
      %add3A_347 = arith.addi %iota3A, %add3A_346 : vector<16xi32>
      %gather3A_348 = tpu.vector_load_idx %arg12[%add3A_347, %broadcast_in_dim3A] : memref<128x96xf32, #tpu.memory_space<vmem>>[vector<16xi32>, vector<16xi32>], vector<16xf32>,
      %swap3A_349 = arith.index_cast %scan3A_256 : i32 to index
      %swap3A_350 = arith.constant 96 : index
      %swap3A_351 = tpu.vector_load %arg13[%swap3A_349, %swap3A_350] {strides = array<i32>} : memref<96x128xf32, #tpu.memory_space<vmem>>, vector<16xf32>,
      tpu.vector_store %arg13[%swap3A_349, %swap3A_350], %gather3A_348 {strides = array<i32>} : memref<96x128xf32, #tpu.memory_space<vmem>>, vector<16xf32>,
      %gather3A_352 = tpu.vector_load_idx %arg10[%add3A_347, %broadcast_in_dim3A] : memref<128x96xf32, #tpu.memory_space<vmem>>[vector<16xi32>, vector<16xi32>], vector<16xf32>,
      %swap3A_353 = arith.index_cast %scan3A_256 : i32 to index
      %swap3A_354 = arith.constant 96 : index
      %swap3A_355 = tpu.vector_load %arg14[%swap3A_353, %swap3A_354] {strides = array<i32>} : memref<96x128xf32, #tpu.memory_space<vmem>>, vector<16xf32>,
      tpu.vector_store %arg14[%swap3A_353, %swap3A_354], %gather3A_352 {strides = array<i32>} : memref<96x128xf32, #tpu.memory_space<vmem>>, vector<16xf32>,
      %gather3A_356 = tpu.vector_load_idx %arg11[%add3A_347, %broadcast_in_dim3A] : memref<128x96xf32, #tpu.memory_space<vmem>>[vector<16xi32>, vector<16xi32>], vector<16xf32>,
      %swap3A_357 = arith.index_cast %scan3A_256 : i32 to index
      %swap3A_358 = arith.constant 96 : index
      %swap3A_359 = tpu.vector_load %arg15[%swap3A_357, %swap3A_358] {strides = array<i32>} : memref<96x128xf32, #tpu.memory_space<vmem>>, vector<16xf32>,
      tpu.vector_store %arg15[%swap3A_357, %swap3A_358], %gather3A_356 {strides = array<i32>} : memref<96x128xf32, #tpu.memory_space<vmem>>, vector<16xf32>,
      %add3A_360 = arith.constant 112 : i32
      %add3A_361 = vector.broadcast %add3A_360 : i32 to vector<16xi32>
      %add3A_362 = arith.addi %iota3A, %add3A_361 : vector<16xi32>
      %gather3A_363 = tpu.vector_load_idx %arg12[%add3A_362, %broadcast_in_dim3A] : memref<128x96xf32, #tpu.memory_space<vmem>>[vector<16xi32>, vector<16xi32>], vector<16xf32>,
      %swap3A_364 = arith.index_cast %scan3A_256 : i32 to index
      %swap3A_365 = arith.constant 112 : index
      %swap3A_366 = tpu.vector_load %arg13[%swap3A_364, %swap3A_365] {strides = array<i32>} : memref<96x128xf32, #tpu.memory_space<vmem>>, vector<16xf32>,
      tpu.vector_store %arg13[%swap3A_364, %swap3A_365], %gather3A_363 {strides = array<i32>} : memref<96x128xf32, #tpu.memory_space<vmem>>, vector<16xf32>,
      %gather3A_367 = tpu.vector_load_idx %arg10[%add3A_362, %broadcast_in_dim3A] : memref<128x96xf32, #tpu.memory_space<vmem>>[vector<16xi32>, vector<16xi32>], vector<16xf32>,
      %swap3A_368 = arith.index_cast %scan3A_256 : i32 to index
      %swap3A_369 = arith.constant 112 : index
      %swap3A_370 = tpu.vector_load %arg14[%swap3A_368, %swap3A_369] {strides = array<i32>} : memref<96x128xf32, #tpu.memory_space<vmem>>, vector<16xf32>,
      tpu.vector_store %arg14[%swap3A_368, %swap3A_369], %gather3A_367 {strides = array<i32>} : memref<96x128xf32, #tpu.memory_space<vmem>>, vector<16xf32>,
      %gather3A_371 = tpu.vector_load_idx %arg11[%add3A_362, %broadcast_in_dim3A] : memref<128x96xf32, #tpu.memory_space<vmem>>[vector<16xi32>, vector<16xi32>], vector<16xf32>,
      %swap3A_372 = arith.index_cast %scan3A_256 : i32 to index
      %swap3A_373 = arith.constant 112 : index
      %swap3A_374 = tpu.vector_load %arg15[%swap3A_372, %swap3A_373] {strides = array<i32>} : memref<96x128xf32, #tpu.memory_space<vmem>>, vector<16xf32>,
      tpu.vector_store %arg15[%swap3A_372, %swap3A_373], %gather3A_371 {strides = array<i32>} : memref<96x128xf32, #tpu.memory_space<vmem>>, vector<16xf32>,
    }
    %scan3A_179 = arith.constant 96 : i32
    %scan3A_180 = arith.constant 0 : i32
    %scan3A_181 = arith.constant 0 : i32
    %scan3A_182 = arith.constant 96 : i32
    %scan3A_183 = arith.addi %scan3A_181, %scan3A_182 : i32
    %scan3A_184 = arith.constant 1 : i32
    scf.for %scan3A_256 = %scan3A_181 to %scan3A_183 step %scan3A_184  : i32 {
      %mul3A_257 = arith.constant 16384 : i32
      %mul3A_258 = arith.muli %scan3A_256, %mul3A_257 : i32
      %add3A_259 = arith.addi %mul3A_258, %mul3A_131 : i32
      %dma_start3A_260 = arith.constant 0 : i32
      %dma_start3A_261 = tpu.memref_slice %arg13[%scan3A_256, %dma_start3A_260] : memref<96x128xf32, #tpu.memory_space<vmem>> -> memref<1x128xf32, #tpu.memory_space<vmem>>
      %dma_start3A_262 = tpu.memref_squeeze %dma_start3A_261 : memref<1x128xf32, #tpu.memory_space<vmem>> -> memref<128xf32, #tpu.memory_space<vmem>>
      %dma_start3A_263 = tpu.memref_slice %arg6[%add3A_259] : memref<1572864xf32, #tpu.memory_space<hbm>> -> memref<128xf32, #tpu.memory_space<hbm>>
      %dma_start3A_264 = tpu.memref_slice %arg6[%add3A_259] : memref<1572864xf32, #tpu.memory_space<hbm>> -> memref<128xf32, #tpu.memory_space<hbm>>
      %dma_start3A_265 = arith.constant 0 : i32
      %dma_start3A_266 = tpu.memref_slice %arg13[%scan3A_256, %dma_start3A_265] : memref<96x128xf32, #tpu.memory_space<vmem>> -> memref<1x128xf32, #tpu.memory_space<vmem>>
      %dma_start3A_267 = tpu.memref_squeeze %dma_start3A_266 : memref<1x128xf32, #tpu.memory_space<vmem>> -> memref<128xf32, #tpu.memory_space<vmem>>
      tpu.enqueue_dma source(%dma_start3A_267 : memref<128xf32, #tpu.memory_space<vmem>>) target(%dma_start3A_264 : memref<128xf32, #tpu.memory_space<hbm>>) target_semaphore(%arg19 : memref<!tpu.dma_semaphore, #tpu.memory_space<semaphore_mem>>)
      %dma_start3A_268 = arith.constant 0 : i32
      %dma_start3A_269 = tpu.memref_slice %arg14[%scan3A_256, %dma_start3A_268] : memref<96x128xf32, #tpu.memory_space<vmem>> -> memref<1x128xf32, #tpu.memory_space<vmem>>
      %dma_start3A_270 = tpu.memref_squeeze %dma_start3A_269 : memref<1x128xf32, #tpu.memory_space<vmem>> -> memref<128xf32, #tpu.memory_space<vmem>>
      %dma_start3A_271 = tpu.memref_slice %arg7[%add3A_259] : memref<1572864xf32, #tpu.memory_space<hbm>> -> memref<128xf32, #tpu.memory_space<hbm>>
      %dma_start3A_272 = tpu.memref_slice %arg7[%add3A_259] : memref<1572864xf32, #tpu.memory_space<hbm>> -> memref<128xf32, #tpu.memory_space<hbm>>
      %dma_start3A_273 = arith.constant 0 : i32
      %dma_start3A_274 = tpu.memref_slice %arg14[%scan3A_256, %dma_start3A_273] : memref<96x128xf32, #tpu.memory_space<vmem>> -> memref<1x128xf32, #tpu.memory_space<vmem>>
      %dma_start3A_275 = tpu.memref_squeeze %dma_start3A_274 : memref<1x128xf32, #tpu.memory_space<vmem>> -> memref<128xf32, #tpu.memory_space<vmem>>
      tpu.enqueue_dma source(%dma_start3A_275 : memref<128xf32, #tpu.memory_space<vmem>>) target(%dma_start3A_272 : memref<128xf32, #tpu.memory_space<hbm>>) target_semaphore(%arg19 : memref<!tpu.dma_semaphore, #tpu.memory_space<semaphore_mem>>)
      %dma_start3A_276 = arith.constant 0 : i32
      %dma_start3A_277 = tpu.memref_slice %arg15[%scan3A_256, %dma_start3A_276] : memref<96x128xf32, #tpu.memory_space<vmem>> -> memref<1x128xf32, #tpu.memory_space<vmem>>
      %dma_start3A_278 = tpu.memref_squeeze %dma_start3A_277 : memref<1x128xf32, #tpu.memory_space<vmem>> -> memref<128xf32, #tpu.memory_space<vmem>>
      %dma_start3A_279 = tpu.memref_slice %arg8[%add3A_259] : memref<1572864xf32, #tpu.memory_space<hbm>> -> memref<128xf32, #tpu.memory_space<hbm>>
      %dma_start3A_280 = tpu.memref_slice %arg8[%add3A_259] : memref<1572864xf32, #tpu.memory_space<hbm>> -> memref<128xf32, #tpu.memory_space<hbm>>
      %dma_start3A_281 = arith.constant 0 : i32
      %dma_start3A_282 = tpu.memref_slice %arg15[%scan3A_256, %dma_start3A_281] : memref<96x128xf32, #tpu.memory_space<vmem>> -> memref<1x128xf32, #tpu.memory_space<vmem>>
      %dma_start3A_283 = tpu.memref_squeeze %dma_start3A_282 : memref<1x128xf32, #tpu.memory_space<vmem>> -> memref<128xf32, #tpu.memory_space<vmem>>
      tpu.enqueue_dma source(%dma_start3A_283 : memref<128xf32, #tpu.memory_space<vmem>>) target(%dma_start3A_280 : memref<128xf32, #tpu.memory_space<hbm>>) target_semaphore(%arg19 : memref<!tpu.dma_semaphore, #tpu.memory_space<semaphore_mem>>)
    }
    %scan3A_185 = arith.constant 96 : i32
    %scan3A_186 = arith.constant 0 : i32
    %scan3A_187 = arith.constant 0 : i32
    %scan3A_188 = arith.constant 96 : i32
    %scan3A_189 = arith.addi %scan3A_187, %scan3A_188 : i32
    %scan3A_190 = arith.constant 1 : i32
    scf.for %scan3A_256 = %scan3A_187 to %scan3A_189 step %scan3A_190  : i32 {
      %dma_wait3A_257 = arith.constant 0 : i32
      %dma_wait3A_258 = arith.constant 0 : i32
      %dma_wait3A_259 = tpu.memref_slice %arg13[%dma_wait3A_257, %dma_wait3A_258] : memref<96x128xf32, #tpu.memory_space<vmem>> -> memref<1x128xf32, #tpu.memory_space<vmem>>
      %dma_wait3A_260 = tpu.memref_squeeze %dma_wait3A_259 : memref<1x128xf32, #tpu.memory_space<vmem>> -> memref<128xf32, #tpu.memory_space<vmem>>
      %dma_wait3A_261 = arith.constant 0 : i32
      %dma_wait3A_262 = tpu.memref_slice %arg6[%dma_wait3A_261] : memref<1572864xf32, #tpu.memory_space<hbm>> -> memref<128xf32, #tpu.memory_space<hbm>>
      %dma_wait3A_263 = arith.constant 0 : i32
      %dma_wait3A_264 = tpu.memref_slice %arg6[%dma_wait3A_263] : memref<1572864xf32, #tpu.memory_space<hbm>> -> memref<128xf32, #tpu.memory_space<hbm>>
      %dma_wait3A_265 = arith.constant 0 : i32
      %dma_wait3A_266 = tpu.memref_slice %arg13[%dma_wait3A_257, %dma_wait3A_265] : memref<96x128xf32, #tpu.memory_space<vmem>> -> memref<1x128xf32, #tpu.memory_space<vmem>>
      %dma_wait3A_267 = tpu.memref_squeeze %dma_wait3A_266 : memref<1x128xf32, #tpu.memory_space<vmem>> -> memref<128xf32, #tpu.memory_space<vmem>>
      tpu.wait_dma2 semaphore(%arg19 : memref<!tpu.dma_semaphore, #tpu.memory_space<semaphore_mem>>) src(%dma_wait3A_267 : memref<128xf32, #tpu.memory_space<vmem>>) dst(%dma_wait3A_264 : memref<128xf32, #tpu.memory_space<hbm>>)
      %dma_wait3A_268 = arith.constant 0 : i32
      %dma_wait3A_269 = arith.constant 0 : i32
      %dma_wait3A_270 = tpu.memref_slice %arg14[%dma_wait3A_268, %dma_wait3A_269] : memref<96x128xf32, #tpu.memory_space<vmem>> -> memref<1x128xf32, #tpu.memory_space<vmem>>
      %dma_wait3A_271 = tpu.memref_squeeze %dma_wait3A_270 : memref<1x128xf32, #tpu.memory_space<vmem>> -> memref<128xf32, #tpu.memory_space<vmem>>
      %dma_wait3A_272 = arith.constant 0 : i32
      %dma_wait3A_273 = tpu.memref_slice %arg7[%dma_wait3A_272] : memref<1572864xf32, #tpu.memory_space<hbm>> -> memref<128xf32, #tpu.memory_space<hbm>>
      %dma_wait3A_274 = arith.constant 0 : i32
      %dma_wait3A_275 = tpu.memref_slice %arg7[%dma_wait3A_274] : memref<1572864xf32, #tpu.memory_space<hbm>> -> memref<128xf32, #tpu.memory_space<hbm>>
      %dma_wait3A_276 = arith.constant 0 : i32
      %dma_wait3A_277 = tpu.memref_slice %arg14[%dma_wait3A_268, %dma_wait3A_276] : memref<96x128xf32, #tpu.memory_space<vmem>> -> memref<1x128xf32, #tpu.memory_space<vmem>>
      %dma_wait3A_278 = tpu.memref_squeeze %dma_wait3A_277 : memref<1x128xf32, #tpu.memory_space<vmem>> -> memref<128xf32, #tpu.memory_space<vmem>>
      tpu.wait_dma2 semaphore(%arg19 : memref<!tpu.dma_semaphore, #tpu.memory_space<semaphore_mem>>) src(%dma_wait3A_278 : memref<128xf32, #tpu.memory_space<vmem>>) dst(%dma_wait3A_275 : memref<128xf32, #tpu.memory_space<hbm>>)
      %dma_wait3A_279 = arith.constant 0 : i32
      %dma_wait3A_280 = arith.constant 0 : i32
      %dma_wait3A_281 = tpu.memref_slice %arg15[%dma_wait3A_279, %dma_wait3A_280] : memref<96x128xf32, #tpu.memory_space<vmem>> -> memref<1x128xf32, #tpu.memory_space<vmem>>
      %dma_wait3A_282 = tpu.memref_squeeze %dma_wait3A_281 : memref<1x128xf32, #tpu.memory_space<vmem>> -> memref<128xf32, #tpu.memory_space<vmem>>
      %dma_wait3A_283 = arith.constant 0 : i32
      %dma_wait3A_284 = tpu.memref_slice %arg8[%dma_wait3A_283] : memref<1572864xf32, #tpu.memory_space<hbm>> -> memref<128xf32, #tpu.memory_space<hbm>>
      %dma_wait3A_285 = arith.constant 0 : i32
      %dma_wait3A_286 = tpu.memref_slice %arg8[%dma_wait3A_285] : memref<1572864xf32, #tpu.memory_space<hbm>> -> memref<128xf32, #tpu.memory_space<hbm>>
      %dma_wait3A_287 = arith.constant 0 : i32
      %dma_wait3A_288 = tpu.memref_slice %arg15[%dma_wait3A_279, %dma_wait3A_287] : memref<96x128xf32, #tpu.memory_space<vmem>> -> memref<1x128xf32, #tpu.memory_space<vmem>>
      %dma_wait3A_289 = tpu.memref_squeeze %dma_wait3A_288 : memref<1x128xf32, #tpu.memory_space<vmem>> -> memref<128xf32, #tpu.memory_space<vmem>>
      tpu.wait_dma2 semaphore(%arg19 : memref<!tpu.dma_semaphore, #tpu.memory_space<semaphore_mem>>) src(%dma_wait3A_289 : memref<128xf32, #tpu.memory_space<vmem>>) dst(%dma_wait3A_286 : memref<128xf32, #tpu.memory_space<hbm>>)
    }
    %scan3A_191 = arith.constant 96 : i32
    %add3A_192 = arith.constant 3 : i32
    %add3A_193 = arith.addi %mul3A_2, %add3A_192 : i32
    %mul3A_194 = arith.constant 128 : i32
    %mul3A_195 = arith.muli %add3A_193, %mul3A_194 : i32
    %dma_start3A_196 = arith.constant 3 : i32
    %dma_start3A_197 = arith.constant 0 : i32
    %dma_start3A_198 = tpu.memref_slice %arg9[%dma_start3A_196, %dma_start3A_197] : memref<4x128xi32, #tpu.memory_space<vmem>> -> memref<1x128xi32, #tpu.memory_space<vmem>>
    %dma_start3A_199 = tpu.memref_squeeze %dma_start3A_198 : memref<1x128xi32, #tpu.memory_space<vmem>> -> memref<128xi32, #tpu.memory_space<vmem>>
    %dma_start3A_200 = arith.constant 0 : i32
    %dma_start3A_201 = arith.constant 0 : i32
    %dma_start3A_202 = tpu.memref_slice %arg4[%dma_start3A_200, %dma_start3A_201] : memref<1000001x96xf32, #tpu.memory_space<hbm>> -> memref<1000001x96xf32, #tpu.memory_space<hbm>>
    tpu.enqueue_indirect_dma source(%dma_start3A_202 : memref<1000001x96xf32, #tpu.memory_space<hbm>>) target(%arg10 : memref<128x96xf32, #tpu.memory_space<vmem>>) offsets(%dma_start3A_199 : memref<128xi32, #tpu.memory_space<vmem>>) semaphore(%arg16 : memref<!tpu.dma_semaphore, #tpu.memory_space<semaphore_mem>>)
    %dma_start3A_203 = arith.constant 3 : i32
    %dma_start3A_204 = arith.constant 0 : i32
    %dma_start3A_205 = tpu.memref_slice %arg9[%dma_start3A_203, %dma_start3A_204] : memref<4x128xi32, #tpu.memory_space<vmem>> -> memref<1x128xi32, #tpu.memory_space<vmem>>
    %dma_start3A_206 = tpu.memref_squeeze %dma_start3A_205 : memref<1x128xi32, #tpu.memory_space<vmem>> -> memref<128xi32, #tpu.memory_space<vmem>>
    %dma_start3A_207 = arith.constant 0 : i32
    %dma_start3A_208 = arith.constant 0 : i32
    %dma_start3A_209 = tpu.memref_slice %arg5[%dma_start3A_207, %dma_start3A_208] : memref<1000001x96xf32, #tpu.memory_space<hbm>> -> memref<1000001x96xf32, #tpu.memory_space<hbm>>
    tpu.enqueue_indirect_dma source(%dma_start3A_209 : memref<1000001x96xf32, #tpu.memory_space<hbm>>) target(%arg11 : memref<128x96xf32, #tpu.memory_space<vmem>>) offsets(%dma_start3A_206 : memref<128xi32, #tpu.memory_space<vmem>>) semaphore(%arg17 : memref<!tpu.dma_semaphore, #tpu.memory_space<semaphore_mem>>)
    %dma_start3A_210 = arith.constant 0 : i32
    %dma_start3A_211 = tpu.memref_slice %arg3[%mul3A_195, %dma_start3A_210] : memref<16384x96xf32, #tpu.memory_space<hbm>> -> memref<128x96xf32, #tpu.memory_space<hbm>>
    %dma_start3A_212 = arith.constant 0 : i32
    %dma_start3A_213 = tpu.memref_slice %arg3[%mul3A_195, %dma_start3A_212] : memref<16384x96xf32, #tpu.memory_space<hbm>> -> memref<128x96xf32, #tpu.memory_space<hbm>>
    tpu.enqueue_dma source(%dma_start3A_213 : memref<128x96xf32, #tpu.memory_space<hbm>>) target(%arg12 : memref<128x96xf32, #tpu.memory_space<vmem>>) target_semaphore(%arg18 : memref<!tpu.dma_semaphore, #tpu.memory_space<semaphore_mem>>)
    %dma_wait3A_214 = arith.constant 3 : i32
    %dma_wait3A_215 = arith.constant 0 : i32
    %dma_wait3A_216 = tpu.memref_slice %arg9[%dma_wait3A_214, %dma_wait3A_215] : memref<4x128xi32, #tpu.memory_space<vmem>> -> memref<1x128xi32, #tpu.memory_space<vmem>>
    %dma_wait3A_217 = tpu.memref_squeeze %dma_wait3A_216 : memref<1x128xi32, #tpu.memory_space<vmem>> -> memref<128xi32, #tpu.memory_space<vmem>>
    %dma_wait3A_218 = arith.constant 0 : i32
    %dma_wait3A_219 = arith.constant 0 : i32
    %dma_wait3A_220 = tpu.memref_slice %arg4[%dma_wait3A_218, %dma_wait3A_219] : memref<1000001x96xf32, #tpu.memory_space<hbm>> -> memref<1000001x96xf32, #tpu.memory_space<hbm>>
    tpu.wait_indirect_dma semaphore(%arg16 : memref<!tpu.dma_semaphore, #tpu.memory_space<semaphore_mem>>) src(%dma_wait3A_220 : memref<1000001x96xf32, #tpu.memory_space<hbm>>) dst(%arg10 : memref<128x96xf32, #tpu.memory_space<vmem>>)
    %dma_wait3A_221 = arith.constant 3 : i32
    %dma_wait3A_222 = arith.constant 0 : i32
    %dma_wait3A_223 = tpu.memref_slice %arg9[%dma_wait3A_221, %dma_wait3A_222] : memref<4x128xi32, #tpu.memory_space<vmem>> -> memref<1x128xi32, #tpu.memory_space<vmem>>
    %dma_wait3A_224 = tpu.memref_squeeze %dma_wait3A_223 : memref<1x128xi32, #tpu.memory_space<vmem>> -> memref<128xi32, #tpu.memory_space<vmem>>
    %dma_wait3A_225 = arith.constant 0 : i32
    %dma_wait3A_226 = arith.constant 0 : i32
    %dma_wait3A_227 = tpu.memref_slice %arg5[%dma_wait3A_225, %dma_wait3A_226] : memref<1000001x96xf32, #tpu.memory_space<hbm>> -> memref<1000001x96xf32, #tpu.memory_space<hbm>>
    tpu.wait_indirect_dma semaphore(%arg17 : memref<!tpu.dma_semaphore, #tpu.memory_space<semaphore_mem>>) src(%dma_wait3A_227 : memref<1000001x96xf32, #tpu.memory_space<hbm>>) dst(%arg11 : memref<128x96xf32, #tpu.memory_space<vmem>>)
    %dma_wait3A_228 = arith.constant 0 : i32
    %dma_wait3A_229 = tpu.memref_slice %arg3[%mul3A_195, %dma_wait3A_228] : memref<16384x96xf32, #tpu.memory_space<hbm>> -> memref<128x96xf32, #tpu.memory_space<hbm>>
    %dma_wait3A_230 = arith.constant 0 : i32
    %dma_wait3A_231 = tpu.memref_slice %arg3[%mul3A_195, %dma_wait3A_230] : memref<16384x96xf32, #tpu.memory_space<hbm>> -> memref<128x96xf32, #tpu.memory_space<hbm>>
    tpu.wait_dma2 semaphore(%arg18 : memref<!tpu.dma_semaphore, #tpu.memory_space<semaphore_mem>>) src(%dma_wait3A_231 : memref<128x96xf32, #tpu.memory_space<hbm>>) dst(%arg12 : memref<128x96xf32, #tpu.memory_space<vmem>>)
    %scan3A_232 = arith.constant 0 : i32
    %scan3A_233 = arith.constant 0 : i32
    %scan3A_234 = arith.constant 128 : i32
    %scan3A_235 = arith.addi %scan3A_233, %scan3A_234 : i32
    %scan3A_236 = arith.constant 1 : i32
    scf.for %scan3A_256 = %scan3A_233 to %scan3A_235 step %scan3A_236  : i32 {
      %get3A = arith.index_cast %scan3A_256 : i32 to index
      %get3A_257 = arith.constant 0 : index
      %get3A_258 = tpu.vector_load %arg10[%get3A, %get3A_257] {strides = array<i32>} : memref<128x96xf32, #tpu.memory_space<vmem>>, vector<16xf32>,
      %get3A_259 = arith.index_cast %scan3A_256 : i32 to index
      %get3A_260 = arith.constant 0 : index
      %get3A_261 = tpu.vector_load %arg11[%get3A_259, %get3A_260] {strides = array<i32>} : memref<128x96xf32, #tpu.memory_space<vmem>>, vector<16xf32>,
      %mul3A_262 = arith.constant 5.000000e-01 : f32
      %mul3A_263 = vector.broadcast %mul3A_262 : f32 to vector<16xf32>
      %mul3A_264 = arith.mulf %get3A_261, %mul3A_263 : vector<16xf32>
      %exp3A = math.exp %mul3A_264 : vector<16xf32>
      %get3A_265 = arith.index_cast %scan3A_256 : i32 to index
      %get3A_266 = arith.constant 0 : index
      %get3A_267 = tpu.vector_load %arg12[%get3A_265, %get3A_266] {strides = array<i32>} : memref<128x96xf32, #tpu.memory_space<vmem>>, vector<16xf32>,
      %mul3A_268 = arith.mulf %exp3A, %get3A_267 : vector<16xf32>
      %add3A_269 = arith.addf %get3A_258, %mul3A_268 : vector<16xf32>
      %swap3A = arith.index_cast %scan3A_256 : i32 to index
      %swap3A_270 = arith.constant 0 : index
      %swap3A_271 = tpu.vector_load %arg12[%swap3A, %swap3A_270] {strides = array<i32>} : memref<128x96xf32, #tpu.memory_space<vmem>>, vector<16xf32>,
      tpu.vector_store %arg12[%swap3A, %swap3A_270], %add3A_269 {strides = array<i32>} : memref<128x96xf32, #tpu.memory_space<vmem>>, vector<16xf32>,
      %get3A_272 = arith.index_cast %scan3A_256 : i32 to index
      %get3A_273 = arith.constant 16 : index
      %get3A_274 = tpu.vector_load %arg10[%get3A_272, %get3A_273] {strides = array<i32>} : memref<128x96xf32, #tpu.memory_space<vmem>>, vector<16xf32>,
      %get3A_275 = arith.index_cast %scan3A_256 : i32 to index
      %get3A_276 = arith.constant 16 : index
      %get3A_277 = tpu.vector_load %arg11[%get3A_275, %get3A_276] {strides = array<i32>} : memref<128x96xf32, #tpu.memory_space<vmem>>, vector<16xf32>,
      %mul3A_278 = arith.constant 5.000000e-01 : f32
      %mul3A_279 = vector.broadcast %mul3A_278 : f32 to vector<16xf32>
      %mul3A_280 = arith.mulf %get3A_277, %mul3A_279 : vector<16xf32>
      %exp3A_281 = math.exp %mul3A_280 : vector<16xf32>
      %get3A_282 = arith.index_cast %scan3A_256 : i32 to index
      %get3A_283 = arith.constant 16 : index
      %get3A_284 = tpu.vector_load %arg12[%get3A_282, %get3A_283] {strides = array<i32>} : memref<128x96xf32, #tpu.memory_space<vmem>>, vector<16xf32>,
      %mul3A_285 = arith.mulf %exp3A_281, %get3A_284 : vector<16xf32>
      %add3A_286 = arith.addf %get3A_274, %mul3A_285 : vector<16xf32>
      %swap3A_287 = arith.index_cast %scan3A_256 : i32 to index
      %swap3A_288 = arith.constant 16 : index
      %swap3A_289 = tpu.vector_load %arg12[%swap3A_287, %swap3A_288] {strides = array<i32>} : memref<128x96xf32, #tpu.memory_space<vmem>>, vector<16xf32>,
      tpu.vector_store %arg12[%swap3A_287, %swap3A_288], %add3A_286 {strides = array<i32>} : memref<128x96xf32, #tpu.memory_space<vmem>>, vector<16xf32>,
      %get3A_290 = arith.index_cast %scan3A_256 : i32 to index
      %get3A_291 = arith.constant 32 : index
      %get3A_292 = tpu.vector_load %arg10[%get3A_290, %get3A_291] {strides = array<i32>} : memref<128x96xf32, #tpu.memory_space<vmem>>, vector<16xf32>,
      %get3A_293 = arith.index_cast %scan3A_256 : i32 to index
      %get3A_294 = arith.constant 32 : index
      %get3A_295 = tpu.vector_load %arg11[%get3A_293, %get3A_294] {strides = array<i32>} : memref<128x96xf32, #tpu.memory_space<vmem>>, vector<16xf32>,
      %mul3A_296 = arith.constant 5.000000e-01 : f32
      %mul3A_297 = vector.broadcast %mul3A_296 : f32 to vector<16xf32>
      %mul3A_298 = arith.mulf %get3A_295, %mul3A_297 : vector<16xf32>
      %exp3A_299 = math.exp %mul3A_298 : vector<16xf32>
      %get3A_300 = arith.index_cast %scan3A_256 : i32 to index
      %get3A_301 = arith.constant 32 : index
      %get3A_302 = tpu.vector_load %arg12[%get3A_300, %get3A_301] {strides = array<i32>} : memref<128x96xf32, #tpu.memory_space<vmem>>, vector<16xf32>,
      %mul3A_303 = arith.mulf %exp3A_299, %get3A_302 : vector<16xf32>
      %add3A_304 = arith.addf %get3A_292, %mul3A_303 : vector<16xf32>
      %swap3A_305 = arith.index_cast %scan3A_256 : i32 to index
      %swap3A_306 = arith.constant 32 : index
      %swap3A_307 = tpu.vector_load %arg12[%swap3A_305, %swap3A_306] {strides = array<i32>} : memref<128x96xf32, #tpu.memory_space<vmem>>, vector<16xf32>,
      tpu.vector_store %arg12[%swap3A_305, %swap3A_306], %add3A_304 {strides = array<i32>} : memref<128x96xf32, #tpu.memory_space<vmem>>, vector<16xf32>,
      %get3A_308 = arith.index_cast %scan3A_256 : i32 to index
      %get3A_309 = arith.constant 48 : index
      %get3A_310 = tpu.vector_load %arg10[%get3A_308, %get3A_309] {strides = array<i32>} : memref<128x96xf32, #tpu.memory_space<vmem>>, vector<16xf32>,
      %get3A_311 = arith.index_cast %scan3A_256 : i32 to index
      %get3A_312 = arith.constant 48 : index
      %get3A_313 = tpu.vector_load %arg11[%get3A_311, %get3A_312] {strides = array<i32>} : memref<128x96xf32, #tpu.memory_space<vmem>>, vector<16xf32>,
      %mul3A_314 = arith.constant 5.000000e-01 : f32
      %mul3A_315 = vector.broadcast %mul3A_314 : f32 to vector<16xf32>
      %mul3A_316 = arith.mulf %get3A_313, %mul3A_315 : vector<16xf32>
      %exp3A_317 = math.exp %mul3A_316 : vector<16xf32>
      %get3A_318 = arith.index_cast %scan3A_256 : i32 to index
      %get3A_319 = arith.constant 48 : index
      %get3A_320 = tpu.vector_load %arg12[%get3A_318, %get3A_319] {strides = array<i32>} : memref<128x96xf32, #tpu.memory_space<vmem>>, vector<16xf32>,
      %mul3A_321 = arith.mulf %exp3A_317, %get3A_320 : vector<16xf32>
      %add3A_322 = arith.addf %get3A_310, %mul3A_321 : vector<16xf32>
      %swap3A_323 = arith.index_cast %scan3A_256 : i32 to index
      %swap3A_324 = arith.constant 48 : index
      %swap3A_325 = tpu.vector_load %arg12[%swap3A_323, %swap3A_324] {strides = array<i32>} : memref<128x96xf32, #tpu.memory_space<vmem>>, vector<16xf32>,
      tpu.vector_store %arg12[%swap3A_323, %swap3A_324], %add3A_322 {strides = array<i32>} : memref<128x96xf32, #tpu.memory_space<vmem>>, vector<16xf32>,
      %get3A_326 = arith.index_cast %scan3A_256 : i32 to index
      %get3A_327 = arith.constant 64 : index
      %get3A_328 = tpu.vector_load %arg10[%get3A_326, %get3A_327] {strides = array<i32>} : memref<128x96xf32, #tpu.memory_space<vmem>>, vector<16xf32>,
      %get3A_329 = arith.index_cast %scan3A_256 : i32 to index
      %get3A_330 = arith.constant 64 : index
      %get3A_331 = tpu.vector_load %arg11[%get3A_329, %get3A_330] {strides = array<i32>} : memref<128x96xf32, #tpu.memory_space<vmem>>, vector<16xf32>,
      %mul3A_332 = arith.constant 5.000000e-01 : f32
      %mul3A_333 = vector.broadcast %mul3A_332 : f32 to vector<16xf32>
      %mul3A_334 = arith.mulf %get3A_331, %mul3A_333 : vector<16xf32>
      %exp3A_335 = math.exp %mul3A_334 : vector<16xf32>
      %get3A_336 = arith.index_cast %scan3A_256 : i32 to index
      %get3A_337 = arith.constant 64 : index
      %get3A_338 = tpu.vector_load %arg12[%get3A_336, %get3A_337] {strides = array<i32>} : memref<128x96xf32, #tpu.memory_space<vmem>>, vector<16xf32>,
      %mul3A_339 = arith.mulf %exp3A_335, %get3A_338 : vector<16xf32>
      %add3A_340 = arith.addf %get3A_328, %mul3A_339 : vector<16xf32>
      %swap3A_341 = arith.index_cast %scan3A_256 : i32 to index
      %swap3A_342 = arith.constant 64 : index
      %swap3A_343 = tpu.vector_load %arg12[%swap3A_341, %swap3A_342] {strides = array<i32>} : memref<128x96xf32, #tpu.memory_space<vmem>>, vector<16xf32>,
      tpu.vector_store %arg12[%swap3A_341, %swap3A_342], %add3A_340 {strides = array<i32>} : memref<128x96xf32, #tpu.memory_space<vmem>>, vector<16xf32>,
      %get3A_344 = arith.index_cast %scan3A_256 : i32 to index
      %get3A_345 = arith.constant 80 : index
      %get3A_346 = tpu.vector_load %arg10[%get3A_344, %get3A_345] {strides = array<i32>} : memref<128x96xf32, #tpu.memory_space<vmem>>, vector<16xf32>,
      %get3A_347 = arith.index_cast %scan3A_256 : i32 to index
      %get3A_348 = arith.constant 80 : index
      %get3A_349 = tpu.vector_load %arg11[%get3A_347, %get3A_348] {strides = array<i32>} : memref<128x96xf32, #tpu.memory_space<vmem>>, vector<16xf32>,
      %mul3A_350 = arith.constant 5.000000e-01 : f32
      %mul3A_351 = vector.broadcast %mul3A_350 : f32 to vector<16xf32>
      %mul3A_352 = arith.mulf %get3A_349, %mul3A_351 : vector<16xf32>
      %exp3A_353 = math.exp %mul3A_352 : vector<16xf32>
      %get3A_354 = arith.index_cast %scan3A_256 : i32 to index
      %get3A_355 = arith.constant 80 : index
      %get3A_356 = tpu.vector_load %arg12[%get3A_354, %get3A_355] {strides = array<i32>} : memref<128x96xf32, #tpu.memory_space<vmem>>, vector<16xf32>,
      %mul3A_357 = arith.mulf %exp3A_353, %get3A_356 : vector<16xf32>
      %add3A_358 = arith.addf %get3A_346, %mul3A_357 : vector<16xf32>
      %swap3A_359 = arith.index_cast %scan3A_256 : i32 to index
      %swap3A_360 = arith.constant 80 : index
      %swap3A_361 = tpu.vector_load %arg12[%swap3A_359, %swap3A_360] {strides = array<i32>} : memref<128x96xf32, #tpu.memory_space<vmem>>, vector<16xf32>,
      tpu.vector_store %arg12[%swap3A_359, %swap3A_360], %add3A_358 {strides = array<i32>} : memref<128x96xf32, #tpu.memory_space<vmem>>, vector<16xf32>,
    }
    %scan3A_237 = arith.constant 128 : i32
    %scan3A_238 = arith.constant 0 : i32
    %scan3A_239 = arith.constant 0 : i32
    %scan3A_240 = arith.constant 96 : i32
    %scan3A_241 = arith.addi %scan3A_239, %scan3A_240 : i32
    %scan3A_242 = arith.constant 1 : i32
    scf.for %scan3A_256 = %scan3A_239 to %scan3A_241 step %scan3A_242  : i32 {
      %broadcast_in_dim3A = vector.broadcast %scan3A_256 : i32 to vector<16xi32>
      %add3A_257 = arith.constant 0 : i32
      %add3A_258 = vector.broadcast %add3A_257 : i32 to vector<16xi32>
      %add3A_259 = arith.addi %iota3A, %add3A_258 : vector<16xi32>
      %gather3A = tpu.vector_load_idx %arg12[%add3A_259, %broadcast_in_dim3A] : memref<128x96xf32, #tpu.memory_space<vmem>>[vector<16xi32>, vector<16xi32>], vector<16xf32>,
      %swap3A = arith.index_cast %scan3A_256 : i32 to index
      %swap3A_260 = arith.constant 0 : index
      %swap3A_261 = tpu.vector_load %arg13[%swap3A, %swap3A_260] {strides = array<i32>} : memref<96x128xf32, #tpu.memory_space<vmem>>, vector<16xf32>,
      tpu.vector_store %arg13[%swap3A, %swap3A_260], %gather3A {strides = array<i32>} : memref<96x128xf32, #tpu.memory_space<vmem>>, vector<16xf32>,
      %gather3A_262 = tpu.vector_load_idx %arg10[%add3A_259, %broadcast_in_dim3A] : memref<128x96xf32, #tpu.memory_space<vmem>>[vector<16xi32>, vector<16xi32>], vector<16xf32>,
      %swap3A_263 = arith.index_cast %scan3A_256 : i32 to index
      %swap3A_264 = arith.constant 0 : index
      %swap3A_265 = tpu.vector_load %arg14[%swap3A_263, %swap3A_264] {strides = array<i32>} : memref<96x128xf32, #tpu.memory_space<vmem>>, vector<16xf32>,
      tpu.vector_store %arg14[%swap3A_263, %swap3A_264], %gather3A_262 {strides = array<i32>} : memref<96x128xf32, #tpu.memory_space<vmem>>, vector<16xf32>,
      %gather3A_266 = tpu.vector_load_idx %arg11[%add3A_259, %broadcast_in_dim3A] : memref<128x96xf32, #tpu.memory_space<vmem>>[vector<16xi32>, vector<16xi32>], vector<16xf32>,
      %swap3A_267 = arith.index_cast %scan3A_256 : i32 to index
      %swap3A_268 = arith.constant 0 : index
      %swap3A_269 = tpu.vector_load %arg15[%swap3A_267, %swap3A_268] {strides = array<i32>} : memref<96x128xf32, #tpu.memory_space<vmem>>, vector<16xf32>,
      tpu.vector_store %arg15[%swap3A_267, %swap3A_268], %gather3A_266 {strides = array<i32>} : memref<96x128xf32, #tpu.memory_space<vmem>>, vector<16xf32>,
      %add3A_270 = arith.constant 16 : i32
      %add3A_271 = vector.broadcast %add3A_270 : i32 to vector<16xi32>
      %add3A_272 = arith.addi %iota3A, %add3A_271 : vector<16xi32>
      %gather3A_273 = tpu.vector_load_idx %arg12[%add3A_272, %broadcast_in_dim3A] : memref<128x96xf32, #tpu.memory_space<vmem>>[vector<16xi32>, vector<16xi32>], vector<16xf32>,
      %swap3A_274 = arith.index_cast %scan3A_256 : i32 to index
      %swap3A_275 = arith.constant 16 : index
      %swap3A_276 = tpu.vector_load %arg13[%swap3A_274, %swap3A_275] {strides = array<i32>} : memref<96x128xf32, #tpu.memory_space<vmem>>, vector<16xf32>,
      tpu.vector_store %arg13[%swap3A_274, %swap3A_275], %gather3A_273 {strides = array<i32>} : memref<96x128xf32, #tpu.memory_space<vmem>>, vector<16xf32>,
      %gather3A_277 = tpu.vector_load_idx %arg10[%add3A_272, %broadcast_in_dim3A] : memref<128x96xf32, #tpu.memory_space<vmem>>[vector<16xi32>, vector<16xi32>], vector<16xf32>,
      %swap3A_278 = arith.index_cast %scan3A_256 : i32 to index
      %swap3A_279 = arith.constant 16 : index
      %swap3A_280 = tpu.vector_load %arg14[%swap3A_278, %swap3A_279] {strides = array<i32>} : memref<96x128xf32, #tpu.memory_space<vmem>>, vector<16xf32>,
      tpu.vector_store %arg14[%swap3A_278, %swap3A_279], %gather3A_277 {strides = array<i32>} : memref<96x128xf32, #tpu.memory_space<vmem>>, vector<16xf32>,
      %gather3A_281 = tpu.vector_load_idx %arg11[%add3A_272, %broadcast_in_dim3A] : memref<128x96xf32, #tpu.memory_space<vmem>>[vector<16xi32>, vector<16xi32>], vector<16xf32>,
      %swap3A_282 = arith.index_cast %scan3A_256 : i32 to index
      %swap3A_283 = arith.constant 16 : index
      %swap3A_284 = tpu.vector_load %arg15[%swap3A_282, %swap3A_283] {strides = array<i32>} : memref<96x128xf32, #tpu.memory_space<vmem>>, vector<16xf32>,
      tpu.vector_store %arg15[%swap3A_282, %swap3A_283], %gather3A_281 {strides = array<i32>} : memref<96x128xf32, #tpu.memory_space<vmem>>, vector<16xf32>,
      %add3A_285 = arith.constant 32 : i32
      %add3A_286 = vector.broadcast %add3A_285 : i32 to vector<16xi32>
      %add3A_287 = arith.addi %iota3A, %add3A_286 : vector<16xi32>
      %gather3A_288 = tpu.vector_load_idx %arg12[%add3A_287, %broadcast_in_dim3A] : memref<128x96xf32, #tpu.memory_space<vmem>>[vector<16xi32>, vector<16xi32>], vector<16xf32>,
      %swap3A_289 = arith.index_cast %scan3A_256 : i32 to index
      %swap3A_290 = arith.constant 32 : index
      %swap3A_291 = tpu.vector_load %arg13[%swap3A_289, %swap3A_290] {strides = array<i32>} : memref<96x128xf32, #tpu.memory_space<vmem>>, vector<16xf32>,
      tpu.vector_store %arg13[%swap3A_289, %swap3A_290], %gather3A_288 {strides = array<i32>} : memref<96x128xf32, #tpu.memory_space<vmem>>, vector<16xf32>,
      %gather3A_292 = tpu.vector_load_idx %arg10[%add3A_287, %broadcast_in_dim3A] : memref<128x96xf32, #tpu.memory_space<vmem>>[vector<16xi32>, vector<16xi32>], vector<16xf32>,
      %swap3A_293 = arith.index_cast %scan3A_256 : i32 to index
      %swap3A_294 = arith.constant 32 : index
      %swap3A_295 = tpu.vector_load %arg14[%swap3A_293, %swap3A_294] {strides = array<i32>} : memref<96x128xf32, #tpu.memory_space<vmem>>, vector<16xf32>,
      tpu.vector_store %arg14[%swap3A_293, %swap3A_294], %gather3A_292 {strides = array<i32>} : memref<96x128xf32, #tpu.memory_space<vmem>>, vector<16xf32>,
      %gather3A_296 = tpu.vector_load_idx %arg11[%add3A_287, %broadcast_in_dim3A] : memref<128x96xf32, #tpu.memory_space<vmem>>[vector<16xi32>, vector<16xi32>], vector<16xf32>,
      %swap3A_297 = arith.index_cast %scan3A_256 : i32 to index
      %swap3A_298 = arith.constant 32 : index
      %swap3A_299 = tpu.vector_load %arg15[%swap3A_297, %swap3A_298] {strides = array<i32>} : memref<96x128xf32, #tpu.memory_space<vmem>>, vector<16xf32>,
      tpu.vector_store %arg15[%swap3A_297, %swap3A_298], %gather3A_296 {strides = array<i32>} : memref<96x128xf32, #tpu.memory_space<vmem>>, vector<16xf32>,
      %add3A_300 = arith.constant 48 : i32
      %add3A_301 = vector.broadcast %add3A_300 : i32 to vector<16xi32>
      %add3A_302 = arith.addi %iota3A, %add3A_301 : vector<16xi32>
      %gather3A_303 = tpu.vector_load_idx %arg12[%add3A_302, %broadcast_in_dim3A] : memref<128x96xf32, #tpu.memory_space<vmem>>[vector<16xi32>, vector<16xi32>], vector<16xf32>,
      %swap3A_304 = arith.index_cast %scan3A_256 : i32 to index
      %swap3A_305 = arith.constant 48 : index
      %swap3A_306 = tpu.vector_load %arg13[%swap3A_304, %swap3A_305] {strides = array<i32>} : memref<96x128xf32, #tpu.memory_space<vmem>>, vector<16xf32>,
      tpu.vector_store %arg13[%swap3A_304, %swap3A_305], %gather3A_303 {strides = array<i32>} : memref<96x128xf32, #tpu.memory_space<vmem>>, vector<16xf32>,
      %gather3A_307 = tpu.vector_load_idx %arg10[%add3A_302, %broadcast_in_dim3A] : memref<128x96xf32, #tpu.memory_space<vmem>>[vector<16xi32>, vector<16xi32>], vector<16xf32>,
      %swap3A_308 = arith.index_cast %scan3A_256 : i32 to index
      %swap3A_309 = arith.constant 48 : index
      %swap3A_310 = tpu.vector_load %arg14[%swap3A_308, %swap3A_309] {strides = array<i32>} : memref<96x128xf32, #tpu.memory_space<vmem>>, vector<16xf32>,
      tpu.vector_store %arg14[%swap3A_308, %swap3A_309], %gather3A_307 {strides = array<i32>} : memref<96x128xf32, #tpu.memory_space<vmem>>, vector<16xf32>,
      %gather3A_311 = tpu.vector_load_idx %arg11[%add3A_302, %broadcast_in_dim3A] : memref<128x96xf32, #tpu.memory_space<vmem>>[vector<16xi32>, vector<16xi32>], vector<16xf32>,
      %swap3A_312 = arith.index_cast %scan3A_256 : i32 to index
      %swap3A_313 = arith.constant 48 : index
      %swap3A_314 = tpu.vector_load %arg15[%swap3A_312, %swap3A_313] {strides = array<i32>} : memref<96x128xf32, #tpu.memory_space<vmem>>, vector<16xf32>,
      tpu.vector_store %arg15[%swap3A_312, %swap3A_313], %gather3A_311 {strides = array<i32>} : memref<96x128xf32, #tpu.memory_space<vmem>>, vector<16xf32>,
      %add3A_315 = arith.constant 64 : i32
      %add3A_316 = vector.broadcast %add3A_315 : i32 to vector<16xi32>
      %add3A_317 = arith.addi %iota3A, %add3A_316 : vector<16xi32>
      %gather3A_318 = tpu.vector_load_idx %arg12[%add3A_317, %broadcast_in_dim3A] : memref<128x96xf32, #tpu.memory_space<vmem>>[vector<16xi32>, vector<16xi32>], vector<16xf32>,
      %swap3A_319 = arith.index_cast %scan3A_256 : i32 to index
      %swap3A_320 = arith.constant 64 : index
      %swap3A_321 = tpu.vector_load %arg13[%swap3A_319, %swap3A_320] {strides = array<i32>} : memref<96x128xf32, #tpu.memory_space<vmem>>, vector<16xf32>,
      tpu.vector_store %arg13[%swap3A_319, %swap3A_320], %gather3A_318 {strides = array<i32>} : memref<96x128xf32, #tpu.memory_space<vmem>>, vector<16xf32>,
      %gather3A_322 = tpu.vector_load_idx %arg10[%add3A_317, %broadcast_in_dim3A] : memref<128x96xf32, #tpu.memory_space<vmem>>[vector<16xi32>, vector<16xi32>], vector<16xf32>,
      %swap3A_323 = arith.index_cast %scan3A_256 : i32 to index
      %swap3A_324 = arith.constant 64 : index
      %swap3A_325 = tpu.vector_load %arg14[%swap3A_323, %swap3A_324] {strides = array<i32>} : memref<96x128xf32, #tpu.memory_space<vmem>>, vector<16xf32>,
      tpu.vector_store %arg14[%swap3A_323, %swap3A_324], %gather3A_322 {strides = array<i32>} : memref<96x128xf32, #tpu.memory_space<vmem>>, vector<16xf32>,
      %gather3A_326 = tpu.vector_load_idx %arg11[%add3A_317, %broadcast_in_dim3A] : memref<128x96xf32, #tpu.memory_space<vmem>>[vector<16xi32>, vector<16xi32>], vector<16xf32>,
      %swap3A_327 = arith.index_cast %scan3A_256 : i32 to index
      %swap3A_328 = arith.constant 64 : index
      %swap3A_329 = tpu.vector_load %arg15[%swap3A_327, %swap3A_328] {strides = array<i32>} : memref<96x128xf32, #tpu.memory_space<vmem>>, vector<16xf32>,
      tpu.vector_store %arg15[%swap3A_327, %swap3A_328], %gather3A_326 {strides = array<i32>} : memref<96x128xf32, #tpu.memory_space<vmem>>, vector<16xf32>,
      %add3A_330 = arith.constant 80 : i32
      %add3A_331 = vector.broadcast %add3A_330 : i32 to vector<16xi32>
      %add3A_332 = arith.addi %iota3A, %add3A_331 : vector<16xi32>
      %gather3A_333 = tpu.vector_load_idx %arg12[%add3A_332, %broadcast_in_dim3A] : memref<128x96xf32, #tpu.memory_space<vmem>>[vector<16xi32>, vector<16xi32>], vector<16xf32>,
      %swap3A_334 = arith.index_cast %scan3A_256 : i32 to index
      %swap3A_335 = arith.constant 80 : index
      %swap3A_336 = tpu.vector_load %arg13[%swap3A_334, %swap3A_335] {strides = array<i32>} : memref<96x128xf32, #tpu.memory_space<vmem>>, vector<16xf32>,
      tpu.vector_store %arg13[%swap3A_334, %swap3A_335], %gather3A_333 {strides = array<i32>} : memref<96x128xf32, #tpu.memory_space<vmem>>, vector<16xf32>,
      %gather3A_337 = tpu.vector_load_idx %arg10[%add3A_332, %broadcast_in_dim3A] : memref<128x96xf32, #tpu.memory_space<vmem>>[vector<16xi32>, vector<16xi32>], vector<16xf32>,
      %swap3A_338 = arith.index_cast %scan3A_256 : i32 to index
      %swap3A_339 = arith.constant 80 : index
      %swap3A_340 = tpu.vector_load %arg14[%swap3A_338, %swap3A_339] {strides = array<i32>} : memref<96x128xf32, #tpu.memory_space<vmem>>, vector<16xf32>,
      tpu.vector_store %arg14[%swap3A_338, %swap3A_339], %gather3A_337 {strides = array<i32>} : memref<96x128xf32, #tpu.memory_space<vmem>>, vector<16xf32>,
      %gather3A_341 = tpu.vector_load_idx %arg11[%add3A_332, %broadcast_in_dim3A] : memref<128x96xf32, #tpu.memory_space<vmem>>[vector<16xi32>, vector<16xi32>], vector<16xf32>,
      %swap3A_342 = arith.index_cast %scan3A_256 : i32 to index
      %swap3A_343 = arith.constant 80 : index
      %swap3A_344 = tpu.vector_load %arg15[%swap3A_342, %swap3A_343] {strides = array<i32>} : memref<96x128xf32, #tpu.memory_space<vmem>>, vector<16xf32>,
      tpu.vector_store %arg15[%swap3A_342, %swap3A_343], %gather3A_341 {strides = array<i32>} : memref<96x128xf32, #tpu.memory_space<vmem>>, vector<16xf32>,
      %add3A_345 = arith.constant 96 : i32
      %add3A_346 = vector.broadcast %add3A_345 : i32 to vector<16xi32>
      %add3A_347 = arith.addi %iota3A, %add3A_346 : vector<16xi32>
      %gather3A_348 = tpu.vector_load_idx %arg12[%add3A_347, %broadcast_in_dim3A] : memref<128x96xf32, #tpu.memory_space<vmem>>[vector<16xi32>, vector<16xi32>], vector<16xf32>,
      %swap3A_349 = arith.index_cast %scan3A_256 : i32 to index
      %swap3A_350 = arith.constant 96 : index
      %swap3A_351 = tpu.vector_load %arg13[%swap3A_349, %swap3A_350] {strides = array<i32>} : memref<96x128xf32, #tpu.memory_space<vmem>>, vector<16xf32>,
      tpu.vector_store %arg13[%swap3A_349, %swap3A_350], %gather3A_348 {strides = array<i32>} : memref<96x128xf32, #tpu.memory_space<vmem>>, vector<16xf32>,
      %gather3A_352 = tpu.vector_load_idx %arg10[%add3A_347, %broadcast_in_dim3A] : memref<128x96xf32, #tpu.memory_space<vmem>>[vector<16xi32>, vector<16xi32>], vector<16xf32>,
      %swap3A_353 = arith.index_cast %scan3A_256 : i32 to index
      %swap3A_354 = arith.constant 96 : index
      %swap3A_355 = tpu.vector_load %arg14[%swap3A_353, %swap3A_354] {strides = array<i32>} : memref<96x128xf32, #tpu.memory_space<vmem>>, vector<16xf32>,
      tpu.vector_store %arg14[%swap3A_353, %swap3A_354], %gather3A_352 {strides = array<i32>} : memref<96x128xf32, #tpu.memory_space<vmem>>, vector<16xf32>,
      %gather3A_356 = tpu.vector_load_idx %arg11[%add3A_347, %broadcast_in_dim3A] : memref<128x96xf32, #tpu.memory_space<vmem>>[vector<16xi32>, vector<16xi32>], vector<16xf32>,
      %swap3A_357 = arith.index_cast %scan3A_256 : i32 to index
      %swap3A_358 = arith.constant 96 : index
      %swap3A_359 = tpu.vector_load %arg15[%swap3A_357, %swap3A_358] {strides = array<i32>} : memref<96x128xf32, #tpu.memory_space<vmem>>, vector<16xf32>,
      tpu.vector_store %arg15[%swap3A_357, %swap3A_358], %gather3A_356 {strides = array<i32>} : memref<96x128xf32, #tpu.memory_space<vmem>>, vector<16xf32>,
      %add3A_360 = arith.constant 112 : i32
      %add3A_361 = vector.broadcast %add3A_360 : i32 to vector<16xi32>
      %add3A_362 = arith.addi %iota3A, %add3A_361 : vector<16xi32>
      %gather3A_363 = tpu.vector_load_idx %arg12[%add3A_362, %broadcast_in_dim3A] : memref<128x96xf32, #tpu.memory_space<vmem>>[vector<16xi32>, vector<16xi32>], vector<16xf32>,
      %swap3A_364 = arith.index_cast %scan3A_256 : i32 to index
      %swap3A_365 = arith.constant 112 : index
      %swap3A_366 = tpu.vector_load %arg13[%swap3A_364, %swap3A_365] {strides = array<i32>} : memref<96x128xf32, #tpu.memory_space<vmem>>, vector<16xf32>,
      tpu.vector_store %arg13[%swap3A_364, %swap3A_365], %gather3A_363 {strides = array<i32>} : memref<96x128xf32, #tpu.memory_space<vmem>>, vector<16xf32>,
      %gather3A_367 = tpu.vector_load_idx %arg10[%add3A_362, %broadcast_in_dim3A] : memref<128x96xf32, #tpu.memory_space<vmem>>[vector<16xi32>, vector<16xi32>], vector<16xf32>,
      %swap3A_368 = arith.index_cast %scan3A_256 : i32 to index
      %swap3A_369 = arith.constant 112 : index
      %swap3A_370 = tpu.vector_load %arg14[%swap3A_368, %swap3A_369] {strides = array<i32>} : memref<96x128xf32, #tpu.memory_space<vmem>>, vector<16xf32>,
      tpu.vector_store %arg14[%swap3A_368, %swap3A_369], %gather3A_367 {strides = array<i32>} : memref<96x128xf32, #tpu.memory_space<vmem>>, vector<16xf32>,
      %gather3A_371 = tpu.vector_load_idx %arg11[%add3A_362, %broadcast_in_dim3A] : memref<128x96xf32, #tpu.memory_space<vmem>>[vector<16xi32>, vector<16xi32>], vector<16xf32>,
      %swap3A_372 = arith.index_cast %scan3A_256 : i32 to index
      %swap3A_373 = arith.constant 112 : index
      %swap3A_374 = tpu.vector_load %arg15[%swap3A_372, %swap3A_373] {strides = array<i32>} : memref<96x128xf32, #tpu.memory_space<vmem>>, vector<16xf32>,
      tpu.vector_store %arg15[%swap3A_372, %swap3A_373], %gather3A_371 {strides = array<i32>} : memref<96x128xf32, #tpu.memory_space<vmem>>, vector<16xf32>,
    }
    %scan3A_243 = arith.constant 96 : i32
    %scan3A_244 = arith.constant 0 : i32
    %scan3A_245 = arith.constant 0 : i32
    %scan3A_246 = arith.constant 96 : i32
    %scan3A_247 = arith.addi %scan3A_245, %scan3A_246 : i32
    %scan3A_248 = arith.constant 1 : i32
    scf.for %scan3A_256 = %scan3A_245 to %scan3A_247 step %scan3A_248  : i32 {
      %mul3A_257 = arith.constant 16384 : i32
      %mul3A_258 = arith.muli %scan3A_256, %mul3A_257 : i32
      %add3A_259 = arith.addi %mul3A_258, %mul3A_195 : i32
      %dma_start3A_260 = arith.constant 0 : i32
      %dma_start3A_261 = tpu.memref_slice %arg13[%scan3A_256, %dma_start3A_260] : memref<96x128xf32, #tpu.memory_space<vmem>> -> memref<1x128xf32, #tpu.memory_space<vmem>>
      %dma_start3A_262 = tpu.memref_squeeze %dma_start3A_261 : memref<1x128xf32, #tpu.memory_space<vmem>> -> memref<128xf32, #tpu.memory_space<vmem>>
      %dma_start3A_263 = tpu.memref_slice %arg6[%add3A_259] : memref<1572864xf32, #tpu.memory_space<hbm>> -> memref<128xf32, #tpu.memory_space<hbm>>
      %dma_start3A_264 = tpu.memref_slice %arg6[%add3A_259] : memref<1572864xf32, #tpu.memory_space<hbm>> -> memref<128xf32, #tpu.memory_space<hbm>>
      %dma_start3A_265 = arith.constant 0 : i32
      %dma_start3A_266 = tpu.memref_slice %arg13[%scan3A_256, %dma_start3A_265] : memref<96x128xf32, #tpu.memory_space<vmem>> -> memref<1x128xf32, #tpu.memory_space<vmem>>
      %dma_start3A_267 = tpu.memref_squeeze %dma_start3A_266 : memref<1x128xf32, #tpu.memory_space<vmem>> -> memref<128xf32, #tpu.memory_space<vmem>>
      tpu.enqueue_dma source(%dma_start3A_267 : memref<128xf32, #tpu.memory_space<vmem>>) target(%dma_start3A_264 : memref<128xf32, #tpu.memory_space<hbm>>) target_semaphore(%arg19 : memref<!tpu.dma_semaphore, #tpu.memory_space<semaphore_mem>>)
      %dma_start3A_268 = arith.constant 0 : i32
      %dma_start3A_269 = tpu.memref_slice %arg14[%scan3A_256, %dma_start3A_268] : memref<96x128xf32, #tpu.memory_space<vmem>> -> memref<1x128xf32, #tpu.memory_space<vmem>>
      %dma_start3A_270 = tpu.memref_squeeze %dma_start3A_269 : memref<1x128xf32, #tpu.memory_space<vmem>> -> memref<128xf32, #tpu.memory_space<vmem>>
      %dma_start3A_271 = tpu.memref_slice %arg7[%add3A_259] : memref<1572864xf32, #tpu.memory_space<hbm>> -> memref<128xf32, #tpu.memory_space<hbm>>
      %dma_start3A_272 = tpu.memref_slice %arg7[%add3A_259] : memref<1572864xf32, #tpu.memory_space<hbm>> -> memref<128xf32, #tpu.memory_space<hbm>>
      %dma_start3A_273 = arith.constant 0 : i32
      %dma_start3A_274 = tpu.memref_slice %arg14[%scan3A_256, %dma_start3A_273] : memref<96x128xf32, #tpu.memory_space<vmem>> -> memref<1x128xf32, #tpu.memory_space<vmem>>
      %dma_start3A_275 = tpu.memref_squeeze %dma_start3A_274 : memref<1x128xf32, #tpu.memory_space<vmem>> -> memref<128xf32, #tpu.memory_space<vmem>>
      tpu.enqueue_dma source(%dma_start3A_275 : memref<128xf32, #tpu.memory_space<vmem>>) target(%dma_start3A_272 : memref<128xf32, #tpu.memory_space<hbm>>) target_semaphore(%arg19 : memref<!tpu.dma_semaphore, #tpu.memory_space<semaphore_mem>>)
      %dma_start3A_276 = arith.constant 0 : i32
      %dma_start3A_277 = tpu.memref_slice %arg15[%scan3A_256, %dma_start3A_276] : memref<96x128xf32, #tpu.memory_space<vmem>> -> memref<1x128xf32, #tpu.memory_space<vmem>>
      %dma_start3A_278 = tpu.memref_squeeze %dma_start3A_277 : memref<1x128xf32, #tpu.memory_space<vmem>> -> memref<128xf32, #tpu.memory_space<vmem>>
      %dma_start3A_279 = tpu.memref_slice %arg8[%add3A_259] : memref<1572864xf32, #tpu.memory_space<hbm>> -> memref<128xf32, #tpu.memory_space<hbm>>
      %dma_start3A_280 = tpu.memref_slice %arg8[%add3A_259] : memref<1572864xf32, #tpu.memory_space<hbm>> -> memref<128xf32, #tpu.memory_space<hbm>>
      %dma_start3A_281 = arith.constant 0 : i32
      %dma_start3A_282 = tpu.memref_slice %arg15[%scan3A_256, %dma_start3A_281] : memref<96x128xf32, #tpu.memory_space<vmem>> -> memref<1x128xf32, #tpu.memory_space<vmem>>
      %dma_start3A_283 = tpu.memref_squeeze %dma_start3A_282 : memref<1x128xf32, #tpu.memory_space<vmem>> -> memref<128xf32, #tpu.memory_space<vmem>>
      tpu.enqueue_dma source(%dma_start3A_283 : memref<128xf32, #tpu.memory_space<vmem>>) target(%dma_start3A_280 : memref<128xf32, #tpu.memory_space<hbm>>) target_semaphore(%arg19 : memref<!tpu.dma_semaphore, #tpu.memory_space<semaphore_mem>>)
    }
    %scan3A_249 = arith.constant 96 : i32
    %scan3A_250 = arith.constant 0 : i32
    %scan3A_251 = arith.constant 0 : i32
    %scan3A_252 = arith.constant 96 : i32
    %scan3A_253 = arith.addi %scan3A_251, %scan3A_252 : i32
    %scan3A_254 = arith.constant 1 : i32
    scf.for %scan3A_256 = %scan3A_251 to %scan3A_253 step %scan3A_254  : i32 {
      %dma_wait3A_257 = arith.constant 0 : i32
      %dma_wait3A_258 = arith.constant 0 : i32
      %dma_wait3A_259 = tpu.memref_slice %arg13[%dma_wait3A_257, %dma_wait3A_258] : memref<96x128xf32, #tpu.memory_space<vmem>> -> memref<1x128xf32, #tpu.memory_space<vmem>>
      %dma_wait3A_260 = tpu.memref_squeeze %dma_wait3A_259 : memref<1x128xf32, #tpu.memory_space<vmem>> -> memref<128xf32, #tpu.memory_space<vmem>>
      %dma_wait3A_261 = arith.constant 0 : i32
      %dma_wait3A_262 = tpu.memref_slice %arg6[%dma_wait3A_261] : memref<1572864xf32, #tpu.memory_space<hbm>> -> memref<128xf32, #tpu.memory_space<hbm>>
      %dma_wait3A_263 = arith.constant 0 : i32
      %dma_wait3A_264 = tpu.memref_slice %arg6[%dma_wait3A_263] : memref<1572864xf32, #tpu.memory_space<hbm>> -> memref<128xf32, #tpu.memory_space<hbm>>
      %dma_wait3A_265 = arith.constant 0 : i32
      %dma_wait3A_266 = tpu.memref_slice %arg13[%dma_wait3A_257, %dma_wait3A_265] : memref<96x128xf32, #tpu.memory_space<vmem>> -> memref<1x128xf32, #tpu.memory_space<vmem>>
      %dma_wait3A_267 = tpu.memref_squeeze %dma_wait3A_266 : memref<1x128xf32, #tpu.memory_space<vmem>> -> memref<128xf32, #tpu.memory_space<vmem>>
      tpu.wait_dma2 semaphore(%arg19 : memref<!tpu.dma_semaphore, #tpu.memory_space<semaphore_mem>>) src(%dma_wait3A_267 : memref<128xf32, #tpu.memory_space<vmem>>) dst(%dma_wait3A_264 : memref<128xf32, #tpu.memory_space<hbm>>)
      %dma_wait3A_268 = arith.constant 0 : i32
      %dma_wait3A_269 = arith.constant 0 : i32
      %dma_wait3A_270 = tpu.memref_slice %arg14[%dma_wait3A_268, %dma_wait3A_269] : memref<96x128xf32, #tpu.memory_space<vmem>> -> memref<1x128xf32, #tpu.memory_space<vmem>>
      %dma_wait3A_271 = tpu.memref_squeeze %dma_wait3A_270 : memref<1x128xf32, #tpu.memory_space<vmem>> -> memref<128xf32, #tpu.memory_space<vmem>>
      %dma_wait3A_272 = arith.constant 0 : i32
      %dma_wait3A_273 = tpu.memref_slice %arg7[%dma_wait3A_272] : memref<1572864xf32, #tpu.memory_space<hbm>> -> memref<128xf32, #tpu.memory_space<hbm>>
      %dma_wait3A_274 = arith.constant 0 : i32
      %dma_wait3A_275 = tpu.memref_slice %arg7[%dma_wait3A_274] : memref<1572864xf32, #tpu.memory_space<hbm>> -> memref<128xf32, #tpu.memory_space<hbm>>
      %dma_wait3A_276 = arith.constant 0 : i32
      %dma_wait3A_277 = tpu.memref_slice %arg14[%dma_wait3A_268, %dma_wait3A_276] : memref<96x128xf32, #tpu.memory_space<vmem>> -> memref<1x128xf32, #tpu.memory_space<vmem>>
      %dma_wait3A_278 = tpu.memref_squeeze %dma_wait3A_277 : memref<1x128xf32, #tpu.memory_space<vmem>> -> memref<128xf32, #tpu.memory_space<vmem>>
      tpu.wait_dma2 semaphore(%arg19 : memref<!tpu.dma_semaphore, #tpu.memory_space<semaphore_mem>>) src(%dma_wait3A_278 : memref<128xf32, #tpu.memory_space<vmem>>) dst(%dma_wait3A_275 : memref<128xf32, #tpu.memory_space<hbm>>)
      %dma_wait3A_279 = arith.constant 0 : i32
      %dma_wait3A_280 = arith.constant 0 : i32
      %dma_wait3A_281 = tpu.memref_slice %arg15[%dma_wait3A_279, %dma_wait3A_280] : memref<96x128xf32, #tpu.memory_space<vmem>> -> memref<1x128xf32, #tpu.memory_space<vmem>>
      %dma_wait3A_282 = tpu.memref_squeeze %dma_wait3A_281 : memref<1x128xf32, #tpu.memory_space<vmem>> -> memref<128xf32, #tpu.memory_space<vmem>>
      %dma_wait3A_283 = arith.constant 0 : i32
      %dma_wait3A_284 = tpu.memref_slice %arg8[%dma_wait3A_283] : memref<1572864xf32, #tpu.memory_space<hbm>> -> memref<128xf32, #tpu.memory_space<hbm>>
      %dma_wait3A_285 = arith.constant 0 : i32
      %dma_wait3A_286 = tpu.memref_slice %arg8[%dma_wait3A_285] : memref<1572864xf32, #tpu.memory_space<hbm>> -> memref<128xf32, #tpu.memory_space<hbm>>
      %dma_wait3A_287 = arith.constant 0 : i32
      %dma_wait3A_288 = tpu.memref_slice %arg15[%dma_wait3A_279, %dma_wait3A_287] : memref<96x128xf32, #tpu.memory_space<vmem>> -> memref<1x128xf32, #tpu.memory_space<vmem>>
      %dma_wait3A_289 = tpu.memref_squeeze %dma_wait3A_288 : memref<1x128xf32, #tpu.memory_space<vmem>> -> memref<128xf32, #tpu.memory_space<vmem>>
      tpu.wait_dma2 semaphore(%arg19 : memref<!tpu.dma_semaphore, #tpu.memory_space<semaphore_mem>>) src(%dma_wait3A_289 : memref<128xf32, #tpu.memory_space<vmem>>) dst(%dma_wait3A_286 : memref<128xf32, #tpu.memory_space<hbm>>)
    }
    %scan3A_255 = arith.constant 96 : i32
    return
  }
}

</mosaic_0001>

<sc_bundles>
// kernel: _sc_embed.3.cloned.1.call-start
scs
__scs_entry_jumppad:
0x0: {  	(pc) =	sbr.rel $0x88, $3  }
0x1: {  	(tag) =	ssettag $0x0;
	lr =	simm.s32 $0x1  }
0x2: {  	[smem:$0x3F9D] =	sst lr;
	_ =	strace $0xD0000000  }
0x3: {  	_ = 	snop  }
0x4: {  	_ = 	snop  }
0x5: {  	_ = 	snop  }
0x6: {  	_ = 	snop  }
0x7: {  	_ = 	snop  }
__scs_overlays_trampoline_lowered:
0x8: {  	[smem:$0x3FAC] =	sst s0  }
0x9: {  	[smem:$0x3FAD] =	sst s1  }
0xa: {  	[smem:$0x3FAE] =	sst s2  }
0xb: {  	[smem:$0x3FAF] =	sst s3  }
0xc: {  	[smem:$0x3FB0] =	sst s4  }
0xd: {  	[smem:$0x3FB1] =	sst s5  }
0xe: {  	[smem:$0x3FB2] =	sst s6  }
0xf: {  	[smem:$0x3FB3] =	sst s7  }
0x10: {  	[smem:$0x3FB4] =	sst s8  }
0x11: {  	[smem:$0x3FB5] =	sst s9;
	s0 =	simm.s32 @!p0 $0x0  }
0x12: {  	s1 =	sld [smem:$0x3F9B];
	s0 =	simm.s32 @p0 $0x1  }
0x13: {  	[smem:$0x3FB6] =	sst s0;
	s0 =	simm.s32 @!p1 $0x0  }
0x14: {  	s2 =	sld [smem:$0x3F9A];
	s0 =	simm.s32 @p1 $0x1  }
0x15: {  	[smem:$0x3FB7] =	sst s0;
	s0 =	simm.s32 @!p2 $0x0  }
0x16: {  	s3 =	sld [smem:$0x3FDB];
	s0 =	simm.s32 @p2 $0x1  }
0x17: {  	s4 =	simm.s32 $0x1BF5;
	[smem:$0x3FB9] =	sst s0  }
0x18: {  	s0 =	sld [smem:$0x3F9C];
	_ =	swait.ge [sflag:s4], $0x0  }
0x19: {  	s7 =	sld [smem:$0x3F9D]  }
0x1a: {  	s8 =	sadd.s32 $0xFFFFE003, lr  }
0x1b: {  	s9 =	sadd.s32 $0xFFFFFEF7, lr;
	s5 =	simm.s32 $0xFFFFFFFF;
	p2 =	slt.u32 s8, $0xFFFFF086  }
0x1c: {  	p1 =	slt.u32 s9, $0xF7A;
	s5 =	simm.s32 @!p2 $0x0  }
0x1d: {  	s5 =	simm.s32 @p1 $0x1;
	p0 =	seq.s32 s7, s2  }
0x1e: {  	s7 =	smul.u32 @!p0 $0xF7A, s2;
	p2 =	seq.s32 @!p0 s5, $0x0  }
0x1f: {  	s9 =	smul.u32 $0xF7A, s1;
	s8 =	simm.s32 @!p0 $0x1BF5;
	p2 =	por !p2, p0  }
0x20: {  	[sflag:s8] =	ssyncset.s32 @!p0 $0xFFFFF086;
	s6 =	sadd.s32 @!p0 s3, s7;
	s7 =	simm.s32 @!p0 $0x108  }
0x21: {  	s3 =	sadd.s32 s3, s9;
	s6 =	sadd.s32 @!p0 $0x88, s6;
	s7 =	simm.s32 @p2 $0x1082  }
0x22: {  	[simem:s7], [sflag:s8] =	dma.local @!p0 [hbm:s6], $0xF7A  }
0x23: {  	s9 =	sor.u32 $0xD0000000, s2;
	s6 =	simm.s32 $0x108;
	_ =	swait.ge @!p0 [sflag:s8], $0x0  }
0x24: {  	s3 =	sadd.s32 $0x88, s3;
	s6 =	simm.s32 @!p1 $0x1082;
	[sflag:s4] =	ssyncset.s32 $0xFFFFF086  }
0x25: {  	[simem:s6], [sflag:s4] =	dma.local [hbm:s3], $0xF7A  }
0x26: {  	[smem:$0x3F9D] =	sst s1;
	(tag) =	ssettag s2;
	_ =	strace s9  }
0x27: {  	s1 =	sld [smem:$0x3FAD]  }
0x28: {  	s2 =	sld [smem:$0x3FAE]  }
0x29: {  	s4 =	sld [smem:$0x3FB0]  }
0x2a: {  	p0 =	seq.s32 s5, $0x0;
	s5 =	sld [smem:$0x3FB1]  }
0x2b: {  	s6 =	sld [smem:$0x3FB2]  }
0x2c: {  	s7 =	sld [smem:$0x3FB3]  }
0x2d: {  	s3 =	simm.s32 $0x108;
	s8 =	sld [smem:$0x3FB4]  }
0x2e: {  	s3 =	simm.s32 @!p0 $0x1082;
	s9 =	sld [smem:$0x3FB5]  }
0x2f: {  	lr =	sadd.s32 s0, s3;
	s0 =	sld [smem:$0x3FAC]  }
0x30: {  	s3 =	sld [smem:$0x3FAF]  }
0x31: {  	[smem:$0x3FB8] =	sst s10  }
0x32: {  	s10 =	sld [smem:$0x3FB6];
	_ =	sdelay $0x3  }
0x33: {  	p0 =	seq.s32 s10, $0x1;
	s10 =	sld [smem:$0x3FB8];
	_ =	sdelay $0x3  }
0x34: {  	[smem:$0x3FB8] =	sst s10  }
0x35: {  	s10 =	sld [smem:$0x3FB7];
	_ =	sdelay $0x3  }
0x36: {  	p1 =	seq.s32 s10, $0x1;
	s10 =	sld [smem:$0x3FB8];
	_ =	sdelay $0x3  }
0x37: {  	[smem:$0x3FB8] =	sst s10  }
0x38: {  	s10 =	sld [smem:$0x3FB9]  }
0x39: {  	_ = 	snop;
	(pc) =	sbr.ind lr, $3  }
0x3a: {  	_ = 	snop  }
0x3b: {  	_ = 	snop  }
0x3c: {  	p2 =	seq.s32 s10, $0x1;
	s10 =	sld [smem:$0x3FB8]  }
0x3d: {  	_ =	shalt  }
0x3e: {  	_ =	shalt  }
0x3f: {  	_ =	shalt  }
0x40: {  	_ =	shalt  }
0x41: {  	_ =	shalt  }
0x42: {  	_ =	shalt  }
0x43: {  	_ =	shalt  }
0x44: {  	_ =	shalt  }
0x45: {  	_ =	shalt  }
0x46: {  	_ =	shalt  }
0x47: {  	_ =	shalt  }
0x48: {  	_ =	shalt  }
0x49: {  	_ =	shalt  }
0x4a: {  	_ =	shalt  }
0x4b: {  	_ =	shalt  }
0x4c: {  	_ =	shalt  }
0x4d: {  	_ =	shalt  }
0x4e: {  	_ =	shalt  }
0x4f: {  	_ =	shalt  }
0x50: {  	_ =	shalt  }
0x51: {  	_ =	shalt  }
0x52: {  	_ =	shalt  }
0x53: {  	_ =	shalt  }
0x54: {  	_ =	shalt  }
0x55: {  	_ =	shalt  }
0x56: {  	_ =	shalt  }
0x57: {  	_ =	shalt  }
0x58: {  	_ =	shalt  }
0x59: {  	_ =	shalt  }
0x5a: {  	_ =	shalt  }
0x5b: {  	_ =	shalt  }
0x5c: {  	_ =	shalt  }
0x5d: {  	_ =	shalt  }
0x5e: {  	_ =	shalt  }
0x5f: {  	_ =	shalt  }
0x60: {  	_ =	shalt  }
0x61: {  	_ =	shalt  }
0x62: {  	_ =	shalt  }
0x63: {  	_ =	shalt  }
0x64: {  	_ =	shalt  }
0x65: {  	_ =	shalt  }
0x66: {  	_ =	shalt  }
0x67: {  	_ =	shalt  }
0x68: {  	_ =	shalt  }
0x69: {  	_ =	shalt  }
0x6a: {  	_ =	shalt  }
0x6b: {  	_ =	shalt  }
0x6c: {  	_ =	shalt  }
0x6d: {  	_ =	shalt  }
0x6e: {  	_ =	shalt  }
0x6f: {  	_ =	shalt  }
0x70: {  	_ =	shalt  }
0x71: {  	_ =	shalt  }
0x72: {  	_ =	shalt  }
0x73: {  	_ =	shalt  }
0x74: {  	_ =	shalt  }
0x75: {  	_ =	shalt  }
0x76: {  	_ =	shalt  }
0x77: {  	_ =	shalt  }
0x78: {  	_ =	shalt  }
0x79: {  	_ =	shalt  }
0x7a: {  	_ =	shalt  }
0x7b: {  	_ =	shalt  }
0x7c: {  	_ =	shalt  }
0x7d: {  	_ =	shalt  }
0x7e: {  	_ =	shalt  }
0x7f: {  	_ =	shalt  }
0x80: {  	_ =	shalt  }
0x81: {  	_ =	shalt  }
0x82: {  	_ =	shalt  }
0x83: {  	_ =	shalt  }
0x84: {  	_ =	shalt  }
0x85: {  	_ =	shalt  }
0x86: {  	_ =	shalt  }
0x87: {  	_ =	shalt  }
.Lfunc_end0:
.L_simem_size_0:
called_computation_lowered:
.L_overlay_start_0:
0x88: {  	s2 =	sld [smem:$0x3FD9]  }
0x89: {  	s3 =	sld [smem:$0x3FFE];
	_ =	sdelay $0x1  }
0x8a: {  	s1 =	srdreg.scid  }
0x8b: {  	s0 =	sand.u32 $0x1, s1  }
0x8c: {  	s14 =	sshll.u32 s0, $0xA;
	s2 =	sadd.s32 s3, s2  }
0x8d: {  	s2 =	sadd.s32 s2, s14  }
0x8e: {  	[smem:$0x3FC4] =	sst s2  }
0x8f: {  	_ = 	snop  }
0x90: {  	s2 =	sld [smem:$0x3FD0];
	_ =	sdelay $0x2  }
0x91: {  	s4 =	simm.s32 $0xA;
	s5 =	simm.s32 $0x10;
	s15 =	sld [smem:$0x3FC9]  }
0x92: {  	[smem:s5], [sflag:s4] =	dma.local [hbm:s2], $0x1  }
0x93: {  	_ =	swait.eq [sflag:s4], $0x1  }
0x94: {  	s16 =	sld [smem:$0x10];
	[sflag:s4] =	ssyncset.done $0x0  }
0x95: {  	s17 =	sld [smem:$0x11];
	[sflag:s4] =	ssyncadd.s32 $0xFFFFFFFF  }
0x96: {  	s18 =	sld [smem:$0x12];
	(tm) =	ssettm $0x1  }
0x97: {  	s6 =	sld [smem:$0x3FFB];
	_ =	sdelay $0x3  }
0x98: {  	_ =	strace s6  }
0x99: {  	s6 =	sld [smem:$0x3FFC];
	_ =	sdelay $0x3  }
0x9a: {  	_ =	strace s6  }
0x9b: {  	s6 =	sld [smem:$0x3FFD];
	_ =	sdelay $0x3  }
0x9c: {  	_ =	strace s6  }
0x9d: {  	_ =	strace $0x8FFFFFFF  }
0x9e: {  	s19 =	sld [smem:$0x3FDB];
	_ =	sdelay $0x1  }
0x9f: {  	s7 =	simm.s32 $_scs_section_size  }
0xa0: {  	s8 =	simm.s32 $_size__tile_overlayer_lowered;
	s9 =	simm.s32 $_tile_overlayer_lowered  }
0xa1: {  	s22 =	simm.s32 $0x1BFF;
	s21 =	sshll.u32 s9, $0x1;
	s6 =	sadd.s32 s7, s19  }
0xa2: {  	s10 =	simm.s32 $0x0;
	s20 =	sshll.u32 s8, $0x1;
	s8 =	sadd.s32 s21, s6  }
0xa3: {  	[timem:s10], [sflag:s22] =	dma.local [hbm:s8], s20  }
0xa4: {  	_ =	swait.ge [sflag:s22], s20  }
0xa5: {  	s7 =	ssub.s32 $0x0, s20;
	[sflag:s22] =	ssyncset.done $0x0  }
0xa6: {  	[sflag:s22] =	ssyncadd.s32 s7;
	_ =	sdelay $0x1  }
0xa7: {  	s23 =	simm.s32 $0x1B8B  }
0xa8: {  	_ =	swait.ge [sflag:s23], $0x1  }
0xa9: {  	[sflag:s23] =	ssyncset.done $0x0  }
0xaa: {  	s25 =	simm.s32 $0x1B8E;
	s24 =	sld [smem:$0x3FFE];
	[sflag:s23] =	ssyncadd.s32 $0xFFFFFFFF  }
0xab: {  	s26 =	simm.s32 $execute0_lowered;
	[smem:$0x3FD2] =	sst s25  }
0xac: {  	s8 =	sshll.u32 s26, $0x1;
	_ =	strace $0x80000046;
	[dreg:$0x1] =	wrdreg $0xFFFFFFFF  }
0xad: {  	s28 =	simm.s32 $_size_execute0_lowered;
	s6 =	sadd.s32 s6, s8;
	[dreg:$0x0] =	wrdreg $0x0  }
0xae: {  	s8 =	sshll.u32 s28, $0x1;
	[dreg:$0x2] =	wrdreg s6  }
0xaf: {  	[dreg:$0x3] =	wrdreg s8  }
0xb0: {  	[dreg:$0x4] =	wrdreg $0xC0  }
0xb1: {  	_ =	task [dreg:s10], $0x5FFFF  }
0xb2: {  	[dreg:$0x1] =	wrdreg $0xFFFFFFFF  }
0xb3: {  	[dreg:$0x0] =	wrdreg $0x60  }
0xb4: {  	[dreg:$0x2] =	wrdreg s15  }
0xb5: {  	[dreg:$0x3] =	wrdreg s24  }
0xb6: {  	[dreg:$0x4] =	wrdreg s16  }
0xb7: {  	[dreg:$0x5] =	wrdreg s17  }
0xb8: {  	[dreg:$0x6] =	wrdreg s18  }
0xb9: {  	[dreg:$0x7] =	wrdreg $0x9  }
0xba: {  	_ =	task.clear_ibuf [dreg:s10], $0x8FFFF;
	_ =	strace $0x90000046  }
0xbb: {  	s29 =	simm.s32 $0x9;
	_ =	strace $0x80000048  }
0xbc: {  	_ =	swait.ge [sflag:s29], $0x1  }
0xbd: {  	[sflag:s29] =	ssyncadd.s32 $0xFFFFFFFF  }
0xbe: {  	_ =	strace $0x90000048  }
0xbf: {  	_ =	sfence  }
0xc0: {  	s30 =	sld [smem:$0x0];
	_ =	sdelay $0x2  }
0xc1: {  	s31 =	sshll.u32 s1, $0xD;
	s1 =	sshrl.u32 s1, $0x2  }
0xc2: {  	s3 =	sand.u32 $0x4000, s31;
	s1 =	sadd.s32 s1, s30  }
0xc3: {  	s0 =	sor.u32 s3, s0;
	s1 =	sshll.u32 s1, $0x11  }
0xc4: {  	s0 =	sor.u32 s1, s0  }
0xc5: {  	s0 =	sadd.s32 $0x8F2B, s0  }
0xc6: {  	[sflag:s0] =	ssyncadd.remote.s32 $0x1  }
0xc7: {  	_ =	sfence.sel $0xFFFF  }
0xc8: {  	[dreg:$0x0] =	wrdreg $0xFFFFFFFF;
	(pc) =	sbr.abs _section_cstart, $3  }
0xc9: {  	[dreg:$0x1] =	wrdreg $0xFFFFFFFF  }
0xca: {  	_ =	task.clear_ibuf [dreg:s10], $0x2FFFF;
	_ =	strace $0x9FFFFFFF  }
0xcb: {  	(tm) =	ssettm $0x7FFFFFFF  }
tec
execute0_lowered:
.L_overlay_start_1:
0x0: {  	(tag) =	ssettag $0x1  }
0x1: {  	s0 =	rddreg [dreg:$0x0]  }
0x2: {  	s1 =	rddreg [dreg:$0x1]  }
0x3: {  	s5 =	rddreg [dreg:$0x2]  }
0x4: {  	s6 =	rddreg [dreg:$0x3]  }
0x5: {  	s7 =	rddreg [dreg:$0x4];
	s2 =	simm.s32 $0x0;
	s3 =	srdreg.scid  }
0x6: {  	s15 =	stileid.u32;
	s28 =	simm.s32 $0x6200;
	s29 =	simm.s32 $0x1  }
0x7: {  	s30 =	simm.s32 $0x2;
	s31 =	simm.s32 $0x3;
	[smem:$0x7FF] =	sst s2  }
0x8: {  	s8 =	sand.u32 $0x1, s3;
	s4 =	sshll.u32 s15, $0x1;
	s9 =	sadd.s32 $0xA00, s1  }
0x9: {  	s3 =	sadd.s32 $0x1AB4C00, s1;
	s17 =	sshll.u32 s15, $0x7;
	s21 =	sshll.u32 s15, $0xA  }
0xa: {  	_ =	strace $0x80000047;
	s10 =	sor.u32 s8, s4;
	s4 =	sadd.s32 $0xF43000, s1  }
0xb: {  	s24 =	ssub.s32 $0x2, s8;
	s19 =	sadd.s32 s17, s5;
	s20 =	sshll.u32 s8, $0x6  }
0xc: {  	s8 =	sshll.u32 s8, $0x9;
	s22 =	sadd.s32 s17, s6;
	s23 =	sadd.s32 s17, s7  }
0xd: {  	s11 =	sshll.u32 s10, $0x9;
	s12 =	sshrl.u32 s24, $0x1;
	s13 =	smul.u32 $0x1800, s10  }
0xe: {  	s10 =	sshll.u32 s10, $0x6;
	s8 =	sor.u32 s8, s21;
	s14 =	sor.u32 $0x80, s11  }
0xf: {  	s1 =	ssub.s32 s24, s12;
	s26 =	sor.u32 $0x100, s11;
	s11 =	sor.u32 $0x180, s11  }
0x10: {  	s0 =	sadd.s32 s0, s10;
	s12 =	sadd.s32 s20, s22;
	s25 =	smul.u32 $0xC, s14  }
0x11: {  	s14 =	smul.u32 $0xC, s26;
	[dreg:$0x6] =	wrdreg s0;
	s10 =	sadd.s32 s9, s13  }
0x12: {  	s11 =	smul.u32 $0xC, s11;
	s18 =	smax.u32 s1, $0x1;
	[dreg:$0x7] =	wrdreg s10  }
0x13: {  	s26 =	sor.u32 $0x180, s8;
	[dreg:$0xb] =	wrdreg s18;
	s13 =	sadd.s32 s9, s25  }
0x14: {  	s16 =	sadd.s32 s9, s14;
	s0 =	sadd.s32 s9, s11;
	[dreg:$0x8] =	wrdreg s13  }
0x15: {  	s11 =	sadd.s32 s20, s19;
	s9 =	sor.u32 $0x80, s8;
	[dreg:$0x9] =	wrdreg s16  }
0x16: {  	s25 =	sor.u32 $0x100, s8;
	[dreg:$0xa] =	wrdreg s0;
	s13 =	sadd.s32 s20, s23  }
0x17: {  	v0 =	vlaneseq.u32;
	s24 =	sshrl.u32 s9, $0x3;
	s1 =	sshrl.u32 s25, $0x3;
	s0 =	sshrl.u32 s26, $0x3  }
0x18: {  	v0 =	vmul.u32 $0x60, v0;
	s23 =	simm.s32 $0x5;
	s25 =	simm.s32 $0x200;
	s26 =	simm.s32 $0x3200  }
0x19: {  	s14 =	sadd.s32 s24, s7;
	s15 =	sadd.s32 s24, s6;
	s16 =	sadd.s32 s24, s5  }
0x1a: {  	v1 =	vadd.s32 $0x600, v0;
	s17 =	sadd.s32 s1, s7;
	s18 =	sadd.s32 s1, s6;
	s19 =	sadd.s32 s1, s5  }
0x1b: {  	v2 =	vadd.s32 $0xC00, v0;
	v3 =	vadd.s32 $0x1200, v0;
	v4 =	vor.u32 $0x1800, v0;
	s20 =	sadd.s32 s0, s7;
	s21 =	sadd.s32 s0, s6;
	s22 =	sadd.s32 s0, s5  }
0x1c: {  	v5 =	vadd.s32 $0x1E00, v0;
	v6 =	vadd.s32 $0x2400, v0;
	v7 =	vadd.s32 $0x2A00, v0;
	s24 =	simm.s32 $0x80;
	s0 =	simm.s32 $0x4;
	s6 =	simm.s32 $0x0  }
.LBB2_1:
0x1d: {  	s1 =	rddreg [dreg:$0x6]  }
0x1e: {  	[tilespmem:s2], [sflag:$0x5] =	stream.linear.gather [hbm4b:s1+s2], $0x200, $0x38;
	[tilespmem:$0x12200] =	vst v63  }
0x1f: {  	_ =	swait.ge [sflag:s23], $0x200  }
0x20: {  	[sflag:s23] =	ssyncset.done $0x0  }
0x21: {  	[sflag:s23] =	ssyncadd.s32 $0xFFFFFE00  }
0x22: {  	[tilespmem:s25], [sflag:$0x1] =	stream.indirect.gather [hbm4b:s3+s24], $0x60, s2, s24, $0xb8;
	[tilespmem:$0x12200] =	vst v63  }
0x23: {  	_ = 	snop  }
0x24: {  	[tilespmem:s26], [sflag:$0x2] =	stream.indirect.gather [hbm4b:s4+s24], $0x60, s2, s24, $0xb8;
	[tilespmem:$0x12200] =	vst v63  }
0x25: {  	s10 =	rddreg [dreg:$0x7]  }
0x26: {  	[tilespmem:s28], [sflag:$0x3] =	stream.linear.gather [hbm4b:s10+s2], $0x3000, $0x38;
	[tilespmem:$0x12200] =	vst v63  }
0x27: {  	_ =	swait.ge [sflag:s29], $0x3000  }
0x28: {  	[sflag:s29] =	ssyncset.done $0x0  }
0x29: {  	[sflag:s29] =	ssyncadd.s32 $0xFFFFD000  }
0x2a: {  	_ =	swait.ge [sflag:s30], $0x3000  }
0x2b: {  	[sflag:s30] =	ssyncset.done $0x0  }
0x2c: {  	[sflag:s30] =	ssyncadd.s32 $0xFFFFD000  }
0x2d: {  	_ =	swait.ge [sflag:s31], $0x3000  }
0x2e: {  	[sflag:s31] =	ssyncset.done $0x0  }
0x2f: {  	s7 =	simm.s32 $0x50;
	[sflag:s31] =	ssyncadd.s32 $0xFFFFD000  }
0x30: {  	v8 =	vld [tilespmem:s7+$0x31B0];
	_ =	sdelay $0x2  }
0x31: {  	v9 =	vld [tilespmem:s7+$0x31C0]  }
0x32: {  	v10 =	vld [tilespmem:s7+$0x31D0]  }
0x33: {  	v12 =	vld [tilespmem:s7+$0x31E0];
	v8 =	vmul.f32 $5.000000000e-01, v8  }
0x34: {  	v13 =	vld [tilespmem:s7+$0x31F0]  }
0x35: {  	v15 =	vld [tilespmem:s7+$0x3200];
	v16 =	vmul.f32 $1.442695020e+00, v8  }
0x36: {  	v20 =	vld [tilespmem:s7+$0x1B0]  }
0x37: {  	v21 =	vld [tilespmem:s7+$0x1C0];
	(erf) = vpow2.f32 v16  }
0x38: {  	s1 =	simm.s32 $0xB0;
	v11 =	vld [tilespmem:s7+$0x1D0];
	v9 =	vmul.f32 $5.000000000e-01, v9;
	v14 =	vmul.f32 $5.000000000e-01, v10  }
0x39: {  	v19 =	vld [tilespmem:s1+$0x31B0];
	v12 =	vmul.f32 $5.000000000e-01, v12;
	v13 =	vmul.f32 $5.000000000e-01, v13  }
0x3a: {  	v23 =	vld [tilespmem:s1+$0x31C0];
	v15 =	vmul.f32 $5.000000000e-01, v15;
	v17 =	vmul.f32 $1.442695020e+00, v9  }
0x3b: {  	v22 =	vld [tilespmem:s7+$0x61C0];
	v14 =	vmul.f32 $1.442695020e+00, v14;
	v12 =	vmul.f32 $1.442695020e+00, v12  }
0x3c: {  	v25 =	vld [tilespmem:s7+$0x61D0];
	v16 =	vmul.f32 $1.442695020e+00, v13;
	(erf) = vpow2.f32 v17  }
0x3d: {  	v26 =	vld [tilespmem:s7+$0x61E0];
	(erf) = vpow2.f32 v14  }
0x3e: {  	v18 =	vld [tilespmem:s7+$0x61F0];
	v15 =	vmul.f32 $1.442695020e+00, v15;
	(erf) = vpow2.f32 v12  }
0x3f: {  	v10 =	vld [tilespmem:s7+$0x1E0];
	(erf) = vpow2.f32 v16  }
0x40: {  	v12 =	vld [tilespmem:s7+$0x61B0];
	v16 =	vpop (erf);
	(erf) = vpow2.f32 v15  }
0x41: {  	v8 =	vld [tilespmem:s7+$0x1F0]  }
0x42: {  	v9 =	vld [tilespmem:s7+$0x200]  }
0x43: {  	v13 =	vld [tilespmem:s1+$0x31E0]  }
0x44: {  	v14 =	vld [tilespmem:s1+$0x31D0]  }
0x45: {  	v17 =	vld [tilespmem:s7+$0x6200];
	v12 =	vmul.f32 v16, v12;
	v24 =	vpop (erf)  }
0x46: {  	v16 =	vld [tilespmem:s1+$0x31F0];
	v27 =	vmul.f32 v24, v22;
	v22 =	vpop (erf)  }
0x47: {  	v19 =	vmul.f32 $5.000000000e-01, v19;
	v15 =	vld [tilespmem:s1+$0x3200];
	v24 =	vadd.f32 v12, v20;
	v22 =	vmul.f32 v22, v25;
	v25 =	vpop (erf)  }
0x48: {  	s8 =	simm.s32 $0x440;
	v12 =	vld [tilespmem:s1+$0x1B0];
	v20 =	vmul.f32 $5.000000000e-01, v23;
	v23 =	vadd.f32 v27, v21;
	v21 =	vmul.f32 v25, v26;
	v25 =	vpop (erf)  }
.LBB2_2:
0x49: {  	p0 =	sne.s32 s8, $0xBFC0;
	v26 =	vld [tilespmem:s1+$0x1C0];
	v14 =	vmul.f32 $5.000000000e-01, v14;
	[tilespmem:s7+$0x61B0] =	vst v24;
	v22 =	vadd.f32 v22, v11;
	v18 =	vmul.f32 v25, v18;
	v24 =	vpop (erf)  }
0x4a: {  	v13 =	vmul.f32 $5.000000000e-01, v13;
	v11 =	vld [tilespmem:s1+$0x1D0];
	[tilespmem:s7+$0x61C0] =	vst v23;
	v21 =	vadd.f32 v21, v10;
	v17 =	vmul.f32 v24, v17  }
0x4b: {  	v19 =	vmul.f32 $1.442695020e+00, v19;
	v10 =	vld [tilespmem:s1+$0x1E0];
	v16 =	vmul.f32 $5.000000000e-01, v16;
	[tilespmem:s7+$0x61D0] =	vst v22;
	v18 =	vadd.f32 v18, v8  }
0x4c: {  	v20 =	vmul.f32 $1.442695020e+00, v20;
	v8 =	vld [tilespmem:s1+$0x1F0];
	v15 =	vmul.f32 $5.000000000e-01, v15;
	[tilespmem:s7+$0x61E0] =	vst v21;
	v17 =	vadd.f32 v17, v9  }
0x4d: {  	s5 =	sshra.s32 s8, $0x2;
	v14 =	vmul.f32 $1.442695020e+00, v14;
	v9 =	vld [tilespmem:s1+$0x200];
	(erf) = vpow2.f32 v19;
	[tilespmem:s7+$0x61F0] =	vst v18  }
0x4e: {  	v13 =	vmul.f32 $1.442695020e+00, v13;
	v19 =	vld [tilespmem:s5+$0x31B0];
	(erf) = vpow2.f32 v20;
	[tilespmem:s7+$0x6200] =	vst v17;
	s7 =	smov.u32 s1;
	s1 =	smov.u32 s5  }
0x4f: {  	v16 =	vmul.f32 $1.442695020e+00, v16;
	v20 =	vld [tilespmem:s1+$0x31C0];
	(erf) = vpow2.f32 v14  }
0x50: {  	v15 =	vmul.f32 $1.442695020e+00, v15;
	v14 =	vld [tilespmem:s1+$0x31D0];
	(erf) = vpow2.f32 v13  }
0x51: {  	v13 =	vld [tilespmem:s1+$0x31E0];
	(erf) = vpow2.f32 v16  }
0x52: {  	v16 =	vld [tilespmem:s7+$0x61B0];
	(erf) = vpow2.f32 v15  }
0x53: {  	v15 =	vld [tilespmem:s7+$0x61C0]  }
0x54: {  	v21 =	vld [tilespmem:s7+$0x61D0]  }
0x55: {  	v25 =	vld [tilespmem:s7+$0x61E0]  }
.Ltmp0:
0x56: {  	v18 =	vld [tilespmem:s7+$0x61F0];
	v17 =	vpop (erf);
	(pc) =	sbr.rel @p0 .LBB2_2-.Ltmp0, $4  }
0x57: {  	v22 =	vmul.f32 v17, v16;
	v17 =	vld [tilespmem:s7+$0x6200];
	v23 =	vpop (erf)  }
0x58: {  	v16 =	vld [tilespmem:s1+$0x31F0];
	v23 =	vmul.f32 v23, v15;
	v27 =	vpop (erf)  }
0x59: {  	v19 =	vmul.f32 $5.000000000e-01, v19;
	v15 =	vld [tilespmem:s1+$0x3200];
	v24 =	vadd.f32 v22, v12;
	v22 =	vmul.f32 v27, v21;
	v21 =	vpop (erf)  }
0x5a: {  	s8 =	sadd.s32 $0x180, s8;
	v20 =	vmul.f32 $5.000000000e-01, v20;
	v12 =	vld [tilespmem:s1+$0x1B0];
	v23 =	vadd.f32 v23, v26;
	v21 =	vmul.f32 v21, v25;
	v25 =	vpop (erf)  }
0x5b: {  	v14 =	vmul.f32 $5.000000000e-01, v14;
	v18 =	vmul.f32 v25, v18  }
0x5c: {  	v26 =	vld [tilespmem:s1+$0x1C0];
	[tilespmem:s7+$0x61B0] =	vst v24;
	v46 =	vpop (erf);
	v11 =	vadd.f32 v22, v11;
	v13 =	vmul.f32 $5.000000000e-01, v13;
	v19 =	vmul.f32 $1.442695020e+00, v19  }
0x5d: {  	v47 =	vld [tilespmem:s1+$0x1D0];
	[tilespmem:s7+$0x61C0] =	vst v23;
	v17 =	vmul.f32 v46, v17;
	v16 =	vmul.f32 $5.000000000e-01, v16  }
0x5e: {  	v10 =	vadd.f32 v21, v10;
	v48 =	vld [tilespmem:s1+$0x1E0];
	[tilespmem:s7+$0x61D0] =	vst v11;
	v11 =	vmul.f32 $1.442695020e+00, v20;
	v14 =	vmul.f32 $1.442695020e+00, v14  }
0x5f: {  	(erf) = vpow2.f32 v19;
	v15 =	vmul.f32 $5.000000000e-01, v15  }
0x60: {  	v8 =	vadd.f32 v18, v8;
	v49 =	vld [tilespmem:s1+$0x1F0];
	[tilespmem:s7+$0x61E0] =	vst v10;
	v10 =	vmul.f32 $1.442695020e+00, v13;
	(erf) = vpow2.f32 v11  }
0x61: {  	v9 =	vadd.f32 v17, v9;
	v50 =	vmul.f32 $1.442695020e+00, v16;
	(erf) = vpow2.f32 v14  }
0x62: {  	v11 =	vld [tilespmem:s1+$0x200];
	[tilespmem:s7+$0x61F0] =	vst v8;
	v8 =	vmul.f32 $1.442695020e+00, v15;
	(erf) = vpow2.f32 v10  }
0x63: {  	[tilespmem:s7+$0x6200] =	vst v9;
	(erf) = vpow2.f32 v50  }
0x64: {  	v9 =	vld [tilespmem:s1+$0x61B0];
	(erf) = vpow2.f32 v8  }
0x65: {  	v8 =	vld [tilespmem:s1+$0x61C0]  }
0x66: {  	v10 =	vld [tilespmem:s1+$0x61D0]  }
0x67: {  	v51 =	vld [tilespmem:s1+$0x61E0]  }
0x68: {  	v52 =	vld [tilespmem:s1+$0x61F0];
	v53 =	vpop (erf)  }
0x69: {  	v54 =	vld [tilespmem:s1+$0x6200];
	v9 =	vmul.f32 v53, v9;
	v55 =	vpop (erf)  }
0x6a: {  	v8 =	vmul.f32 v55, v8;
	v56 =	vpop (erf)  }
0x6b: {  	s5 =	simm.s32 $0x0;
	v9 =	vadd.f32 v9, v12;
	v10 =	vmul.f32 v56, v10;
	v57 =	vpop (erf)  }
0x6c: {  	v59 =	vmov s5;
	v8 =	vadd.f32 v8, v26;
	v12 =	vmul.f32 v57, v51;
	v58 =	vpop (erf)  }
0x6d: {  	v61 =	vand.u32 $0x7F, v59;
	[tilespmem:s1+$0x61B0] =	vst v9;
	v9 =	vadd.f32 v10, v47;
	v10 =	vmul.f32 v58, v52;
	v60 =	vpop (erf)  }
0x6e: {  	v63 =	vadd.s32 v0, v61;
	[tilespmem:s1+$0x61C0] =	vst v8;
	v8 =	vadd.f32 v12, v48;
	v62 =	vmul.f32 v60, v54  }
0x6f: {  	[tilespmem:s1+$0x61D0] =	vst v9;
	v9 =	vadd.f32 v10, v49  }
0x70: {  	[tilespmem:s1+$0x61E0] =	vst v8;
	v8 =	vadd.f32 v62, v11  }
0x71: {  	[tilespmem:s1+$0x61F0] =	vst v9  }
0x72: {  	[tilespmem:s1+$0x6200] =	vst v8  }
0x73: {  	v8 =	vld.idx.msk [tilespmem:v63+s28+$0x0], $0xffff;
	_ =	sdelay $0x3  }
0x74: {  	s9 =	simm.s32 $0x9240  }
0x75: {  	[tilespmem:s9+$0xFFFFFFC0] =	vst v8  }
0x76: {  	v8 =	vld.idx.msk [tilespmem:v63+s25+$0x0], $0xffff;
	_ =	sdelay $0x3  }
0x77: {  	s8 =	simm.s32 $0xC240  }
0x78: {  	[tilespmem:s8+$0xFFFFFFC0] =	vst v8  }
0x79: {  	v8 =	vld.idx.msk [tilespmem:v63+s26+$0x0], $0xffff  }
0x7a: {  	v9 =	vadd.s32 v1, v61;
	_ =	sdelay $0x2  }
0x7b: {  	s7 =	simm.s32 $0xF240  }
0x7c: {  	[tilespmem:s7+$0xFFFFFFC0] =	vst v8  }
0x7d: {  	v8 =	vld.idx.msk [tilespmem:v9+s28+$0x0], $0xffff;
	_ =	sdelay $0x4  }
0x7e: {  	[tilespmem:s9+$0xFFFFFFD0] =	vst v8  }
0x7f: {  	v8 =	vld.idx.msk [tilespmem:v9+s25+$0x0], $0xffff;
	_ =	sdelay $0x4  }
0x80: {  	[tilespmem:s8+$0xFFFFFFD0] =	vst v8  }
0x81: {  	v8 =	vld.idx.msk [tilespmem:v9+s26+$0x0], $0xffff  }
0x82: {  	v9 =	vadd.s32 v2, v61;
	_ =	sdelay $0x3  }
0x83: {  	[tilespmem:s7+$0xFFFFFFD0] =	vst v8  }
0x84: {  	v8 =	vld.idx.msk [tilespmem:v9+s28+$0x0], $0xffff;
	_ =	sdelay $0x4  }
0x85: {  	[tilespmem:s9+$0xFFFFFFE0] =	vst v8  }
0x86: {  	v8 =	vld.idx.msk [tilespmem:v9+s25+$0x0], $0xffff;
	_ =	sdelay $0x4  }
0x87: {  	[tilespmem:s8+$0xFFFFFFE0] =	vst v8  }
0x88: {  	v8 =	vld.idx.msk [tilespmem:v9+s26+$0x0], $0xffff  }
0x89: {  	v9 =	vadd.s32 v3, v61;
	_ =	sdelay $0x3  }
0x8a: {  	[tilespmem:s7+$0xFFFFFFE0] =	vst v8  }
0x8b: {  	v8 =	vld.idx.msk [tilespmem:v9+s28+$0x0], $0xffff;
	_ =	sdelay $0x4  }
0x8c: {  	[tilespmem:s9+$0xFFFFFFF0] =	vst v8  }
0x8d: {  	v8 =	vld.idx.msk [tilespmem:v9+s25+$0x0], $0xffff;
	_ =	sdelay $0x4  }
0x8e: {  	[tilespmem:s8+$0xFFFFFFF0] =	vst v8  }
0x8f: {  	v8 =	vld.idx.msk [tilespmem:v9+s26+$0x0], $0xffff  }
0x90: {  	v9 =	vadd.s32 v4, v61;
	_ =	sdelay $0x3  }
0x91: {  	[tilespmem:s7+$0xFFFFFFF0] =	vst v8  }
0x92: {  	v8 =	vld.idx.msk [tilespmem:v9+s28+$0x0], $0xffff;
	_ =	sdelay $0x4  }
0x93: {  	[tilespmem:s9+$0x0] =	vst v8  }
0x94: {  	v8 =	vld.idx.msk [tilespmem:v9+s25+$0x0], $0xffff;
	_ =	sdelay $0x4  }
0x95: {  	[tilespmem:s8+$0x0] =	vst v8  }
0x96: {  	v8 =	vld.idx.msk [tilespmem:v9+s26+$0x0], $0xffff  }
0x97: {  	v9 =	vadd.s32 v5, v61;
	_ =	sdelay $0x3  }
0x98: {  	[tilespmem:s7+$0x0] =	vst v8  }
0x99: {  	v8 =	vld.idx.msk [tilespmem:v9+s28+$0x0], $0xffff;
	_ =	sdelay $0x4  }
0x9a: {  	[tilespmem:s9+$0x10] =	vst v8  }
0x9b: {  	v8 =	vld.idx.msk [tilespmem:v9+s25+$0x0], $0xffff;
	_ =	sdelay $0x4  }
0x9c: {  	[tilespmem:s8+$0x10] =	vst v8  }
0x9d: {  	v8 =	vld.idx.msk [tilespmem:v9+s26+$0x0], $0xffff  }
0x9e: {  	v9 =	vadd.s32 v6, v61;
	_ =	sdelay $0x3  }
0x9f: {  	[tilespmem:s7+$0x10] =	vst v8  }
0xa0: {  	v8 =	vld.idx.msk [tilespmem:v9+s28+$0x0], $0xffff;
	_ =	sdelay $0x4  }
0xa1: {  	[tilespmem:s9+$0x20] =	vst v8  }
0xa2: {  	v8 =	vld.idx.msk [tilespmem:v9+s25+$0x0], $0xffff;
	_ =	sdelay $0x4  }
0xa3: {  	[tilespmem:s8+$0x20] =	vst v8  }
0xa4: {  	v8 =	vld.idx.msk [tilespmem:v9+s26+$0x0], $0xffff  }
0xa5: {  	v9 =	vadd.s32 v7, v61;
	_ =	sdelay $0x3  }
0xa6: {  	[tilespmem:s7+$0x20] =	vst v8  }
0xa7: {  	v8 =	vld.idx.msk [tilespmem:v9+s28+$0x0], $0xffff;
	_ =	sdelay $0x4  }
0xa8: {  	[tilespmem:s9+$0x30] =	vst v8  }
0xa9: {  	v8 =	vld.idx.msk [tilespmem:v9+s25+$0x0], $0xffff;
	_ =	sdelay $0x3  }
0xaa: {  	s10 =	simm.s32 $0x1  }
0xab: {  	v10 =	vmov s10;
	[tilespmem:s8+$0x30] =	vst v8  }
0xac: {  	v8 =	vand.u32 $0x7F, v10;
	v10 =	vld.idx.msk [tilespmem:v9+s26+$0x0], $0xffff  }
0xad: {  	v9 =	vadd.s32 v0, v8;
	_ =	sdelay $0x1  }
0xae: {  	s10 =	simm.s32 $0x2;
	s9 =	simm.s32 $0x92C0  }
.LBB2_4:
0xaf: {  	s8 =	sadd.s32 $0x80, s8  }
0xb0: {  	[tilespmem:s7+$0x30] =	vst v10;
	s7 =	sadd.s32 $0x80, s7;
	s1 =	smov.u32 s10;
	s5 =	sadd.s32 $0x1, s10  }
0xb1: {  	p0 =	sne.s32 s10, $0x5F;
	v10 =	vld.idx.msk [tilespmem:v9+s28+$0x0], $0xffff;
	_ =	sdelay $0x5  }
0xb2: {  	[tilespmem:s9+$0xFFFFFFC0] =	vst v10  }
0xb3: {  	v10 =	vld.idx.msk [tilespmem:v9+s25+$0x0], $0xffff;
	_ =	sdelay $0x5  }
0xb4: {  	[tilespmem:s8+$0xFFFFFFC0] =	vst v10  }
0xb5: {  	v9 =	vld.idx.msk [tilespmem:v9+s26+$0x0], $0xffff;
	_ =	sdelay $0x1  }
0xb6: {  	v10 =	vadd.s32 v1, v8;
	_ =	sdelay $0x3  }
0xb7: {  	[tilespmem:s7+$0xFFFFFFC0] =	vst v9  }
0xb8: {  	v9 =	vld.idx.msk [tilespmem:v10+s28+$0x0], $0xffff;
	_ =	sdelay $0x5  }
0xb9: {  	[tilespmem:s9+$0xFFFFFFD0] =	vst v9  }
0xba: {  	v9 =	vld.idx.msk [tilespmem:v10+s25+$0x0], $0xffff;
	_ =	sdelay $0x5  }
0xbb: {  	[tilespmem:s8+$0xFFFFFFD0] =	vst v9  }
0xbc: {  	v9 =	vld.idx.msk [tilespmem:v10+s26+$0x0], $0xffff;
	_ =	sdelay $0x1  }
0xbd: {  	v10 =	vadd.s32 v2, v8;
	_ =	sdelay $0x3  }
0xbe: {  	[tilespmem:s7+$0xFFFFFFD0] =	vst v9  }
0xbf: {  	v9 =	vld.idx.msk [tilespmem:v10+s28+$0x0], $0xffff;
	_ =	sdelay $0x5  }
0xc0: {  	[tilespmem:s9+$0xFFFFFFE0] =	vst v9  }
0xc1: {  	v9 =	vld.idx.msk [tilespmem:v10+s25+$0x0], $0xffff;
	_ =	sdelay $0x5  }
0xc2: {  	[tilespmem:s8+$0xFFFFFFE0] =	vst v9  }
0xc3: {  	v9 =	vld.idx.msk [tilespmem:v10+s26+$0x0], $0xffff;
	_ =	sdelay $0x1  }
0xc4: {  	v10 =	vadd.s32 v3, v8;
	_ =	sdelay $0x3  }
0xc5: {  	[tilespmem:s7+$0xFFFFFFE0] =	vst v9  }
0xc6: {  	v9 =	vld.idx.msk [tilespmem:v10+s28+$0x0], $0xffff;
	_ =	sdelay $0x5  }
0xc7: {  	[tilespmem:s9+$0xFFFFFFF0] =	vst v9  }
0xc8: {  	v9 =	vld.idx.msk [tilespmem:v10+s25+$0x0], $0xffff;
	_ =	sdelay $0x5  }
0xc9: {  	[tilespmem:s8+$0xFFFFFFF0] =	vst v9  }
0xca: {  	v9 =	vld.idx.msk [tilespmem:v10+s26+$0x0], $0xffff;
	_ =	sdelay $0x1  }
0xcb: {  	v10 =	vadd.s32 v4, v8;
	_ =	sdelay $0x3  }
0xcc: {  	[tilespmem:s7+$0xFFFFFFF0] =	vst v9  }
0xcd: {  	v9 =	vld.idx.msk [tilespmem:v10+s28+$0x0], $0xffff;
	_ =	sdelay $0x5  }
0xce: {  	[tilespmem:s9+$0x0] =	vst v9  }
0xcf: {  	v9 =	vld.idx.msk [tilespmem:v10+s25+$0x0], $0xffff;
	_ =	sdelay $0x5  }
0xd0: {  	[tilespmem:s8+$0x0] =	vst v9  }
0xd1: {  	v9 =	vld.idx.msk [tilespmem:v10+s26+$0x0], $0xffff;
	_ =	sdelay $0x1  }
0xd2: {  	v10 =	vadd.s32 v5, v8;
	_ =	sdelay $0x3  }
0xd3: {  	[tilespmem:s7+$0x0] =	vst v9  }
0xd4: {  	v9 =	vld.idx.msk [tilespmem:v10+s28+$0x0], $0xffff;
	_ =	sdelay $0x5  }
0xd5: {  	[tilespmem:s9+$0x10] =	vst v9  }
0xd6: {  	v9 =	vld.idx.msk [tilespmem:v10+s25+$0x0], $0xffff;
	_ =	sdelay $0x5  }
0xd7: {  	[tilespmem:s8+$0x10] =	vst v9  }
0xd8: {  	v9 =	vld.idx.msk [tilespmem:v10+s26+$0x0], $0xffff;
	_ =	sdelay $0x1  }
0xd9: {  	v10 =	vadd.s32 v6, v8;
	_ =	sdelay $0x3  }
0xda: {  	[tilespmem:s7+$0x10] =	vst v9  }
0xdb: {  	v9 =	vld.idx.msk [tilespmem:v10+s28+$0x0], $0xffff;
	_ =	sdelay $0x5  }
0xdc: {  	[tilespmem:s9+$0x20] =	vst v9  }
0xdd: {  	v9 =	vld.idx.msk [tilespmem:v10+s25+$0x0], $0xffff;
	_ =	sdelay $0x5  }
0xde: {  	[tilespmem:s8+$0x20] =	vst v9  }
0xdf: {  	v9 =	vld.idx.msk [tilespmem:v10+s26+$0x0], $0xffff;
	_ =	sdelay $0x1  }
0xe0: {  	v8 =	vadd.s32 v7, v8;
	_ =	sdelay $0x3  }
0xe1: {  	[tilespmem:s7+$0x20] =	vst v9  }
0xe2: {  	v9 =	vld.idx.msk [tilespmem:v8+s28+$0x0], $0xffff;
	_ =	sdelay $0x5  }
0xe3: {  	[tilespmem:s9+$0x30] =	vst v9  }
0xe4: {  	v9 =	vld.idx.msk [tilespmem:v8+s25+$0x0], $0xffff;
	_ =	sdelay $0x5  }
0xe5: {  	[tilespmem:s8+$0x30] =	vst v9  }
0xe6: {  	v9 =	vmov s1;
	v10 =	vld.idx.msk [tilespmem:v8+s26+$0x0], $0xffff  }
.Ltmp1:
0xe7: {  	v8 =	vand.u32 $0x7F, v9;
	(pc) =	sbr.rel @p0 .LBB2_4-.Ltmp1, $2  }
0xe8: {  	v9 =	vadd.s32 v0, v8;
	_ =	sdelay $0x2  }
0xe9: {  	s10 =	smov.u32 s5;
	s9 =	sadd.s32 $0x80, s9  }
0xea: {  	_ =	sdelay $0x2  }
0xeb: {  	[tilespmem:s7+$0x30] =	vst v10  }
0xec: {  	v10 =	vld.idx.msk [tilespmem:v9+s28+$0x0], $0xffff;
	_ =	sdelay $0x4  }
0xed: {  	[tilespmem:s9+$0xFFFFFFC0] =	vst v10  }
0xee: {  	v10 =	vld.idx.msk [tilespmem:v9+s25+$0x0], $0xffff;
	_ =	sdelay $0x3  }
0xef: {  	s1 =	sadd.s32 $0x80, s8  }
0xf0: {  	[tilespmem:s1+$0xFFFFFFC0] =	vst v10  }
0xf1: {  	v57 =	vld.idx.msk [tilespmem:v9+s26+$0x0], $0xffff  }
0xf2: {  	v58 =	vadd.s32 v1, v8;
	_ =	sdelay $0x2  }
0xf3: {  	s5 =	sadd.s32 $0x80, s7  }
0xf4: {  	[tilespmem:s5+$0xFFFFFFC0] =	vst v57  }
0xf5: {  	v9 =	vld.idx.msk [tilespmem:v58+s28+$0x0], $0xffff;
	_ =	sdelay $0x4  }
0xf6: {  	[tilespmem:s9+$0xFFFFFFD0] =	vst v9  }
0xf7: {  	v9 =	vld.idx.msk [tilespmem:v58+s25+$0x0], $0xffff;
	_ =	sdelay $0x4  }
0xf8: {  	[tilespmem:s1+$0xFFFFFFD0] =	vst v9  }
0xf9: {  	v9 =	vld.idx.msk [tilespmem:v58+s26+$0x0], $0xffff  }
0xfa: {  	v59 =	vadd.s32 v2, v8;
	_ =	sdelay $0x3  }
0xfb: {  	[tilespmem:s5+$0xFFFFFFD0] =	vst v9  }
0xfc: {  	v9 =	vld.idx.msk [tilespmem:v59+s28+$0x0], $0xffff;
	_ =	sdelay $0x4  }
0xfd: {  	[tilespmem:s9+$0xFFFFFFE0] =	vst v9  }
0xfe: {  	v9 =	vld.idx.msk [tilespmem:v59+s25+$0x0], $0xffff;
	_ =	sdelay $0x4  }
0xff: {  	[tilespmem:s1+$0xFFFFFFE0] =	vst v9  }
0x100: {  	v9 =	vld.idx.msk [tilespmem:v59+s26+$0x0], $0xffff  }
0x101: {  	v60 =	vadd.s32 v3, v8;
	_ =	sdelay $0x3  }
0x102: {  	[tilespmem:s5+$0xFFFFFFE0] =	vst v9  }
0x103: {  	v9 =	vld.idx.msk [tilespmem:v60+s28+$0x0], $0xffff;
	_ =	sdelay $0x4  }
0x104: {  	[tilespmem:s9+$0xFFFFFFF0] =	vst v9  }
0x105: {  	v9 =	vld.idx.msk [tilespmem:v60+s25+$0x0], $0xffff;
	_ =	sdelay $0x4  }
0x106: {  	[tilespmem:s1+$0xFFFFFFF0] =	vst v9  }
0x107: {  	v9 =	vld.idx.msk [tilespmem:v60+s26+$0x0], $0xffff  }
0x108: {  	v61 =	vadd.s32 v4, v8;
	_ =	sdelay $0x3  }
0x109: {  	[tilespmem:s5+$0xFFFFFFF0] =	vst v9  }
0x10a: {  	v9 =	vld.idx.msk [tilespmem:v61+s28+$0x0], $0xffff;
	_ =	sdelay $0x4  }
0x10b: {  	[tilespmem:s9+$0x0] =	vst v9  }
0x10c: {  	v9 =	vld.idx.msk [tilespmem:v61+s25+$0x0], $0xffff;
	_ =	sdelay $0x4  }
0x10d: {  	[tilespmem:s1+$0x0] =	vst v9  }
0x10e: {  	v9 =	vld.idx.msk [tilespmem:v61+s26+$0x0], $0xffff  }
0x10f: {  	v62 =	vadd.s32 v5, v8;
	_ =	sdelay $0x3  }
0x110: {  	[tilespmem:s5+$0x0] =	vst v9  }
0x111: {  	v9 =	vld.idx.msk [tilespmem:v62+s28+$0x0], $0xffff;
	_ =	sdelay $0x4  }
0x112: {  	[tilespmem:s9+$0x10] =	vst v9  }
0x113: {  	v9 =	vld.idx.msk [tilespmem:v62+s25+$0x0], $0xffff;
	_ =	sdelay $0x4  }
0x114: {  	[tilespmem:s1+$0x10] =	vst v9  }
0x115: {  	v9 =	vld.idx.msk [tilespmem:v62+s26+$0x0], $0xffff  }
0x116: {  	v63 =	vadd.s32 v6, v8;
	_ =	sdelay $0x3  }
0x117: {  	[tilespmem:s5+$0x10] =	vst v9  }
0x118: {  	v9 =	vld.idx.msk [tilespmem:v63+s28+$0x0], $0xffff;
	_ =	sdelay $0x4  }
0x119: {  	[tilespmem:s9+$0x20] =	vst v9  }
0x11a: {  	v9 =	vld.idx.msk [tilespmem:v63+s25+$0x0], $0xffff;
	_ =	sdelay $0x4  }
0x11b: {  	[tilespmem:s1+$0x20] =	vst v9  }
0x11c: {  	v9 =	vld.idx.msk [tilespmem:v63+s26+$0x0], $0xffff  }
0x11d: {  	v8 =	vadd.s32 v7, v8;
	_ =	sdelay $0x3  }
0x11e: {  	[tilespmem:s5+$0x20] =	vst v9  }
0x11f: {  	v9 =	vld.idx.msk [tilespmem:v8+s28+$0x0], $0xffff;
	_ =	sdelay $0x4  }
0x120: {  	[tilespmem:s9+$0x30] =	vst v9  }
0x121: {  	v9 =	vld.idx.msk [tilespmem:v8+s25+$0x0], $0xffff;
	_ =	sdelay $0x4  }
0x122: {  	[tilespmem:s1+$0x30] =	vst v9  }
0x123: {  	v8 =	vld.idx.msk [tilespmem:v8+s26+$0x0], $0xffff;
	_ =	sdelay $0x4  }
0x124: {  	s8 =	simm.s32 $0x9200;
	[tilespmem:s5+$0x30] =	vst v8  }
0x125: {  	[hbm4b:s11+s2] =	stream.linear.scatter [tilespmem:s8], [sflag:$0x4], $0x80, $0x38;
	[tilespmem:$0x12200] =	vst v63  }
0x126: {  	s9 =	simm.s32 $0xC200  }
0x127: {  	[hbm4b:s12+s2] =	stream.linear.scatter [tilespmem:s9], [sflag:$0x4], $0x80, $0x38;
	[tilespmem:$0x12200] =	vst v63  }
0x128: {  	s10 =	simm.s32 $0xF200;
	s7 =	simm.s32 $0x80;
	s1 =	smov.u32 s13  }
0x129: {  	[hbm4b:s13+s2] =	stream.linear.scatter [tilespmem:s10], [sflag:$0x4], $0x80, $0x38;
	[tilespmem:$0x12200] =	vst v63  }
0x12a: {  	s8 =	smov.u32 s12;
	s9 =	smov.u32 s11;
	s10 =	simm.s32 $0x400  }
.LBB2_6:
0x12b: {  	p0 =	sne.s32 s10, $0xBE00;
	s5 =	sadd.s32 $0x9200, s7;
	s9 =	sadd.s32 $0x800, s9  }
0x12c: {  	[hbm4b:s9+s2] =	stream.linear.scatter [tilespmem:s5], [sflag:$0x4], $0x80, $0x38;
	[tilespmem:$0x12200] =	vst v63  }
.Ltmp2:
0x12d: {  	s8 =	sadd.s32 $0x800, s8;
	s5 =	sadd.s32 $0xC200, s7;
	(pc) =	sbr.rel @p0 .LBB2_6-.Ltmp2, $4  }
0x12e: {  	[hbm4b:s8+s2] =	stream.linear.scatter [tilespmem:s5], [sflag:$0x4], $0x80, $0x38;
	[tilespmem:$0x12200] =	vst v63  }
0x12f: {  	s1 =	sadd.s32 $0x800, s1;
	s5 =	sadd.s32 $0xF200, s7  }
0x130: {  	[hbm4b:s1+s2] =	stream.linear.scatter [tilespmem:s5], [sflag:$0x4], $0x80, $0x38;
	[tilespmem:$0x12200] =	vst v63  }
0x131: {  	s7 =	sshra.s32 s10, $0x2;
	s10 =	sadd.s32 $0x200, s10  }
0x132: {  	s5 =	sadd.s32 $0x9200, s7;
	s9 =	sadd.s32 $0x800, s9  }
0x133: {  	[hbm4b:s9+s2] =	stream.linear.scatter [tilespmem:s5], [sflag:$0x4], $0x80, $0x38;
	[tilespmem:$0x12200] =	vst v63  }
0x134: {  	s8 =	sadd.s32 $0x800, s8;
	s9 =	sadd.s32 $0xC200, s7  }
0x135: {  	[hbm4b:s8+s2] =	stream.linear.scatter [tilespmem:s9], [sflag:$0x4], $0x80, $0x38;
	[tilespmem:$0x12200] =	vst v63  }
0x136: {  	s10 =	sadd.s32 $0xF200, s7;
	s1 =	sadd.s32 $0x800, s1  }
0x137: {  	[hbm4b:s1+s2] =	stream.linear.scatter [tilespmem:s10], [sflag:$0x4], $0x80, $0x38;
	[tilespmem:$0x12200] =	vst v63  }
0x138: {  	_ =	swait.ge [sflag:s0], $0x80  }
0x139: {  	[sflag:s0] =	ssyncset.done $0x0  }
0x13a: {  	[sflag:s0] =	ssyncadd.s32 $0xFFFFFF80  }
0x13b: {  	_ =	swait.ge [sflag:s0], $0x80  }
0x13c: {  	[sflag:s0] =	ssyncset.done $0x0  }
0x13d: {  	[sflag:s0] =	ssyncadd.s32 $0xFFFFFF80  }
0x13e: {  	_ =	swait.ge [sflag:s0], $0x80  }
0x13f: {  	s1 =	simm.s32 $0x5F;
	[sflag:s0] =	ssyncset.done $0x0  }
.LBB2_8:
0x140: {  	p0 =	sne.s32 s1, $0x1;
	s1 =	sadd.s32 $0xFFFFFFFF, s1;
	[sflag:s0] =	ssyncadd.s32 $0xFFFFFF80  }
0x141: {  	_ =	swait.ge [sflag:s0], $0x80  }
0x142: {  	[sflag:s0] =	ssyncset.done $0x0  }
0x143: {  	[sflag:s0] =	ssyncadd.s32 $0xFFFFFF80  }
.Ltmp3:
0x144: {  	_ =	swait.ge [sflag:s0], $0x80;
	(pc) =	sbr.rel @p0 .LBB2_8-.Ltmp3, $4  }
0x145: {  	[sflag:s0] =	ssyncset.done $0x0  }
0x146: {  	[sflag:s0] =	ssyncadd.s32 $0xFFFFFF80  }
0x147: {  	_ =	swait.ge [sflag:s0], $0x80  }
0x148: {  	[sflag:s0] =	ssyncset.done $0x0  }
0x149: {  	[sflag:s0] =	ssyncadd.s32 $0xFFFFFF80  }
0x14a: {  	[tilespmem:s25], [sflag:$0x1] =	stream.indirect.gather [hbm4b:s3+s24], $0x60, s24, s24, $0xb8;
	[tilespmem:$0x12200] =	vst v63  }
0x14b: {  	_ = 	snop  }
0x14c: {  	[tilespmem:s26], [sflag:$0x2] =	stream.indirect.gather [hbm4b:s4+s24], $0x60, s24, s24, $0xb8;
	[tilespmem:$0x12200] =	vst v63  }
0x14d: {  	s1 =	rddreg [dreg:$0x8]  }
0x14e: {  	[tilespmem:s28], [sflag:$0x3] =	stream.linear.gather [hbm4b:s1+s2], $0x3000, $0x38;
	[tilespmem:$0x12200] =	vst v63  }
0x14f: {  	_ =	swait.ge [sflag:s29], $0x3000  }
0x150: {  	[sflag:s29] =	ssyncset.done $0x0  }
0x151: {  	[sflag:s29] =	ssyncadd.s32 $0xFFFFD000  }
0x152: {  	_ =	swait.ge [sflag:s30], $0x3000  }
0x153: {  	[sflag:s30] =	ssyncset.done $0x0  }
0x154: {  	[sflag:s30] =	ssyncadd.s32 $0xFFFFD000  }
0x155: {  	_ =	swait.ge [sflag:s31], $0x3000  }
0x156: {  	[sflag:s31] =	ssyncset.done $0x0  }
0x157: {  	s7 =	simm.s32 $0x50;
	[sflag:s31] =	ssyncadd.s32 $0xFFFFD000  }
0x158: {  	v8 =	vld [tilespmem:s7+$0x31B0];
	_ =	sdelay $0x2  }
0x159: {  	v9 =	vld [tilespmem:s7+$0x31C0]  }
0x15a: {  	v10 =	vld [tilespmem:s7+$0x31D0]  }
0x15b: {  	v12 =	vld [tilespmem:s7+$0x31E0];
	v8 =	vmul.f32 $5.000000000e-01, v8  }
0x15c: {  	v13 =	vld [tilespmem:s7+$0x31F0]  }
0x15d: {  	v15 =	vld [tilespmem:s7+$0x3200];
	v16 =	vmul.f32 $1.442695020e+00, v8  }
0x15e: {  	v20 =	vld [tilespmem:s7+$0x1B0]  }
0x15f: {  	v21 =	vld [tilespmem:s7+$0x1C0];
	(erf) = vpow2.f32 v16  }
0x160: {  	s1 =	simm.s32 $0xB0;
	v11 =	vld [tilespmem:s7+$0x1D0];
	v9 =	vmul.f32 $5.000000000e-01, v9;
	v14 =	vmul.f32 $5.000000000e-01, v10  }
0x161: {  	v19 =	vld [tilespmem:s1+$0x31B0];
	v12 =	vmul.f32 $5.000000000e-01, v12;
	v13 =	vmul.f32 $5.000000000e-01, v13  }
0x162: {  	v23 =	vld [tilespmem:s1+$0x31C0];
	v15 =	vmul.f32 $5.000000000e-01, v15;
	v17 =	vmul.f32 $1.442695020e+00, v9  }
0x163: {  	v22 =	vld [tilespmem:s7+$0x61C0];
	v14 =	vmul.f32 $1.442695020e+00, v14;
	v12 =	vmul.f32 $1.442695020e+00, v12  }
0x164: {  	v25 =	vld [tilespmem:s7+$0x61D0];
	v16 =	vmul.f32 $1.442695020e+00, v13;
	(erf) = vpow2.f32 v17  }
0x165: {  	v26 =	vld [tilespmem:s7+$0x61E0];
	(erf) = vpow2.f32 v14  }
0x166: {  	v18 =	vld [tilespmem:s7+$0x61F0];
	v15 =	vmul.f32 $1.442695020e+00, v15;
	(erf) = vpow2.f32 v12  }
0x167: {  	v10 =	vld [tilespmem:s7+$0x1E0];
	(erf) = vpow2.f32 v16  }
0x168: {  	v12 =	vld [tilespmem:s7+$0x61B0];
	v16 =	vpop (erf);
	(erf) = vpow2.f32 v15  }
0x169: {  	v8 =	vld [tilespmem:s7+$0x1F0]  }
0x16a: {  	v9 =	vld [tilespmem:s7+$0x200]  }
0x16b: {  	v13 =	vld [tilespmem:s1+$0x31E0]  }
0x16c: {  	v14 =	vld [tilespmem:s1+$0x31D0]  }
0x16d: {  	v17 =	vld [tilespmem:s7+$0x6200];
	v12 =	vmul.f32 v16, v12;
	v24 =	vpop (erf)  }
0x16e: {  	v16 =	vld [tilespmem:s1+$0x31F0];
	v27 =	vmul.f32 v24, v22;
	v22 =	vpop (erf)  }
0x16f: {  	v19 =	vmul.f32 $5.000000000e-01, v19;
	v15 =	vld [tilespmem:s1+$0x3200];
	v24 =	vadd.f32 v12, v20;
	v22 =	vmul.f32 v22, v25;
	v25 =	vpop (erf)  }
0x170: {  	s8 =	simm.s32 $0x440;
	v12 =	vld [tilespmem:s1+$0x1B0];
	v20 =	vmul.f32 $5.000000000e-01, v23;
	v23 =	vadd.f32 v27, v21;
	v21 =	vmul.f32 v25, v26;
	v25 =	vpop (erf)  }
.LBB2_10:
0x171: {  	p0 =	sne.s32 s8, $0xBFC0;
	v26 =	vld [tilespmem:s1+$0x1C0];
	v14 =	vmul.f32 $5.000000000e-01, v14;
	[tilespmem:s7+$0x61B0] =	vst v24;
	v22 =	vadd.f32 v22, v11;
	v18 =	vmul.f32 v25, v18;
	v24 =	vpop (erf)  }
0x172: {  	v13 =	vmul.f32 $5.000000000e-01, v13;
	v11 =	vld [tilespmem:s1+$0x1D0];
	[tilespmem:s7+$0x61C0] =	vst v23;
	v21 =	vadd.f32 v21, v10;
	v17 =	vmul.f32 v24, v17  }
0x173: {  	v19 =	vmul.f32 $1.442695020e+00, v19;
	v10 =	vld [tilespmem:s1+$0x1E0];
	v16 =	vmul.f32 $5.000000000e-01, v16;
	[tilespmem:s7+$0x61D0] =	vst v22;
	v18 =	vadd.f32 v18, v8  }
0x174: {  	v20 =	vmul.f32 $1.442695020e+00, v20;
	v8 =	vld [tilespmem:s1+$0x1F0];
	v15 =	vmul.f32 $5.000000000e-01, v15;
	[tilespmem:s7+$0x61E0] =	vst v21;
	v17 =	vadd.f32 v17, v9  }
0x175: {  	s5 =	sshra.s32 s8, $0x2;
	v14 =	vmul.f32 $1.442695020e+00, v14;
	v9 =	vld [tilespmem:s1+$0x200];
	(erf) = vpow2.f32 v19;
	[tilespmem:s7+$0x61F0] =	vst v18  }
0x176: {  	v13 =	vmul.f32 $1.442695020e+00, v13;
	v19 =	vld [tilespmem:s5+$0x31B0];
	(erf) = vpow2.f32 v20;
	[tilespmem:s7+$0x6200] =	vst v17;
	s7 =	smov.u32 s1;
	s1 =	smov.u32 s5  }
0x177: {  	v16 =	vmul.f32 $1.442695020e+00, v16;
	v20 =	vld [tilespmem:s1+$0x31C0];
	(erf) = vpow2.f32 v14  }
0x178: {  	v15 =	vmul.f32 $1.442695020e+00, v15;
	v14 =	vld [tilespmem:s1+$0x31D0];
	(erf) = vpow2.f32 v13  }
0x179: {  	v13 =	vld [tilespmem:s1+$0x31E0];
	(erf) = vpow2.f32 v16  }
0x17a: {  	v16 =	vld [tilespmem:s7+$0x61B0];
	(erf) = vpow2.f32 v15  }
0x17b: {  	v15 =	vld [tilespmem:s7+$0x61C0]  }
0x17c: {  	v21 =	vld [tilespmem:s7+$0x61D0]  }
0x17d: {  	v25 =	vld [tilespmem:s7+$0x61E0]  }
.Ltmp4:
0x17e: {  	v18 =	vld [tilespmem:s7+$0x61F0];
	v17 =	vpop (erf);
	(pc) =	sbr.rel @p0 .LBB2_10-.Ltmp4, $4  }
0x17f: {  	v22 =	vmul.f32 v17, v16;
	v17 =	vld [tilespmem:s7+$0x6200];
	v23 =	vpop (erf)  }
0x180: {  	v16 =	vld [tilespmem:s1+$0x31F0];
	v23 =	vmul.f32 v23, v15;
	v27 =	vpop (erf)  }
0x181: {  	v19 =	vmul.f32 $5.000000000e-01, v19;
	v15 =	vld [tilespmem:s1+$0x3200];
	v24 =	vadd.f32 v22, v12;
	v22 =	vmul.f32 v27, v21;
	v21 =	vpop (erf)  }
0x182: {  	s8 =	sadd.s32 $0x180, s8;
	v20 =	vmul.f32 $5.000000000e-01, v20;
	v12 =	vld [tilespmem:s1+$0x1B0];
	v23 =	vadd.f32 v23, v26;
	v21 =	vmul.f32 v21, v25;
	v25 =	vpop (erf)  }
0x183: {  	v14 =	vmul.f32 $5.000000000e-01, v14;
	v18 =	vmul.f32 v25, v18  }
0x184: {  	v26 =	vld [tilespmem:s1+$0x1C0];
	[tilespmem:s7+$0x61B0] =	vst v24;
	v46 =	vpop (erf);
	v11 =	vadd.f32 v22, v11;
	v13 =	vmul.f32 $5.000000000e-01, v13;
	v19 =	vmul.f32 $1.442695020e+00, v19  }
0x185: {  	v47 =	vld [tilespmem:s1+$0x1D0];
	[tilespmem:s7+$0x61C0] =	vst v23;
	v17 =	vmul.f32 v46, v17;
	v16 =	vmul.f32 $5.000000000e-01, v16  }
0x186: {  	v10 =	vadd.f32 v21, v10;
	v48 =	vld [tilespmem:s1+$0x1E0];
	[tilespmem:s7+$0x61D0] =	vst v11;
	v11 =	vmul.f32 $1.442695020e+00, v20;
	v14 =	vmul.f32 $1.442695020e+00, v14  }
0x187: {  	(erf) = vpow2.f32 v19;
	v15 =	vmul.f32 $5.000000000e-01, v15  }
0x188: {  	v8 =	vadd.f32 v18, v8;
	v49 =	vld [tilespmem:s1+$0x1F0];
	[tilespmem:s7+$0x61E0] =	vst v10;
	v10 =	vmul.f32 $1.442695020e+00, v13;
	(erf) = vpow2.f32 v11  }
0x189: {  	v9 =	vadd.f32 v17, v9;
	v50 =	vmul.f32 $1.442695020e+00, v16;
	(erf) = vpow2.f32 v14  }
0x18a: {  	v11 =	vld [tilespmem:s1+$0x200];
	[tilespmem:s7+$0x61F0] =	vst v8;
	v8 =	vmul.f32 $1.442695020e+00, v15;
	(erf) = vpow2.f32 v10  }
0x18b: {  	[tilespmem:s7+$0x6200] =	vst v9;
	(erf) = vpow2.f32 v50  }
0x18c: {  	v9 =	vld [tilespmem:s1+$0x61B0];
	(erf) = vpow2.f32 v8  }
0x18d: {  	v8 =	vld [tilespmem:s1+$0x61C0]  }
0x18e: {  	v10 =	vld [tilespmem:s1+$0x61D0]  }
0x18f: {  	v51 =	vld [tilespmem:s1+$0x61E0]  }
0x190: {  	v52 =	vld [tilespmem:s1+$0x61F0];
	v53 =	vpop (erf)  }
0x191: {  	v54 =	vld [tilespmem:s1+$0x6200];
	v9 =	vmul.f32 v53, v9;
	v55 =	vpop (erf)  }
0x192: {  	v8 =	vmul.f32 v55, v8;
	v56 =	vpop (erf)  }
0x193: {  	s5 =	simm.s32 $0x0;
	v9 =	vadd.f32 v9, v12;
	v10 =	vmul.f32 v56, v10;
	v57 =	vpop (erf)  }
0x194: {  	v59 =	vmov s5;
	v8 =	vadd.f32 v8, v26;
	v12 =	vmul.f32 v57, v51;
	v58 =	vpop (erf)  }
0x195: {  	v61 =	vand.u32 $0x7F, v59;
	[tilespmem:s1+$0x61B0] =	vst v9;
	v9 =	vadd.f32 v10, v47;
	v10 =	vmul.f32 v58, v52;
	v60 =	vpop (erf)  }
0x196: {  	v63 =	vadd.s32 v0, v61;
	[tilespmem:s1+$0x61C0] =	vst v8;
	v8 =	vadd.f32 v12, v48;
	v62 =	vmul.f32 v60, v54  }
0x197: {  	[tilespmem:s1+$0x61D0] =	vst v9;
	v9 =	vadd.f32 v10, v49  }
0x198: {  	[tilespmem:s1+$0x61E0] =	vst v8;
	v8 =	vadd.f32 v62, v11  }
0x199: {  	[tilespmem:s1+$0x61F0] =	vst v9  }
0x19a: {  	[tilespmem:s1+$0x6200] =	vst v8  }
0x19b: {  	v8 =	vld.idx.msk [tilespmem:v63+s28+$0x0], $0xffff;
	_ =	sdelay $0x3  }
0x19c: {  	s9 =	simm.s32 $0x9240  }
0x19d: {  	[tilespmem:s9+$0xFFFFFFC0] =	vst v8  }
0x19e: {  	v8 =	vld.idx.msk [tilespmem:v63+s25+$0x0], $0xffff;
	_ =	sdelay $0x3  }
0x19f: {  	s8 =	simm.s32 $0xC240  }
0x1a0: {  	[tilespmem:s8+$0xFFFFFFC0] =	vst v8  }
0x1a1: {  	v8 =	vld.idx.msk [tilespmem:v63+s26+$0x0], $0xffff  }
0x1a2: {  	v9 =	vadd.s32 v1, v61;
	_ =	sdelay $0x2  }
0x1a3: {  	s7 =	simm.s32 $0xF240  }
0x1a4: {  	[tilespmem:s7+$0xFFFFFFC0] =	vst v8  }
0x1a5: {  	v8 =	vld.idx.msk [tilespmem:v9+s28+$0x0], $0xffff;
	_ =	sdelay $0x4  }
0x1a6: {  	[tilespmem:s9+$0xFFFFFFD0] =	vst v8  }
0x1a7: {  	v8 =	vld.idx.msk [tilespmem:v9+s25+$0x0], $0xffff;
	_ =	sdelay $0x4  }
0x1a8: {  	[tilespmem:s8+$0xFFFFFFD0] =	vst v8  }
0x1a9: {  	v8 =	vld.idx.msk [tilespmem:v9+s26+$0x0], $0xffff  }
0x1aa: {  	v9 =	vadd.s32 v2, v61;
	_ =	sdelay $0x3  }
0x1ab: {  	[tilespmem:s7+$0xFFFFFFD0] =	vst v8  }
0x1ac: {  	v8 =	vld.idx.msk [tilespmem:v9+s28+$0x0], $0xffff;
	_ =	sdelay $0x4  }
0x1ad: {  	[tilespmem:s9+$0xFFFFFFE0] =	vst v8  }
0x1ae: {  	v8 =	vld.idx.msk [tilespmem:v9+s25+$0x0], $0xffff;
	_ =	sdelay $0x4  }
0x1af: {  	[tilespmem:s8+$0xFFFFFFE0] =	vst v8  }
0x1b0: {  	v8 =	vld.idx.msk [tilespmem:v9+s26+$0x0], $0xffff  }
0x1b1: {  	v9 =	vadd.s32 v3, v61;
	_ =	sdelay $0x3  }
0x1b2: {  	[tilespmem:s7+$0xFFFFFFE0] =	vst v8  }
0x1b3: {  	v8 =	vld.idx.msk [tilespmem:v9+s28+$0x0], $0xffff;
	_ =	sdelay $0x4  }
0x1b4: {  	[tilespmem:s9+$0xFFFFFFF0] =	vst v8  }
0x1b5: {  	v8 =	vld.idx.msk [tilespmem:v9+s25+$0x0], $0xffff;
	_ =	sdelay $0x4  }
0x1b6: {  	[tilespmem:s8+$0xFFFFFFF0] =	vst v8  }
0x1b7: {  	v8 =	vld.idx.msk [tilespmem:v9+s26+$0x0], $0xffff  }
0x1b8: {  	v9 =	vadd.s32 v4, v61;
	_ =	sdelay $0x3  }
0x1b9: {  	[tilespmem:s7+$0xFFFFFFF0] =	vst v8  }
0x1ba: {  	v8 =	vld.idx.msk [tilespmem:v9+s28+$0x0], $0xffff;
	_ =	sdelay $0x4  }
0x1bb: {  	[tilespmem:s9+$0x0] =	vst v8  }
0x1bc: {  	v8 =	vld.idx.msk [tilespmem:v9+s25+$0x0], $0xffff;
	_ =	sdelay $0x4  }
0x1bd: {  	[tilespmem:s8+$0x0] =	vst v8  }
0x1be: {  	v8 =	vld.idx.msk [tilespmem:v9+s26+$0x0], $0xffff  }
0x1bf: {  	v9 =	vadd.s32 v5, v61;
	_ =	sdelay $0x3  }
0x1c0: {  	[tilespmem:s7+$0x0] =	vst v8  }
0x1c1: {  	v8 =	vld.idx.msk [tilespmem:v9+s28+$0x0], $0xffff;
	_ =	sdelay $0x4  }
0x1c2: {  	[tilespmem:s9+$0x10] =	vst v8  }
0x1c3: {  	v8 =	vld.idx.msk [tilespmem:v9+s25+$0x0], $0xffff;
	_ =	sdelay $0x4  }
0x1c4: {  	[tilespmem:s8+$0x10] =	vst v8  }
0x1c5: {  	v8 =	vld.idx.msk [tilespmem:v9+s26+$0x0], $0xffff  }
0x1c6: {  	v9 =	vadd.s32 v6, v61;
	_ =	sdelay $0x3  }
0x1c7: {  	[tilespmem:s7+$0x10] =	vst v8  }
0x1c8: {  	v8 =	vld.idx.msk [tilespmem:v9+s28+$0x0], $0xffff;
	_ =	sdelay $0x4  }
0x1c9: {  	[tilespmem:s9+$0x20] =	vst v8  }
0x1ca: {  	v8 =	vld.idx.msk [tilespmem:v9+s25+$0x0], $0xffff;
	_ =	sdelay $0x4  }
0x1cb: {  	[tilespmem:s8+$0x20] =	vst v8  }
0x1cc: {  	v8 =	vld.idx.msk [tilespmem:v9+s26+$0x0], $0xffff  }
0x1cd: {  	v9 =	vadd.s32 v7, v61;
	_ =	sdelay $0x3  }
0x1ce: {  	[tilespmem:s7+$0x20] =	vst v8  }
0x1cf: {  	v8 =	vld.idx.msk [tilespmem:v9+s28+$0x0], $0xffff;
	_ =	sdelay $0x4  }
0x1d0: {  	[tilespmem:s9+$0x30] =	vst v8  }
0x1d1: {  	v8 =	vld.idx.msk [tilespmem:v9+s25+$0x0], $0xffff;
	_ =	sdelay $0x3  }
0x1d2: {  	s10 =	simm.s32 $0x1  }
0x1d3: {  	v10 =	vmov s10;
	[tilespmem:s8+$0x30] =	vst v8  }
0x1d4: {  	v8 =	vand.u32 $0x7F, v10;
	v10 =	vld.idx.msk [tilespmem:v9+s26+$0x0], $0xffff  }
0x1d5: {  	v9 =	vadd.s32 v0, v8;
	_ =	sdelay $0x1  }
0x1d6: {  	s5 =	simm.s32 $0x2;
	s9 =	simm.s32 $0x92C0  }
.LBB2_12:
0x1d7: {  	s8 =	sadd.s32 $0x80, s8  }
0x1d8: {  	[tilespmem:s7+$0x30] =	vst v10;
	s7 =	sadd.s32 $0x80, s7;
	s1 =	smov.u32 s5;
	s10 =	sadd.s32 $0x1, s5  }
0x1d9: {  	p0 =	sne.s32 s5, $0x5F;
	v10 =	vld.idx.msk [tilespmem:v9+s28+$0x0], $0xffff;
	_ =	sdelay $0x5  }
0x1da: {  	[tilespmem:s9+$0xFFFFFFC0] =	vst v10  }
0x1db: {  	v10 =	vld.idx.msk [tilespmem:v9+s25+$0x0], $0xffff;
	_ =	sdelay $0x5  }
0x1dc: {  	[tilespmem:s8+$0xFFFFFFC0] =	vst v10  }
0x1dd: {  	v9 =	vld.idx.msk [tilespmem:v9+s26+$0x0], $0xffff;
	_ =	sdelay $0x1  }
0x1de: {  	v10 =	vadd.s32 v1, v8;
	_ =	sdelay $0x3  }
0x1df: {  	[tilespmem:s7+$0xFFFFFFC0] =	vst v9  }
0x1e0: {  	v9 =	vld.idx.msk [tilespmem:v10+s28+$0x0], $0xffff;
	_ =	sdelay $0x5  }
0x1e1: {  	[tilespmem:s9+$0xFFFFFFD0] =	vst v9  }
0x1e2: {  	v9 =	vld.idx.msk [tilespmem:v10+s25+$0x0], $0xffff;
	_ =	sdelay $0x5  }
0x1e3: {  	[tilespmem:s8+$0xFFFFFFD0] =	vst v9  }
0x1e4: {  	v9 =	vld.idx.msk [tilespmem:v10+s26+$0x0], $0xffff;
	_ =	sdelay $0x1  }
0x1e5: {  	v10 =	vadd.s32 v2, v8;
	_ =	sdelay $0x3  }
0x1e6: {  	[tilespmem:s7+$0xFFFFFFD0] =	vst v9  }
0x1e7: {  	v9 =	vld.idx.msk [tilespmem:v10+s28+$0x0], $0xffff;
	_ =	sdelay $0x5  }
0x1e8: {  	[tilespmem:s9+$0xFFFFFFE0] =	vst v9  }
0x1e9: {  	v9 =	vld.idx.msk [tilespmem:v10+s25+$0x0], $0xffff;
	_ =	sdelay $0x5  }
0x1ea: {  	[tilespmem:s8+$0xFFFFFFE0] =	vst v9  }
0x1eb: {  	v9 =	vld.idx.msk [tilespmem:v10+s26+$0x0], $0xffff;
	_ =	sdelay $0x1  }
0x1ec: {  	v10 =	vadd.s32 v3, v8;
	_ =	sdelay $0x3  }
0x1ed: {  	[tilespmem:s7+$0xFFFFFFE0] =	vst v9  }
0x1ee: {  	v9 =	vld.idx.msk [tilespmem:v10+s28+$0x0], $0xffff;
	_ =	sdelay $0x5  }
0x1ef: {  	[tilespmem:s9+$0xFFFFFFF0] =	vst v9  }
0x1f0: {  	v9 =	vld.idx.msk [tilespmem:v10+s25+$0x0], $0xffff;
	_ =	sdelay $0x5  }
0x1f1: {  	[tilespmem:s8+$0xFFFFFFF0] =	vst v9  }
0x1f2: {  	v9 =	vld.idx.msk [tilespmem:v10+s26+$0x0], $0xffff;
	_ =	sdelay $0x1  }
0x1f3: {  	v10 =	vadd.s32 v4, v8;
	_ =	sdelay $0x3  }
0x1f4: {  	[tilespmem:s7+$0xFFFFFFF0] =	vst v9  }
0x1f5: {  	v9 =	vld.idx.msk [tilespmem:v10+s28+$0x0], $0xffff;
	_ =	sdelay $0x5  }
0x1f6: {  	[tilespmem:s9+$0x0] =	vst v9  }
0x1f7: {  	v9 =	vld.idx.msk [tilespmem:v10+s25+$0x0], $0xffff;
	_ =	sdelay $0x5  }
0x1f8: {  	[tilespmem:s8+$0x0] =	vst v9  }
0x1f9: {  	v9 =	vld.idx.msk [tilespmem:v10+s26+$0x0], $0xffff;
	_ =	sdelay $0x1  }
0x1fa: {  	v10 =	vadd.s32 v5, v8;
	_ =	sdelay $0x3  }
0x1fb: {  	[tilespmem:s7+$0x0] =	vst v9  }
0x1fc: {  	v9 =	vld.idx.msk [tilespmem:v10+s28+$0x0], $0xffff;
	_ =	sdelay $0x5  }
0x1fd: {  	[tilespmem:s9+$0x10] =	vst v9  }
0x1fe: {  	v9 =	vld.idx.msk [tilespmem:v10+s25+$0x0], $0xffff;
	_ =	sdelay $0x5  }
0x1ff: {  	[tilespmem:s8+$0x10] =	vst v9  }
0x200: {  	v9 =	vld.idx.msk [tilespmem:v10+s26+$0x0], $0xffff;
	_ =	sdelay $0x1  }
0x201: {  	v10 =	vadd.s32 v6, v8;
	_ =	sdelay $0x3  }
0x202: {  	[tilespmem:s7+$0x10] =	vst v9  }
0x203: {  	v9 =	vld.idx.msk [tilespmem:v10+s28+$0x0], $0xffff;
	_ =	sdelay $0x5  }
0x204: {  	[tilespmem:s9+$0x20] =	vst v9  }
0x205: {  	v9 =	vld.idx.msk [tilespmem:v10+s25+$0x0], $0xffff;
	_ =	sdelay $0x5  }
0x206: {  	[tilespmem:s8+$0x20] =	vst v9  }
0x207: {  	v9 =	vld.idx.msk [tilespmem:v10+s26+$0x0], $0xffff;
	_ =	sdelay $0x1  }
0x208: {  	v8 =	vadd.s32 v7, v8;
	_ =	sdelay $0x3  }
0x209: {  	[tilespmem:s7+$0x20] =	vst v9  }
0x20a: {  	v9 =	vld.idx.msk [tilespmem:v8+s28+$0x0], $0xffff;
	_ =	sdelay $0x5  }
0x20b: {  	[tilespmem:s9+$0x30] =	vst v9  }
0x20c: {  	v9 =	vld.idx.msk [tilespmem:v8+s25+$0x0], $0xffff;
	_ =	sdelay $0x5  }
0x20d: {  	[tilespmem:s8+$0x30] =	vst v9  }
0x20e: {  	v9 =	vmov s1;
	v10 =	vld.idx.msk [tilespmem:v8+s26+$0x0], $0xffff  }
.Ltmp5:
0x20f: {  	v8 =	vand.u32 $0x7F, v9;
	(pc) =	sbr.rel @p0 .LBB2_12-.Ltmp5, $2  }
0x210: {  	v9 =	vadd.s32 v0, v8;
	_ =	sdelay $0x2  }
0x211: {  	s5 =	smov.u32 s10;
	s9 =	sadd.s32 $0x80, s9  }
0x212: {  	_ =	sdelay $0x2  }
0x213: {  	[tilespmem:s7+$0x30] =	vst v10  }
0x214: {  	v10 =	vld.idx.msk [tilespmem:v9+s28+$0x0], $0xffff;
	_ =	sdelay $0x4  }
0x215: {  	[tilespmem:s9+$0xFFFFFFC0] =	vst v10  }
0x216: {  	v10 =	vld.idx.msk [tilespmem:v9+s25+$0x0], $0xffff;
	_ =	sdelay $0x3  }
0x217: {  	s1 =	sadd.s32 $0x80, s8  }
0x218: {  	[tilespmem:s1+$0xFFFFFFC0] =	vst v10  }
0x219: {  	v57 =	vld.idx.msk [tilespmem:v9+s26+$0x0], $0xffff  }
0x21a: {  	v58 =	vadd.s32 v1, v8;
	_ =	sdelay $0x2  }
0x21b: {  	s5 =	sadd.s32 $0x80, s7  }
0x21c: {  	[tilespmem:s5+$0xFFFFFFC0] =	vst v57  }
0x21d: {  	v9 =	vld.idx.msk [tilespmem:v58+s28+$0x0], $0xffff;
	_ =	sdelay $0x4  }
0x21e: {  	[tilespmem:s9+$0xFFFFFFD0] =	vst v9  }
0x21f: {  	v9 =	vld.idx.msk [tilespmem:v58+s25+$0x0], $0xffff;
	_ =	sdelay $0x4  }
0x220: {  	[tilespmem:s1+$0xFFFFFFD0] =	vst v9  }
0x221: {  	v9 =	vld.idx.msk [tilespmem:v58+s26+$0x0], $0xffff  }
0x222: {  	v59 =	vadd.s32 v2, v8;
	_ =	sdelay $0x3  }
0x223: {  	[tilespmem:s5+$0xFFFFFFD0] =	vst v9  }
0x224: {  	v9 =	vld.idx.msk [tilespmem:v59+s28+$0x0], $0xffff;
	_ =	sdelay $0x4  }
0x225: {  	[tilespmem:s9+$0xFFFFFFE0] =	vst v9  }
0x226: {  	v9 =	vld.idx.msk [tilespmem:v59+s25+$0x0], $0xffff;
	_ =	sdelay $0x4  }
0x227: {  	[tilespmem:s1+$0xFFFFFFE0] =	vst v9  }
0x228: {  	v9 =	vld.idx.msk [tilespmem:v59+s26+$0x0], $0xffff  }
0x229: {  	v60 =	vadd.s32 v3, v8;
	_ =	sdelay $0x3  }
0x22a: {  	[tilespmem:s5+$0xFFFFFFE0] =	vst v9  }
0x22b: {  	v9 =	vld.idx.msk [tilespmem:v60+s28+$0x0], $0xffff;
	_ =	sdelay $0x4  }
0x22c: {  	[tilespmem:s9+$0xFFFFFFF0] =	vst v9  }
0x22d: {  	v9 =	vld.idx.msk [tilespmem:v60+s25+$0x0], $0xffff;
	_ =	sdelay $0x4  }
0x22e: {  	[tilespmem:s1+$0xFFFFFFF0] =	vst v9  }
0x22f: {  	v9 =	vld.idx.msk [tilespmem:v60+s26+$0x0], $0xffff  }
0x230: {  	v61 =	vadd.s32 v4, v8;
	_ =	sdelay $0x3  }
0x231: {  	[tilespmem:s5+$0xFFFFFFF0] =	vst v9  }
0x232: {  	v9 =	vld.idx.msk [tilespmem:v61+s28+$0x0], $0xffff;
	_ =	sdelay $0x4  }
0x233: {  	[tilespmem:s9+$0x0] =	vst v9  }
0x234: {  	v9 =	vld.idx.msk [tilespmem:v61+s25+$0x0], $0xffff;
	_ =	sdelay $0x4  }
0x235: {  	[tilespmem:s1+$0x0] =	vst v9  }
0x236: {  	v9 =	vld.idx.msk [tilespmem:v61+s26+$0x0], $0xffff  }
0x237: {  	v62 =	vadd.s32 v5, v8;
	_ =	sdelay $0x3  }
0x238: {  	[tilespmem:s5+$0x0] =	vst v9  }
0x239: {  	v9 =	vld.idx.msk [tilespmem:v62+s28+$0x0], $0xffff;
	_ =	sdelay $0x4  }
0x23a: {  	[tilespmem:s9+$0x10] =	vst v9  }
0x23b: {  	v9 =	vld.idx.msk [tilespmem:v62+s25+$0x0], $0xffff;
	_ =	sdelay $0x4  }
0x23c: {  	[tilespmem:s1+$0x10] =	vst v9  }
0x23d: {  	v9 =	vld.idx.msk [tilespmem:v62+s26+$0x0], $0xffff  }
0x23e: {  	v63 =	vadd.s32 v6, v8;
	_ =	sdelay $0x3  }
0x23f: {  	[tilespmem:s5+$0x10] =	vst v9  }
0x240: {  	v9 =	vld.idx.msk [tilespmem:v63+s28+$0x0], $0xffff;
	_ =	sdelay $0x4  }
0x241: {  	[tilespmem:s9+$0x20] =	vst v9  }
0x242: {  	v9 =	vld.idx.msk [tilespmem:v63+s25+$0x0], $0xffff;
	_ =	sdelay $0x4  }
0x243: {  	[tilespmem:s1+$0x20] =	vst v9  }
0x244: {  	v9 =	vld.idx.msk [tilespmem:v63+s26+$0x0], $0xffff  }
0x245: {  	v8 =	vadd.s32 v7, v8;
	_ =	sdelay $0x3  }
0x246: {  	[tilespmem:s5+$0x20] =	vst v9  }
0x247: {  	v9 =	vld.idx.msk [tilespmem:v8+s28+$0x0], $0xffff;
	_ =	sdelay $0x4  }
0x248: {  	[tilespmem:s9+$0x30] =	vst v9  }
0x249: {  	v9 =	vld.idx.msk [tilespmem:v8+s25+$0x0], $0xffff;
	_ =	sdelay $0x4  }
0x24a: {  	[tilespmem:s1+$0x30] =	vst v9  }
0x24b: {  	v8 =	vld.idx.msk [tilespmem:v8+s26+$0x0], $0xffff;
	_ =	sdelay $0x4  }
0x24c: {  	s8 =	simm.s32 $0x9200;
	[tilespmem:s5+$0x30] =	vst v8  }
0x24d: {  	[hbm4b:s16+s2] =	stream.linear.scatter [tilespmem:s8], [sflag:$0x4], $0x80, $0x38;
	[tilespmem:$0x12200] =	vst v63  }
0x24e: {  	s9 =	simm.s32 $0xC200  }
0x24f: {  	[hbm4b:s15+s2] =	stream.linear.scatter [tilespmem:s9], [sflag:$0x4], $0x80, $0x38;
	[tilespmem:$0x12200] =	vst v63  }
0x250: {  	s10 =	simm.s32 $0xF200;
	s7 =	simm.s32 $0x80;
	s1 =	smov.u32 s14  }
0x251: {  	[hbm4b:s14+s2] =	stream.linear.scatter [tilespmem:s10], [sflag:$0x4], $0x80, $0x38;
	[tilespmem:$0x12200] =	vst v63  }
0x252: {  	s8 =	smov.u32 s15;
	s9 =	smov.u32 s16;
	s10 =	simm.s32 $0x400  }
.LBB2_14:
0x253: {  	p0 =	sne.s32 s10, $0xBE00;
	s5 =	sadd.s32 $0x9200, s7;
	s9 =	sadd.s32 $0x800, s9  }
0x254: {  	[hbm4b:s9+s2] =	stream.linear.scatter [tilespmem:s5], [sflag:$0x4], $0x80, $0x38;
	[tilespmem:$0x12200] =	vst v63  }
.Ltmp6:
0x255: {  	s8 =	sadd.s32 $0x800, s8;
	s5 =	sadd.s32 $0xC200, s7;
	(pc) =	sbr.rel @p0 .LBB2_14-.Ltmp6, $4  }
0x256: {  	[hbm4b:s8+s2] =	stream.linear.scatter [tilespmem:s5], [sflag:$0x4], $0x80, $0x38;
	[tilespmem:$0x12200] =	vst v63  }
0x257: {  	s1 =	sadd.s32 $0x800, s1;
	s5 =	sadd.s32 $0xF200, s7  }
0x258: {  	[hbm4b:s1+s2] =	stream.linear.scatter [tilespmem:s5], [sflag:$0x4], $0x80, $0x38;
	[tilespmem:$0x12200] =	vst v63  }
0x259: {  	s7 =	sshra.s32 s10, $0x2;
	s10 =	sadd.s32 $0x200, s10  }
0x25a: {  	s5 =	sadd.s32 $0x9200, s7;
	s9 =	sadd.s32 $0x800, s9  }
0x25b: {  	[hbm4b:s9+s2] =	stream.linear.scatter [tilespmem:s5], [sflag:$0x4], $0x80, $0x38;
	[tilespmem:$0x12200] =	vst v63  }
0x25c: {  	s8 =	sadd.s32 $0x800, s8;
	s9 =	sadd.s32 $0xC200, s7  }
0x25d: {  	[hbm4b:s8+s2] =	stream.linear.scatter [tilespmem:s9], [sflag:$0x4], $0x80, $0x38;
	[tilespmem:$0x12200] =	vst v63  }
0x25e: {  	s10 =	sadd.s32 $0xF200, s7;
	s1 =	sadd.s32 $0x800, s1  }
0x25f: {  	[hbm4b:s1+s2] =	stream.linear.scatter [tilespmem:s10], [sflag:$0x4], $0x80, $0x38;
	[tilespmem:$0x12200] =	vst v63  }
0x260: {  	_ =	swait.ge [sflag:s0], $0x80  }
0x261: {  	[sflag:s0] =	ssyncset.done $0x0  }
0x262: {  	[sflag:s0] =	ssyncadd.s32 $0xFFFFFF80  }
0x263: {  	_ =	swait.ge [sflag:s0], $0x80  }
0x264: {  	[sflag:s0] =	ssyncset.done $0x0  }
0x265: {  	[sflag:s0] =	ssyncadd.s32 $0xFFFFFF80  }
0x266: {  	_ =	swait.ge [sflag:s0], $0x80  }
0x267: {  	s1 =	simm.s32 $0x5F;
	[sflag:s0] =	ssyncset.done $0x0  }
.LBB2_16:
0x268: {  	p0 =	sne.s32 s1, $0x1;
	s1 =	sadd.s32 $0xFFFFFFFF, s1;
	[sflag:s0] =	ssyncadd.s32 $0xFFFFFF80  }
0x269: {  	_ =	swait.ge [sflag:s0], $0x80  }
0x26a: {  	[sflag:s0] =	ssyncset.done $0x0  }
0x26b: {  	[sflag:s0] =	ssyncadd.s32 $0xFFFFFF80  }
.Ltmp7:
0x26c: {  	_ =	swait.ge [sflag:s0], $0x80;
	(pc) =	sbr.rel @p0 .LBB2_16-.Ltmp7, $4  }
0x26d: {  	[sflag:s0] =	ssyncset.done $0x0  }
0x26e: {  	[sflag:s0] =	ssyncadd.s32 $0xFFFFFF80  }
0x26f: {  	_ =	swait.ge [sflag:s0], $0x80  }
0x270: {  	[sflag:s0] =	ssyncset.done $0x0  }
0x271: {  	[sflag:s0] =	ssyncadd.s32 $0xFFFFFF80;
	s1 =	simm.s32 $0x100  }
0x272: {  	[tilespmem:s25], [sflag:$0x1] =	stream.indirect.gather [hbm4b:s3+s24], $0x60, s1, s24, $0xb8;
	[tilespmem:$0x12200] =	vst v63  }
0x273: {  	_ = 	snop  }
0x274: {  	[tilespmem:s26], [sflag:$0x2] =	stream.indirect.gather [hbm4b:s4+s24], $0x60, s1, s24, $0xb8;
	[tilespmem:$0x12200] =	vst v63  }
0x275: {  	s10 =	rddreg [dreg:$0x9]  }
0x276: {  	[tilespmem:s28], [sflag:$0x3] =	stream.linear.gather [hbm4b:s10+s2], $0x3000, $0x38;
	[tilespmem:$0x12200] =	vst v63  }
0x277: {  	_ =	swait.ge [sflag:s29], $0x3000  }
0x278: {  	[sflag:s29] =	ssyncset.done $0x0  }
0x279: {  	[sflag:s29] =	ssyncadd.s32 $0xFFFFD000  }
0x27a: {  	_ =	swait.ge [sflag:s30], $0x3000  }
0x27b: {  	[sflag:s30] =	ssyncset.done $0x0  }
0x27c: {  	[sflag:s30] =	ssyncadd.s32 $0xFFFFD000  }
0x27d: {  	_ =	swait.ge [sflag:s31], $0x3000  }
0x27e: {  	[sflag:s31] =	ssyncset.done $0x0  }
0x27f: {  	s7 =	simm.s32 $0x50;
	[sflag:s31] =	ssyncadd.s32 $0xFFFFD000  }
0x280: {  	v8 =	vld [tilespmem:s7+$0x31B0];
	_ =	sdelay $0x2  }
0x281: {  	v9 =	vld [tilespmem:s7+$0x31C0]  }
0x282: {  	v10 =	vld [tilespmem:s7+$0x31D0]  }
0x283: {  	v12 =	vld [tilespmem:s7+$0x31E0];
	v8 =	vmul.f32 $5.000000000e-01, v8  }
0x284: {  	v13 =	vld [tilespmem:s7+$0x31F0]  }
0x285: {  	v15 =	vld [tilespmem:s7+$0x3200];
	v16 =	vmul.f32 $1.442695020e+00, v8  }
0x286: {  	v20 =	vld [tilespmem:s7+$0x1B0]  }
0x287: {  	v21 =	vld [tilespmem:s7+$0x1C0];
	(erf) = vpow2.f32 v16  }
0x288: {  	s1 =	simm.s32 $0xB0;
	v11 =	vld [tilespmem:s7+$0x1D0];
	v9 =	vmul.f32 $5.000000000e-01, v9;
	v14 =	vmul.f32 $5.000000000e-01, v10  }
0x289: {  	v19 =	vld [tilespmem:s1+$0x31B0];
	v12 =	vmul.f32 $5.000000000e-01, v12;
	v13 =	vmul.f32 $5.000000000e-01, v13  }
0x28a: {  	v23 =	vld [tilespmem:s1+$0x31C0];
	v15 =	vmul.f32 $5.000000000e-01, v15;
	v17 =	vmul.f32 $1.442695020e+00, v9  }
0x28b: {  	v22 =	vld [tilespmem:s7+$0x61C0];
	v14 =	vmul.f32 $1.442695020e+00, v14;
	v12 =	vmul.f32 $1.442695020e+00, v12  }
0x28c: {  	v25 =	vld [tilespmem:s7+$0x61D0];
	v16 =	vmul.f32 $1.442695020e+00, v13;
	(erf) = vpow2.f32 v17  }
0x28d: {  	v26 =	vld [tilespmem:s7+$0x61E0];
	(erf) = vpow2.f32 v14  }
0x28e: {  	v18 =	vld [tilespmem:s7+$0x61F0];
	v15 =	vmul.f32 $1.442695020e+00, v15;
	(erf) = vpow2.f32 v12  }
0x28f: {  	v10 =	vld [tilespmem:s7+$0x1E0];
	(erf) = vpow2.f32 v16  }
0x290: {  	v12 =	vld [tilespmem:s7+$0x61B0];
	v16 =	vpop (erf);
	(erf) = vpow2.f32 v15  }
0x291: {  	v8 =	vld [tilespmem:s7+$0x1F0]  }
0x292: {  	v9 =	vld [tilespmem:s7+$0x200]  }
0x293: {  	v13 =	vld [tilespmem:s1+$0x31E0]  }
0x294: {  	v14 =	vld [tilespmem:s1+$0x31D0]  }
0x295: {  	v17 =	vld [tilespmem:s7+$0x6200];
	v12 =	vmul.f32 v16, v12;
	v24 =	vpop (erf)  }
0x296: {  	v16 =	vld [tilespmem:s1+$0x31F0];
	v27 =	vmul.f32 v24, v22;
	v22 =	vpop (erf)  }
0x297: {  	v19 =	vmul.f32 $5.000000000e-01, v19;
	v15 =	vld [tilespmem:s1+$0x3200];
	v24 =	vadd.f32 v12, v20;
	v22 =	vmul.f32 v22, v25;
	v25 =	vpop (erf)  }
0x298: {  	s8 =	simm.s32 $0x440;
	v12 =	vld [tilespmem:s1+$0x1B0];
	v20 =	vmul.f32 $5.000000000e-01, v23;
	v23 =	vadd.f32 v27, v21;
	v21 =	vmul.f32 v25, v26;
	v25 =	vpop (erf)  }
.LBB2_18:
0x299: {  	p0 =	sne.s32 s8, $0xBFC0;
	v26 =	vld [tilespmem:s1+$0x1C0];
	v14 =	vmul.f32 $5.000000000e-01, v14;
	[tilespmem:s7+$0x61B0] =	vst v24;
	v22 =	vadd.f32 v22, v11;
	v18 =	vmul.f32 v25, v18;
	v24 =	vpop (erf)  }
0x29a: {  	v13 =	vmul.f32 $5.000000000e-01, v13;
	v11 =	vld [tilespmem:s1+$0x1D0];
	[tilespmem:s7+$0x61C0] =	vst v23;
	v21 =	vadd.f32 v21, v10;
	v17 =	vmul.f32 v24, v17  }
0x29b: {  	v19 =	vmul.f32 $1.442695020e+00, v19;
	v10 =	vld [tilespmem:s1+$0x1E0];
	v16 =	vmul.f32 $5.000000000e-01, v16;
	[tilespmem:s7+$0x61D0] =	vst v22;
	v18 =	vadd.f32 v18, v8  }
0x29c: {  	v20 =	vmul.f32 $1.442695020e+00, v20;
	v8 =	vld [tilespmem:s1+$0x1F0];
	v15 =	vmul.f32 $5.000000000e-01, v15;
	[tilespmem:s7+$0x61E0] =	vst v21;
	v17 =	vadd.f32 v17, v9  }
0x29d: {  	s5 =	sshra.s32 s8, $0x2;
	v14 =	vmul.f32 $1.442695020e+00, v14;
	v9 =	vld [tilespmem:s1+$0x200];
	(erf) = vpow2.f32 v19;
	[tilespmem:s7+$0x61F0] =	vst v18  }
0x29e: {  	v13 =	vmul.f32 $1.442695020e+00, v13;
	v19 =	vld [tilespmem:s5+$0x31B0];
	(erf) = vpow2.f32 v20;
	[tilespmem:s7+$0x6200] =	vst v17;
	s7 =	smov.u32 s1;
	s1 =	smov.u32 s5  }
0x29f: {  	v16 =	vmul.f32 $1.442695020e+00, v16;
	v20 =	vld [tilespmem:s1+$0x31C0];
	(erf) = vpow2.f32 v14  }
0x2a0: {  	v15 =	vmul.f32 $1.442695020e+00, v15;
	v14 =	vld [tilespmem:s1+$0x31D0];
	(erf) = vpow2.f32 v13  }
0x2a1: {  	v13 =	vld [tilespmem:s1+$0x31E0];
	(erf) = vpow2.f32 v16  }
0x2a2: {  	v16 =	vld [tilespmem:s7+$0x61B0];
	(erf) = vpow2.f32 v15  }
0x2a3: {  	v15 =	vld [tilespmem:s7+$0x61C0]  }
0x2a4: {  	v21 =	vld [tilespmem:s7+$0x61D0]  }
0x2a5: {  	v25 =	vld [tilespmem:s7+$0x61E0]  }
.Ltmp8:
0x2a6: {  	v18 =	vld [tilespmem:s7+$0x61F0];
	v17 =	vpop (erf);
	(pc) =	sbr.rel @p0 .LBB2_18-.Ltmp8, $4  }
0x2a7: {  	v22 =	vmul.f32 v17, v16;
	v17 =	vld [tilespmem:s7+$0x6200];
	v23 =	vpop (erf)  }
0x2a8: {  	v16 =	vld [tilespmem:s1+$0x31F0];
	v23 =	vmul.f32 v23, v15;
	v27 =	vpop (erf)  }
0x2a9: {  	v19 =	vmul.f32 $5.000000000e-01, v19;
	v15 =	vld [tilespmem:s1+$0x3200];
	v24 =	vadd.f32 v22, v12;
	v22 =	vmul.f32 v27, v21;
	v21 =	vpop (erf)  }
0x2aa: {  	s8 =	sadd.s32 $0x180, s8;
	v20 =	vmul.f32 $5.000000000e-01, v20;
	v12 =	vld [tilespmem:s1+$0x1B0];
	v23 =	vadd.f32 v23, v26;
	v21 =	vmul.f32 v21, v25;
	v25 =	vpop (erf)  }
0x2ab: {  	v14 =	vmul.f32 $5.000000000e-01, v14;
	v18 =	vmul.f32 v25, v18  }
0x2ac: {  	v26 =	vld [tilespmem:s1+$0x1C0];
	[tilespmem:s7+$0x61B0] =	vst v24;
	v46 =	vpop (erf);
	v11 =	vadd.f32 v22, v11;
	v13 =	vmul.f32 $5.000000000e-01, v13;
	v19 =	vmul.f32 $1.442695020e+00, v19  }
0x2ad: {  	v47 =	vld [tilespmem:s1+$0x1D0];
	[tilespmem:s7+$0x61C0] =	vst v23;
	v17 =	vmul.f32 v46, v17;
	v16 =	vmul.f32 $5.000000000e-01, v16  }
0x2ae: {  	v10 =	vadd.f32 v21, v10;
	v48 =	vld [tilespmem:s1+$0x1E0];
	[tilespmem:s7+$0x61D0] =	vst v11;
	v11 =	vmul.f32 $1.442695020e+00, v20;
	v14 =	vmul.f32 $1.442695020e+00, v14  }
0x2af: {  	(erf) = vpow2.f32 v19;
	v15 =	vmul.f32 $5.000000000e-01, v15  }
0x2b0: {  	v8 =	vadd.f32 v18, v8;
	v49 =	vld [tilespmem:s1+$0x1F0];
	[tilespmem:s7+$0x61E0] =	vst v10;
	v10 =	vmul.f32 $1.442695020e+00, v13;
	(erf) = vpow2.f32 v11  }
0x2b1: {  	v9 =	vadd.f32 v17, v9;
	v50 =	vmul.f32 $1.442695020e+00, v16;
	(erf) = vpow2.f32 v14  }
0x2b2: {  	v11 =	vld [tilespmem:s1+$0x200];
	[tilespmem:s7+$0x61F0] =	vst v8;
	v8 =	vmul.f32 $1.442695020e+00, v15;
	(erf) = vpow2.f32 v10  }
0x2b3: {  	[tilespmem:s7+$0x6200] =	vst v9;
	(erf) = vpow2.f32 v50  }
0x2b4: {  	v9 =	vld [tilespmem:s1+$0x61B0];
	(erf) = vpow2.f32 v8  }
0x2b5: {  	v8 =	vld [tilespmem:s1+$0x61C0]  }
0x2b6: {  	v10 =	vld [tilespmem:s1+$0x61D0]  }
0x2b7: {  	v51 =	vld [tilespmem:s1+$0x61E0]  }
0x2b8: {  	v52 =	vld [tilespmem:s1+$0x61F0];
	v53 =	vpop (erf)  }
0x2b9: {  	v54 =	vld [tilespmem:s1+$0x6200];
	v9 =	vmul.f32 v53, v9;
	v55 =	vpop (erf)  }
0x2ba: {  	v8 =	vmul.f32 v55, v8;
	v56 =	vpop (erf)  }
0x2bb: {  	s5 =	simm.s32 $0x0;
	v9 =	vadd.f32 v9, v12;
	v10 =	vmul.f32 v56, v10;
	v57 =	vpop (erf)  }
0x2bc: {  	v59 =	vmov s5;
	v8 =	vadd.f32 v8, v26;
	v12 =	vmul.f32 v57, v51;
	v58 =	vpop (erf)  }
0x2bd: {  	v61 =	vand.u32 $0x7F, v59;
	[tilespmem:s1+$0x61B0] =	vst v9;
	v9 =	vadd.f32 v10, v47;
	v10 =	vmul.f32 v58, v52;
	v60 =	vpop (erf)  }
0x2be: {  	v63 =	vadd.s32 v0, v61;
	[tilespmem:s1+$0x61C0] =	vst v8;
	v8 =	vadd.f32 v12, v48;
	v62 =	vmul.f32 v60, v54  }
0x2bf: {  	[tilespmem:s1+$0x61D0] =	vst v9;
	v9 =	vadd.f32 v10, v49  }
0x2c0: {  	[tilespmem:s1+$0x61E0] =	vst v8;
	v8 =	vadd.f32 v62, v11  }
0x2c1: {  	[tilespmem:s1+$0x61F0] =	vst v9  }
0x2c2: {  	[tilespmem:s1+$0x6200] =	vst v8  }
0x2c3: {  	v8 =	vld.idx.msk [tilespmem:v63+s28+$0x0], $0xffff;
	_ =	sdelay $0x3  }
0x2c4: {  	s9 =	simm.s32 $0x9240  }
0x2c5: {  	[tilespmem:s9+$0xFFFFFFC0] =	vst v8  }
0x2c6: {  	v8 =	vld.idx.msk [tilespmem:v63+s25+$0x0], $0xffff;
	_ =	sdelay $0x3  }
0x2c7: {  	s8 =	simm.s32 $0xC240  }
0x2c8: {  	[tilespmem:s8+$0xFFFFFFC0] =	vst v8  }
0x2c9: {  	v8 =	vld.idx.msk [tilespmem:v63+s26+$0x0], $0xffff  }
0x2ca: {  	v9 =	vadd.s32 v1, v61;
	_ =	sdelay $0x2  }
0x2cb: {  	s7 =	simm.s32 $0xF240  }
0x2cc: {  	[tilespmem:s7+$0xFFFFFFC0] =	vst v8  }
0x2cd: {  	v8 =	vld.idx.msk [tilespmem:v9+s28+$0x0], $0xffff;
	_ =	sdelay $0x4  }
0x2ce: {  	[tilespmem:s9+$0xFFFFFFD0] =	vst v8  }
0x2cf: {  	v8 =	vld.idx.msk [tilespmem:v9+s25+$0x0], $0xffff;
	_ =	sdelay $0x4  }
0x2d0: {  	[tilespmem:s8+$0xFFFFFFD0] =	vst v8  }
0x2d1: {  	v8 =	vld.idx.msk [tilespmem:v9+s26+$0x0], $0xffff  }
0x2d2: {  	v9 =	vadd.s32 v2, v61;
	_ =	sdelay $0x3  }
0x2d3: {  	[tilespmem:s7+$0xFFFFFFD0] =	vst v8  }
0x2d4: {  	v8 =	vld.idx.msk [tilespmem:v9+s28+$0x0], $0xffff;
	_ =	sdelay $0x4  }
0x2d5: {  	[tilespmem:s9+$0xFFFFFFE0] =	vst v8  }
0x2d6: {  	v8 =	vld.idx.msk [tilespmem:v9+s25+$0x0], $0xffff;
	_ =	sdelay $0x4  }
0x2d7: {  	[tilespmem:s8+$0xFFFFFFE0] =	vst v8  }
0x2d8: {  	v8 =	vld.idx.msk [tilespmem:v9+s26+$0x0], $0xffff  }
0x2d9: {  	v9 =	vadd.s32 v3, v61;
	_ =	sdelay $0x3  }
0x2da: {  	[tilespmem:s7+$0xFFFFFFE0] =	vst v8  }
0x2db: {  	v8 =	vld.idx.msk [tilespmem:v9+s28+$0x0], $0xffff;
	_ =	sdelay $0x4  }
0x2dc: {  	[tilespmem:s9+$0xFFFFFFF0] =	vst v8  }
0x2dd: {  	v8 =	vld.idx.msk [tilespmem:v9+s25+$0x0], $0xffff;
	_ =	sdelay $0x4  }
0x2de: {  	[tilespmem:s8+$0xFFFFFFF0] =	vst v8  }
0x2df: {  	v8 =	vld.idx.msk [tilespmem:v9+s26+$0x0], $0xffff  }
0x2e0: {  	v9 =	vadd.s32 v4, v61;
	_ =	sdelay $0x3  }
0x2e1: {  	[tilespmem:s7+$0xFFFFFFF0] =	vst v8  }
0x2e2: {  	v8 =	vld.idx.msk [tilespmem:v9+s28+$0x0], $0xffff;
	_ =	sdelay $0x4  }
0x2e3: {  	[tilespmem:s9+$0x0] =	vst v8  }
0x2e4: {  	v8 =	vld.idx.msk [tilespmem:v9+s25+$0x0], $0xffff;
	_ =	sdelay $0x4  }
0x2e5: {  	[tilespmem:s8+$0x0] =	vst v8  }
0x2e6: {  	v8 =	vld.idx.msk [tilespmem:v9+s26+$0x0], $0xffff  }
0x2e7: {  	v9 =	vadd.s32 v5, v61;
	_ =	sdelay $0x3  }
0x2e8: {  	[tilespmem:s7+$0x0] =	vst v8  }
0x2e9: {  	v8 =	vld.idx.msk [tilespmem:v9+s28+$0x0], $0xffff;
	_ =	sdelay $0x4  }
0x2ea: {  	[tilespmem:s9+$0x10] =	vst v8  }
0x2eb: {  	v8 =	vld.idx.msk [tilespmem:v9+s25+$0x0], $0xffff;
	_ =	sdelay $0x4  }
0x2ec: {  	[tilespmem:s8+$0x10] =	vst v8  }
0x2ed: {  	v8 =	vld.idx.msk [tilespmem:v9+s26+$0x0], $0xffff  }
0x2ee: {  	v9 =	vadd.s32 v6, v61;
	_ =	sdelay $0x3  }
0x2ef: {  	[tilespmem:s7+$0x10] =	vst v8  }
0x2f0: {  	v8 =	vld.idx.msk [tilespmem:v9+s28+$0x0], $0xffff;
	_ =	sdelay $0x4  }
0x2f1: {  	[tilespmem:s9+$0x20] =	vst v8  }
0x2f2: {  	v8 =	vld.idx.msk [tilespmem:v9+s25+$0x0], $0xffff;
	_ =	sdelay $0x4  }
0x2f3: {  	[tilespmem:s8+$0x20] =	vst v8  }
0x2f4: {  	v8 =	vld.idx.msk [tilespmem:v9+s26+$0x0], $0xffff  }
0x2f5: {  	v9 =	vadd.s32 v7, v61;
	_ =	sdelay $0x3  }
0x2f6: {  	[tilespmem:s7+$0x20] =	vst v8  }
0x2f7: {  	v8 =	vld.idx.msk [tilespmem:v9+s28+$0x0], $0xffff;
	_ =	sdelay $0x4  }
0x2f8: {  	[tilespmem:s9+$0x30] =	vst v8  }
0x2f9: {  	v8 =	vld.idx.msk [tilespmem:v9+s25+$0x0], $0xffff;
	_ =	sdelay $0x3  }
0x2fa: {  	s10 =	simm.s32 $0x1  }
0x2fb: {  	v10 =	vmov s10;
	[tilespmem:s8+$0x30] =	vst v8  }
0x2fc: {  	v8 =	vand.u32 $0x7F, v10;
	v10 =	vld.idx.msk [tilespmem:v9+s26+$0x0], $0xffff  }
0x2fd: {  	v9 =	vadd.s32 v0, v8;
	_ =	sdelay $0x1  }
0x2fe: {  	s5 =	simm.s32 $0x2;
	s9 =	simm.s32 $0x92C0  }
.LBB2_20:
0x2ff: {  	s8 =	sadd.s32 $0x80, s8  }
0x300: {  	[tilespmem:s7+$0x30] =	vst v10;
	s7 =	sadd.s32 $0x80, s7;
	s1 =	smov.u32 s5;
	s10 =	sadd.s32 $0x1, s5  }
0x301: {  	p0 =	sne.s32 s5, $0x5F;
	v10 =	vld.idx.msk [tilespmem:v9+s28+$0x0], $0xffff;
	_ =	sdelay $0x5  }
0x302: {  	[tilespmem:s9+$0xFFFFFFC0] =	vst v10  }
0x303: {  	v10 =	vld.idx.msk [tilespmem:v9+s25+$0x0], $0xffff;
	_ =	sdelay $0x5  }
0x304: {  	[tilespmem:s8+$0xFFFFFFC0] =	vst v10  }
0x305: {  	v9 =	vld.idx.msk [tilespmem:v9+s26+$0x0], $0xffff;
	_ =	sdelay $0x1  }
0x306: {  	v10 =	vadd.s32 v1, v8;
	_ =	sdelay $0x3  }
0x307: {  	[tilespmem:s7+$0xFFFFFFC0] =	vst v9  }
0x308: {  	v9 =	vld.idx.msk [tilespmem:v10+s28+$0x0], $0xffff;
	_ =	sdelay $0x5  }
0x309: {  	[tilespmem:s9+$0xFFFFFFD0] =	vst v9  }
0x30a: {  	v9 =	vld.idx.msk [tilespmem:v10+s25+$0x0], $0xffff;
	_ =	sdelay $0x5  }
0x30b: {  	[tilespmem:s8+$0xFFFFFFD0] =	vst v9  }
0x30c: {  	v9 =	vld.idx.msk [tilespmem:v10+s26+$0x0], $0xffff;
	_ =	sdelay $0x1  }
0x30d: {  	v10 =	vadd.s32 v2, v8;
	_ =	sdelay $0x3  }
0x30e: {  	[tilespmem:s7+$0xFFFFFFD0] =	vst v9  }
0x30f: {  	v9 =	vld.idx.msk [tilespmem:v10+s28+$0x0], $0xffff;
	_ =	sdelay $0x5  }
0x310: {  	[tilespmem:s9+$0xFFFFFFE0] =	vst v9  }
0x311: {  	v9 =	vld.idx.msk [tilespmem:v10+s25+$0x0], $0xffff;
	_ =	sdelay $0x5  }
0x312: {  	[tilespmem:s8+$0xFFFFFFE0] =	vst v9  }
0x313: {  	v9 =	vld.idx.msk [tilespmem:v10+s26+$0x0], $0xffff;
	_ =	sdelay $0x1  }
0x314: {  	v10 =	vadd.s32 v3, v8;
	_ =	sdelay $0x3  }
0x315: {  	[tilespmem:s7+$0xFFFFFFE0] =	vst v9  }
0x316: {  	v9 =	vld.idx.msk [tilespmem:v10+s28+$0x0], $0xffff;
	_ =	sdelay $0x5  }
0x317: {  	[tilespmem:s9+$0xFFFFFFF0] =	vst v9  }
0x318: {  	v9 =	vld.idx.msk [tilespmem:v10+s25+$0x0], $0xffff;
	_ =	sdelay $0x5  }
0x319: {  	[tilespmem:s8+$0xFFFFFFF0] =	vst v9  }
0x31a: {  	v9 =	vld.idx.msk [tilespmem:v10+s26+$0x0], $0xffff;
	_ =	sdelay $0x1  }
0x31b: {  	v10 =	vadd.s32 v4, v8;
	_ =	sdelay $0x3  }
0x31c: {  	[tilespmem:s7+$0xFFFFFFF0] =	vst v9  }
0x31d: {  	v9 =	vld.idx.msk [tilespmem:v10+s28+$0x0], $0xffff;
	_ =	sdelay $0x5  }
0x31e: {  	[tilespmem:s9+$0x0] =	vst v9  }
0x31f: {  	v9 =	vld.idx.msk [tilespmem:v10+s25+$0x0], $0xffff;
	_ =	sdelay $0x5  }
0x320: {  	[tilespmem:s8+$0x0] =	vst v9  }
0x321: {  	v9 =	vld.idx.msk [tilespmem:v10+s26+$0x0], $0xffff;
	_ =	sdelay $0x1  }
0x322: {  	v10 =	vadd.s32 v5, v8;
	_ =	sdelay $0x3  }
0x323: {  	[tilespmem:s7+$0x0] =	vst v9  }
0x324: {  	v9 =	vld.idx.msk [tilespmem:v10+s28+$0x0], $0xffff;
	_ =	sdelay $0x5  }
0x325: {  	[tilespmem:s9+$0x10] =	vst v9  }
0x326: {  	v9 =	vld.idx.msk [tilespmem:v10+s25+$0x0], $0xffff;
	_ =	sdelay $0x5  }
0x327: {  	[tilespmem:s8+$0x10] =	vst v9  }
0x328: {  	v9 =	vld.idx.msk [tilespmem:v10+s26+$0x0], $0xffff;
	_ =	sdelay $0x1  }
0x329: {  	v10 =	vadd.s32 v6, v8;
	_ =	sdelay $0x3  }
0x32a: {  	[tilespmem:s7+$0x10] =	vst v9  }
0x32b: {  	v9 =	vld.idx.msk [tilespmem:v10+s28+$0x0], $0xffff;
	_ =	sdelay $0x5  }
0x32c: {  	[tilespmem:s9+$0x20] =	vst v9  }
0x32d: {  	v9 =	vld.idx.msk [tilespmem:v10+s25+$0x0], $0xffff;
	_ =	sdelay $0x5  }
0x32e: {  	[tilespmem:s8+$0x20] =	vst v9  }
0x32f: {  	v9 =	vld.idx.msk [tilespmem:v10+s26+$0x0], $0xffff;
	_ =	sdelay $0x1  }
0x330: {  	v8 =	vadd.s32 v7, v8;
	_ =	sdelay $0x3  }
0x331: {  	[tilespmem:s7+$0x20] =	vst v9  }
0x332: {  	v9 =	vld.idx.msk [tilespmem:v8+s28+$0x0], $0xffff;
	_ =	sdelay $0x5  }
0x333: {  	[tilespmem:s9+$0x30] =	vst v9  }
0x334: {  	v9 =	vld.idx.msk [tilespmem:v8+s25+$0x0], $0xffff;
	_ =	sdelay $0x5  }
0x335: {  	[tilespmem:s8+$0x30] =	vst v9  }
0x336: {  	v9 =	vmov s1;
	v10 =	vld.idx.msk [tilespmem:v8+s26+$0x0], $0xffff  }
.Ltmp9:
0x337: {  	v8 =	vand.u32 $0x7F, v9;
	(pc) =	sbr.rel @p0 .LBB2_20-.Ltmp9, $2  }
0x338: {  	v9 =	vadd.s32 v0, v8;
	_ =	sdelay $0x2  }
0x339: {  	s5 =	smov.u32 s10;
	s9 =	sadd.s32 $0x80, s9  }
0x33a: {  	_ =	sdelay $0x2  }
0x33b: {  	[tilespmem:s7+$0x30] =	vst v10  }
0x33c: {  	v10 =	vld.idx.msk [tilespmem:v9+s28+$0x0], $0xffff;
	_ =	sdelay $0x4  }
0x33d: {  	[tilespmem:s9+$0xFFFFFFC0] =	vst v10  }
0x33e: {  	v10 =	vld.idx.msk [tilespmem:v9+s25+$0x0], $0xffff;
	_ =	sdelay $0x3  }
0x33f: {  	s1 =	sadd.s32 $0x80, s8  }
0x340: {  	[tilespmem:s1+$0xFFFFFFC0] =	vst v10  }
0x341: {  	v57 =	vld.idx.msk [tilespmem:v9+s26+$0x0], $0xffff  }
0x342: {  	v58 =	vadd.s32 v1, v8;
	_ =	sdelay $0x2  }
0x343: {  	s5 =	sadd.s32 $0x80, s7  }
0x344: {  	[tilespmem:s5+$0xFFFFFFC0] =	vst v57  }
0x345: {  	v9 =	vld.idx.msk [tilespmem:v58+s28+$0x0], $0xffff;
	_ =	sdelay $0x4  }
0x346: {  	[tilespmem:s9+$0xFFFFFFD0] =	vst v9  }
0x347: {  	v9 =	vld.idx.msk [tilespmem:v58+s25+$0x0], $0xffff;
	_ =	sdelay $0x4  }
0x348: {  	[tilespmem:s1+$0xFFFFFFD0] =	vst v9  }
0x349: {  	v9 =	vld.idx.msk [tilespmem:v58+s26+$0x0], $0xffff  }
0x34a: {  	v59 =	vadd.s32 v2, v8;
	_ =	sdelay $0x3  }
0x34b: {  	[tilespmem:s5+$0xFFFFFFD0] =	vst v9  }
0x34c: {  	v9 =	vld.idx.msk [tilespmem:v59+s28+$0x0], $0xffff;
	_ =	sdelay $0x4  }
0x34d: {  	[tilespmem:s9+$0xFFFFFFE0] =	vst v9  }
0x34e: {  	v9 =	vld.idx.msk [tilespmem:v59+s25+$0x0], $0xffff;
	_ =	sdelay $0x4  }
0x34f: {  	[tilespmem:s1+$0xFFFFFFE0] =	vst v9  }
0x350: {  	v9 =	vld.idx.msk [tilespmem:v59+s26+$0x0], $0xffff  }
0x351: {  	v60 =	vadd.s32 v3, v8;
	_ =	sdelay $0x3  }
0x352: {  	[tilespmem:s5+$0xFFFFFFE0] =	vst v9  }
0x353: {  	v9 =	vld.idx.msk [tilespmem:v60+s28+$0x0], $0xffff;
	_ =	sdelay $0x4  }
0x354: {  	[tilespmem:s9+$0xFFFFFFF0] =	vst v9  }
0x355: {  	v9 =	vld.idx.msk [tilespmem:v60+s25+$0x0], $0xffff;
	_ =	sdelay $0x4  }
0x356: {  	[tilespmem:s1+$0xFFFFFFF0] =	vst v9  }
0x357: {  	v9 =	vld.idx.msk [tilespmem:v60+s26+$0x0], $0xffff  }
0x358: {  	v61 =	vadd.s32 v4, v8;
	_ =	sdelay $0x3  }
0x359: {  	[tilespmem:s5+$0xFFFFFFF0] =	vst v9  }
0x35a: {  	v9 =	vld.idx.msk [tilespmem:v61+s28+$0x0], $0xffff;
	_ =	sdelay $0x4  }
0x35b: {  	[tilespmem:s9+$0x0] =	vst v9  }
0x35c: {  	v9 =	vld.idx.msk [tilespmem:v61+s25+$0x0], $0xffff;
	_ =	sdelay $0x4  }
0x35d: {  	[tilespmem:s1+$0x0] =	vst v9  }
0x35e: {  	v9 =	vld.idx.msk [tilespmem:v61+s26+$0x0], $0xffff  }
0x35f: {  	v62 =	vadd.s32 v5, v8;
	_ =	sdelay $0x3  }
0x360: {  	[tilespmem:s5+$0x0] =	vst v9  }
0x361: {  	v9 =	vld.idx.msk [tilespmem:v62+s28+$0x0], $0xffff;
	_ =	sdelay $0x4  }
0x362: {  	[tilespmem:s9+$0x10] =	vst v9  }
0x363: {  	v9 =	vld.idx.msk [tilespmem:v62+s25+$0x0], $0xffff;
	_ =	sdelay $0x4  }
0x364: {  	[tilespmem:s1+$0x10] =	vst v9  }
0x365: {  	v9 =	vld.idx.msk [tilespmem:v62+s26+$0x0], $0xffff  }
0x366: {  	v63 =	vadd.s32 v6, v8;
	_ =	sdelay $0x3  }
0x367: {  	[tilespmem:s5+$0x10] =	vst v9  }
0x368: {  	v9 =	vld.idx.msk [tilespmem:v63+s28+$0x0], $0xffff;
	_ =	sdelay $0x4  }
0x369: {  	[tilespmem:s9+$0x20] =	vst v9  }
0x36a: {  	v9 =	vld.idx.msk [tilespmem:v63+s25+$0x0], $0xffff;
	_ =	sdelay $0x4  }
0x36b: {  	[tilespmem:s1+$0x20] =	vst v9  }
0x36c: {  	v9 =	vld.idx.msk [tilespmem:v63+s26+$0x0], $0xffff  }
0x36d: {  	v8 =	vadd.s32 v7, v8;
	_ =	sdelay $0x3  }
0x36e: {  	[tilespmem:s5+$0x20] =	vst v9  }
0x36f: {  	v9 =	vld.idx.msk [tilespmem:v8+s28+$0x0], $0xffff;
	_ =	sdelay $0x4  }
0x370: {  	[tilespmem:s9+$0x30] =	vst v9  }
0x371: {  	v9 =	vld.idx.msk [tilespmem:v8+s25+$0x0], $0xffff;
	_ =	sdelay $0x4  }
0x372: {  	[tilespmem:s1+$0x30] =	vst v9  }
0x373: {  	v8 =	vld.idx.msk [tilespmem:v8+s26+$0x0], $0xffff;
	_ =	sdelay $0x4  }
0x374: {  	s8 =	simm.s32 $0x9200;
	[tilespmem:s5+$0x30] =	vst v8  }
0x375: {  	[hbm4b:s19+s2] =	stream.linear.scatter [tilespmem:s8], [sflag:$0x4], $0x80, $0x38;
	[tilespmem:$0x12200] =	vst v63  }
0x376: {  	s9 =	simm.s32 $0xC200  }
0x377: {  	[hbm4b:s18+s2] =	stream.linear.scatter [tilespmem:s9], [sflag:$0x4], $0x80, $0x38;
	[tilespmem:$0x12200] =	vst v63  }
0x378: {  	s10 =	simm.s32 $0xF200;
	s7 =	simm.s32 $0x80;
	s1 =	smov.u32 s17  }
0x379: {  	[hbm4b:s17+s2] =	stream.linear.scatter [tilespmem:s10], [sflag:$0x4], $0x80, $0x38;
	[tilespmem:$0x12200] =	vst v63  }
0x37a: {  	s8 =	smov.u32 s18;
	s9 =	smov.u32 s19;
	s10 =	simm.s32 $0x400  }
.LBB2_22:
0x37b: {  	p0 =	sne.s32 s10, $0xBE00;
	s5 =	sadd.s32 $0x9200, s7;
	s9 =	sadd.s32 $0x800, s9  }
0x37c: {  	[hbm4b:s9+s2] =	stream.linear.scatter [tilespmem:s5], [sflag:$0x4], $0x80, $0x38;
	[tilespmem:$0x12200] =	vst v63  }
.Ltmp10:
0x37d: {  	s8 =	sadd.s32 $0x800, s8;
	s5 =	sadd.s32 $0xC200, s7;
	(pc) =	sbr.rel @p0 .LBB2_22-.Ltmp10, $4  }
0x37e: {  	[hbm4b:s8+s2] =	stream.linear.scatter [tilespmem:s5], [sflag:$0x4], $0x80, $0x38;
	[tilespmem:$0x12200] =	vst v63  }
0x37f: {  	s1 =	sadd.s32 $0x800, s1;
	s5 =	sadd.s32 $0xF200, s7  }
0x380: {  	[hbm4b:s1+s2] =	stream.linear.scatter [tilespmem:s5], [sflag:$0x4], $0x80, $0x38;
	[tilespmem:$0x12200] =	vst v63  }
0x381: {  	s7 =	sshra.s32 s10, $0x2;
	s10 =	sadd.s32 $0x200, s10  }
0x382: {  	s5 =	sadd.s32 $0x9200, s7;
	s9 =	sadd.s32 $0x800, s9  }
0x383: {  	[hbm4b:s9+s2] =	stream.linear.scatter [tilespmem:s5], [sflag:$0x4], $0x80, $0x38;
	[tilespmem:$0x12200] =	vst v63  }
0x384: {  	s8 =	sadd.s32 $0x800, s8;
	s9 =	sadd.s32 $0xC200, s7  }
0x385: {  	[hbm4b:s8+s2] =	stream.linear.scatter [tilespmem:s9], [sflag:$0x4], $0x80, $0x38;
	[tilespmem:$0x12200] =	vst v63  }
0x386: {  	s10 =	sadd.s32 $0xF200, s7;
	s1 =	sadd.s32 $0x800, s1  }
0x387: {  	[hbm4b:s1+s2] =	stream.linear.scatter [tilespmem:s10], [sflag:$0x4], $0x80, $0x38;
	[tilespmem:$0x12200] =	vst v63  }
0x388: {  	_ =	swait.ge [sflag:s0], $0x80  }
0x389: {  	[sflag:s0] =	ssyncset.done $0x0  }
0x38a: {  	[sflag:s0] =	ssyncadd.s32 $0xFFFFFF80  }
0x38b: {  	_ =	swait.ge [sflag:s0], $0x80  }
0x38c: {  	[sflag:s0] =	ssyncset.done $0x0  }
0x38d: {  	[sflag:s0] =	ssyncadd.s32 $0xFFFFFF80  }
0x38e: {  	_ =	swait.ge [sflag:s0], $0x80  }
0x38f: {  	s1 =	simm.s32 $0x5F;
	[sflag:s0] =	ssyncset.done $0x0  }
.LBB2_24:
0x390: {  	p0 =	sne.s32 s1, $0x1;
	s1 =	sadd.s32 $0xFFFFFFFF, s1;
	[sflag:s0] =	ssyncadd.s32 $0xFFFFFF80  }
0x391: {  	_ =	swait.ge [sflag:s0], $0x80  }
0x392: {  	[sflag:s0] =	ssyncset.done $0x0  }
0x393: {  	[sflag:s0] =	ssyncadd.s32 $0xFFFFFF80  }
.Ltmp11:
0x394: {  	_ =	swait.ge [sflag:s0], $0x80;
	(pc) =	sbr.rel @p0 .LBB2_24-.Ltmp11, $4  }
0x395: {  	[sflag:s0] =	ssyncset.done $0x0  }
0x396: {  	[sflag:s0] =	ssyncadd.s32 $0xFFFFFF80  }
0x397: {  	_ =	swait.ge [sflag:s0], $0x80  }
0x398: {  	[sflag:s0] =	ssyncset.done $0x0  }
0x399: {  	[sflag:s0] =	ssyncadd.s32 $0xFFFFFF80;
	s1 =	simm.s32 $0x180  }
0x39a: {  	[tilespmem:s25], [sflag:$0x1] =	stream.indirect.gather [hbm4b:s3+s24], $0x60, s1, s24, $0xb8;
	[tilespmem:$0x12200] =	vst v63  }
0x39b: {  	_ = 	snop  }
0x39c: {  	[tilespmem:s26], [sflag:$0x2] =	stream.indirect.gather [hbm4b:s4+s24], $0x60, s1, s24, $0xb8;
	[tilespmem:$0x12200] =	vst v63  }
0x39d: {  	s10 =	rddreg [dreg:$0xa]  }
0x39e: {  	[tilespmem:s28], [sflag:$0x3] =	stream.linear.gather [hbm4b:s10+s2], $0x3000, $0x38;
	[tilespmem:$0x12200] =	vst v63  }
0x39f: {  	_ =	swait.ge [sflag:s29], $0x3000  }
0x3a0: {  	[sflag:s29] =	ssyncset.done $0x0  }
0x3a1: {  	[sflag:s29] =	ssyncadd.s32 $0xFFFFD000  }
0x3a2: {  	_ =	swait.ge [sflag:s30], $0x3000  }
0x3a3: {  	[sflag:s30] =	ssyncset.done $0x0  }
0x3a4: {  	[sflag:s30] =	ssyncadd.s32 $0xFFFFD000  }
0x3a5: {  	_ =	swait.ge [sflag:s31], $0x3000  }
0x3a6: {  	[sflag:s31] =	ssyncset.done $0x0  }
0x3a7: {  	s7 =	simm.s32 $0x50;
	[sflag:s31] =	ssyncadd.s32 $0xFFFFD000  }
0x3a8: {  	v8 =	vld [tilespmem:s7+$0x31B0];
	_ =	sdelay $0x2  }
0x3a9: {  	v9 =	vld [tilespmem:s7+$0x31C0]  }
0x3aa: {  	v10 =	vld [tilespmem:s7+$0x31D0]  }
0x3ab: {  	v12 =	vld [tilespmem:s7+$0x31E0];
	v8 =	vmul.f32 $5.000000000e-01, v8  }
0x3ac: {  	v13 =	vld [tilespmem:s7+$0x31F0]  }
0x3ad: {  	v15 =	vld [tilespmem:s7+$0x3200];
	v16 =	vmul.f32 $1.442695020e+00, v8  }
0x3ae: {  	v20 =	vld [tilespmem:s7+$0x1B0]  }
0x3af: {  	v21 =	vld [tilespmem:s7+$0x1C0];
	(erf) = vpow2.f32 v16  }
0x3b0: {  	s1 =	simm.s32 $0xB0;
	v11 =	vld [tilespmem:s7+$0x1D0];
	v9 =	vmul.f32 $5.000000000e-01, v9;
	v14 =	vmul.f32 $5.000000000e-01, v10  }
0x3b1: {  	v19 =	vld [tilespmem:s1+$0x31B0];
	v12 =	vmul.f32 $5.000000000e-01, v12;
	v13 =	vmul.f32 $5.000000000e-01, v13  }
0x3b2: {  	v23 =	vld [tilespmem:s1+$0x31C0];
	v15 =	vmul.f32 $5.000000000e-01, v15;
	v17 =	vmul.f32 $1.442695020e+00, v9  }
0x3b3: {  	v22 =	vld [tilespmem:s7+$0x61C0];
	v14 =	vmul.f32 $1.442695020e+00, v14;
	v12 =	vmul.f32 $1.442695020e+00, v12  }
0x3b4: {  	v25 =	vld [tilespmem:s7+$0x61D0];
	v16 =	vmul.f32 $1.442695020e+00, v13;
	(erf) = vpow2.f32 v17  }
0x3b5: {  	v26 =	vld [tilespmem:s7+$0x61E0];
	(erf) = vpow2.f32 v14  }
0x3b6: {  	v18 =	vld [tilespmem:s7+$0x61F0];
	v15 =	vmul.f32 $1.442695020e+00, v15;
	(erf) = vpow2.f32 v12  }
0x3b7: {  	v10 =	vld [tilespmem:s7+$0x1E0];
	(erf) = vpow2.f32 v16  }
0x3b8: {  	v12 =	vld [tilespmem:s7+$0x61B0];
	v16 =	vpop (erf);
	(erf) = vpow2.f32 v15  }
0x3b9: {  	v8 =	vld [tilespmem:s7+$0x1F0]  }
0x3ba: {  	v9 =	vld [tilespmem:s7+$0x200]  }
0x3bb: {  	v13 =	vld [tilespmem:s1+$0x31E0]  }
0x3bc: {  	v14 =	vld [tilespmem:s1+$0x31D0]  }
0x3bd: {  	v17 =	vld [tilespmem:s7+$0x6200];
	v12 =	vmul.f32 v16, v12;
	v24 =	vpop (erf)  }
0x3be: {  	v16 =	vld [tilespmem:s1+$0x31F0];
	v27 =	vmul.f32 v24, v22;
	v22 =	vpop (erf)  }
0x3bf: {  	v19 =	vmul.f32 $5.000000000e-01, v19;
	v15 =	vld [tilespmem:s1+$0x3200];
	v24 =	vadd.f32 v12, v20;
	v22 =	vmul.f32 v22, v25;
	v25 =	vpop (erf)  }
0x3c0: {  	s8 =	simm.s32 $0x440;
	v12 =	vld [tilespmem:s1+$0x1B0];
	v20 =	vmul.f32 $5.000000000e-01, v23;
	v23 =	vadd.f32 v27, v21;
	v21 =	vmul.f32 v25, v26;
	v25 =	vpop (erf)  }
.LBB2_26:
0x3c1: {  	p0 =	sne.s32 s8, $0xBFC0;
	v26 =	vld [tilespmem:s1+$0x1C0];
	v14 =	vmul.f32 $5.000000000e-01, v14;
	[tilespmem:s7+$0x61B0] =	vst v24;
	v22 =	vadd.f32 v22, v11;
	v18 =	vmul.f32 v25, v18;
	v24 =	vpop (erf)  }
0x3c2: {  	v13 =	vmul.f32 $5.000000000e-01, v13;
	v11 =	vld [tilespmem:s1+$0x1D0];
	[tilespmem:s7+$0x61C0] =	vst v23;
	v21 =	vadd.f32 v21, v10;
	v17 =	vmul.f32 v24, v17  }
0x3c3: {  	v19 =	vmul.f32 $1.442695020e+00, v19;
	v10 =	vld [tilespmem:s1+$0x1E0];
	v16 =	vmul.f32 $5.000000000e-01, v16;
	[tilespmem:s7+$0x61D0] =	vst v22;
	v18 =	vadd.f32 v18, v8  }
0x3c4: {  	v20 =	vmul.f32 $1.442695020e+00, v20;
	v8 =	vld [tilespmem:s1+$0x1F0];
	v15 =	vmul.f32 $5.000000000e-01, v15;
	[tilespmem:s7+$0x61E0] =	vst v21;
	v17 =	vadd.f32 v17, v9  }
0x3c5: {  	s5 =	sshra.s32 s8, $0x2;
	v14 =	vmul.f32 $1.442695020e+00, v14;
	v9 =	vld [tilespmem:s1+$0x200];
	(erf) = vpow2.f32 v19;
	[tilespmem:s7+$0x61F0] =	vst v18  }
0x3c6: {  	v13 =	vmul.f32 $1.442695020e+00, v13;
	v19 =	vld [tilespmem:s5+$0x31B0];
	(erf) = vpow2.f32 v20;
	[tilespmem:s7+$0x6200] =	vst v17;
	s7 =	smov.u32 s1;
	s1 =	smov.u32 s5  }
0x3c7: {  	v16 =	vmul.f32 $1.442695020e+00, v16;
	v20 =	vld [tilespmem:s1+$0x31C0];
	(erf) = vpow2.f32 v14  }
0x3c8: {  	v15 =	vmul.f32 $1.442695020e+00, v15;
	v14 =	vld [tilespmem:s1+$0x31D0];
	(erf) = vpow2.f32 v13  }
0x3c9: {  	v13 =	vld [tilespmem:s1+$0x31E0];
	(erf) = vpow2.f32 v16  }
0x3ca: {  	v16 =	vld [tilespmem:s7+$0x61B0];
	(erf) = vpow2.f32 v15  }
0x3cb: {  	v15 =	vld [tilespmem:s7+$0x61C0]  }
0x3cc: {  	v21 =	vld [tilespmem:s7+$0x61D0]  }
0x3cd: {  	v25 =	vld [tilespmem:s7+$0x61E0]  }
.Ltmp12:
0x3ce: {  	v18 =	vld [tilespmem:s7+$0x61F0];
	v17 =	vpop (erf);
	(pc) =	sbr.rel @p0 .LBB2_26-.Ltmp12, $4  }
0x3cf: {  	v22 =	vmul.f32 v17, v16;
	v17 =	vld [tilespmem:s7+$0x6200];
	v23 =	vpop (erf)  }
0x3d0: {  	v16 =	vld [tilespmem:s1+$0x31F0];
	v23 =	vmul.f32 v23, v15;
	v27 =	vpop (erf)  }
0x3d1: {  	v19 =	vmul.f32 $5.000000000e-01, v19;
	v15 =	vld [tilespmem:s1+$0x3200];
	v24 =	vadd.f32 v22, v12;
	v22 =	vmul.f32 v27, v21;
	v21 =	vpop (erf)  }
0x3d2: {  	s8 =	sadd.s32 $0x180, s8;
	v20 =	vmul.f32 $5.000000000e-01, v20;
	v12 =	vld [tilespmem:s1+$0x1B0];
	v23 =	vadd.f32 v23, v26;
	v21 =	vmul.f32 v21, v25;
	v25 =	vpop (erf)  }
0x3d3: {  	v14 =	vmul.f32 $5.000000000e-01, v14;
	v18 =	vmul.f32 v25, v18  }
0x3d4: {  	v26 =	vld [tilespmem:s1+$0x1C0];
	[tilespmem:s7+$0x61B0] =	vst v24;
	v46 =	vpop (erf);
	v11 =	vadd.f32 v22, v11;
	v13 =	vmul.f32 $5.000000000e-01, v13;
	v19 =	vmul.f32 $1.442695020e+00, v19  }
0x3d5: {  	v47 =	vld [tilespmem:s1+$0x1D0];
	[tilespmem:s7+$0x61C0] =	vst v23;
	v17 =	vmul.f32 v46, v17;
	v16 =	vmul.f32 $5.000000000e-01, v16  }
0x3d6: {  	v10 =	vadd.f32 v21, v10;
	v48 =	vld [tilespmem:s1+$0x1E0];
	[tilespmem:s7+$0x61D0] =	vst v11;
	v11 =	vmul.f32 $1.442695020e+00, v20;
	v14 =	vmul.f32 $1.442695020e+00, v14  }
0x3d7: {  	(erf) = vpow2.f32 v19;
	v15 =	vmul.f32 $5.000000000e-01, v15  }
0x3d8: {  	v8 =	vadd.f32 v18, v8;
	v49 =	vld [tilespmem:s1+$0x1F0];
	[tilespmem:s7+$0x61E0] =	vst v10;
	v10 =	vmul.f32 $1.442695020e+00, v13;
	(erf) = vpow2.f32 v11  }
0x3d9: {  	v9 =	vadd.f32 v17, v9;
	v50 =	vmul.f32 $1.442695020e+00, v16;
	(erf) = vpow2.f32 v14  }
0x3da: {  	v11 =	vld [tilespmem:s1+$0x200];
	[tilespmem:s7+$0x61F0] =	vst v8;
	v8 =	vmul.f32 $1.442695020e+00, v15;
	(erf) = vpow2.f32 v10  }
0x3db: {  	[tilespmem:s7+$0x6200] =	vst v9;
	(erf) = vpow2.f32 v50  }
0x3dc: {  	v9 =	vld [tilespmem:s1+$0x61B0];
	(erf) = vpow2.f32 v8  }
0x3dd: {  	v8 =	vld [tilespmem:s1+$0x61C0]  }
0x3de: {  	v10 =	vld [tilespmem:s1+$0x61D0]  }
0x3df: {  	v51 =	vld [tilespmem:s1+$0x61E0]  }
0x3e0: {  	v52 =	vld [tilespmem:s1+$0x61F0];
	v53 =	vpop (erf)  }
0x3e1: {  	v54 =	vld [tilespmem:s1+$0x6200];
	v9 =	vmul.f32 v53, v9;
	v55 =	vpop (erf)  }
0x3e2: {  	v8 =	vmul.f32 v55, v8;
	v56 =	vpop (erf)  }
0x3e3: {  	s5 =	simm.s32 $0x0;
	v9 =	vadd.f32 v9, v12;
	v10 =	vmul.f32 v56, v10;
	v57 =	vpop (erf)  }
0x3e4: {  	v59 =	vmov s5;
	v8 =	vadd.f32 v8, v26;
	v12 =	vmul.f32 v57, v51;
	v58 =	vpop (erf)  }
0x3e5: {  	v61 =	vand.u32 $0x7F, v59;
	[tilespmem:s1+$0x61B0] =	vst v9;
	v9 =	vadd.f32 v10, v47;
	v10 =	vmul.f32 v58, v52;
	v60 =	vpop (erf)  }
0x3e6: {  	v63 =	vadd.s32 v0, v61;
	[tilespmem:s1+$0x61C0] =	vst v8;
	v8 =	vadd.f32 v12, v48;
	v62 =	vmul.f32 v60, v54  }
0x3e7: {  	[tilespmem:s1+$0x61D0] =	vst v9;
	v9 =	vadd.f32 v10, v49  }
0x3e8: {  	[tilespmem:s1+$0x61E0] =	vst v8;
	v8 =	vadd.f32 v62, v11  }
0x3e9: {  	[tilespmem:s1+$0x61F0] =	vst v9  }
0x3ea: {  	[tilespmem:s1+$0x6200] =	vst v8  }
0x3eb: {  	v8 =	vld.idx.msk [tilespmem:v63+s28+$0x0], $0xffff;
	_ =	sdelay $0x3  }
0x3ec: {  	s9 =	simm.s32 $0x9240  }
0x3ed: {  	[tilespmem:s9+$0xFFFFFFC0] =	vst v8  }
0x3ee: {  	v8 =	vld.idx.msk [tilespmem:v63+s25+$0x0], $0xffff;
	_ =	sdelay $0x3  }
0x3ef: {  	s8 =	simm.s32 $0xC240  }
0x3f0: {  	[tilespmem:s8+$0xFFFFFFC0] =	vst v8  }
0x3f1: {  	v8 =	vld.idx.msk [tilespmem:v63+s26+$0x0], $0xffff  }
0x3f2: {  	v9 =	vadd.s32 v1, v61;
	_ =	sdelay $0x2  }
0x3f3: {  	s7 =	simm.s32 $0xF240  }
0x3f4: {  	[tilespmem:s7+$0xFFFFFFC0] =	vst v8  }
0x3f5: {  	v8 =	vld.idx.msk [tilespmem:v9+s28+$0x0], $0xffff;
	_ =	sdelay $0x4  }
0x3f6: {  	[tilespmem:s9+$0xFFFFFFD0] =	vst v8  }
0x3f7: {  	v8 =	vld.idx.msk [tilespmem:v9+s25+$0x0], $0xffff;
	_ =	sdelay $0x4  }
0x3f8: {  	[tilespmem:s8+$0xFFFFFFD0] =	vst v8  }
0x3f9: {  	v8 =	vld.idx.msk [tilespmem:v9+s26+$0x0], $0xffff  }
0x3fa: {  	v9 =	vadd.s32 v2, v61;
	_ =	sdelay $0x3  }
0x3fb: {  	[tilespmem:s7+$0xFFFFFFD0] =	vst v8  }
0x3fc: {  	v8 =	vld.idx.msk [tilespmem:v9+s28+$0x0], $0xffff;
	_ =	sdelay $0x4  }
0x3fd: {  	[tilespmem:s9+$0xFFFFFFE0] =	vst v8  }
0x3fe: {  	v8 =	vld.idx.msk [tilespmem:v9+s25+$0x0], $0xffff;
	_ =	sdelay $0x4  }
0x3ff: {  	[tilespmem:s8+$0xFFFFFFE0] =	vst v8  }
0x400: {  	v8 =	vld.idx.msk [tilespmem:v9+s26+$0x0], $0xffff  }
0x401: {  	v9 =	vadd.s32 v3, v61;
	_ =	sdelay $0x3  }
0x402: {  	[tilespmem:s7+$0xFFFFFFE0] =	vst v8  }
0x403: {  	v8 =	vld.idx.msk [tilespmem:v9+s28+$0x0], $0xffff;
	_ =	sdelay $0x4  }
0x404: {  	[tilespmem:s9+$0xFFFFFFF0] =	vst v8  }
0x405: {  	v8 =	vld.idx.msk [tilespmem:v9+s25+$0x0], $0xffff;
	_ =	sdelay $0x4  }
0x406: {  	[tilespmem:s8+$0xFFFFFFF0] =	vst v8  }
0x407: {  	v8 =	vld.idx.msk [tilespmem:v9+s26+$0x0], $0xffff  }
0x408: {  	v9 =	vadd.s32 v4, v61;
	_ =	sdelay $0x3  }
0x409: {  	[tilespmem:s7+$0xFFFFFFF0] =	vst v8  }
0x40a: {  	v8 =	vld.idx.msk [tilespmem:v9+s28+$0x0], $0xffff;
	_ =	sdelay $0x4  }
0x40b: {  	[tilespmem:s9+$0x0] =	vst v8  }
0x40c: {  	v8 =	vld.idx.msk [tilespmem:v9+s25+$0x0], $0xffff;
	_ =	sdelay $0x4  }
0x40d: {  	[tilespmem:s8+$0x0] =	vst v8  }
0x40e: {  	v8 =	vld.idx.msk [tilespmem:v9+s26+$0x0], $0xffff  }
0x40f: {  	v9 =	vadd.s32 v5, v61;
	_ =	sdelay $0x3  }
0x410: {  	[tilespmem:s7+$0x0] =	vst v8  }
0x411: {  	v8 =	vld.idx.msk [tilespmem:v9+s28+$0x0], $0xffff;
	_ =	sdelay $0x4  }
0x412: {  	[tilespmem:s9+$0x10] =	vst v8  }
0x413: {  	v8 =	vld.idx.msk [tilespmem:v9+s25+$0x0], $0xffff;
	_ =	sdelay $0x4  }
0x414: {  	[tilespmem:s8+$0x10] =	vst v8  }
0x415: {  	v8 =	vld.idx.msk [tilespmem:v9+s26+$0x0], $0xffff  }
0x416: {  	v9 =	vadd.s32 v6, v61;
	_ =	sdelay $0x3  }
0x417: {  	[tilespmem:s7+$0x10] =	vst v8  }
0x418: {  	v8 =	vld.idx.msk [tilespmem:v9+s28+$0x0], $0xffff;
	_ =	sdelay $0x4  }
0x419: {  	[tilespmem:s9+$0x20] =	vst v8  }
0x41a: {  	v8 =	vld.idx.msk [tilespmem:v9+s25+$0x0], $0xffff;
	_ =	sdelay $0x4  }
0x41b: {  	[tilespmem:s8+$0x20] =	vst v8  }
0x41c: {  	v8 =	vld.idx.msk [tilespmem:v9+s26+$0x0], $0xffff  }
0x41d: {  	v9 =	vadd.s32 v7, v61;
	_ =	sdelay $0x3  }
0x41e: {  	[tilespmem:s7+$0x20] =	vst v8  }
0x41f: {  	v8 =	vld.idx.msk [tilespmem:v9+s28+$0x0], $0xffff;
	_ =	sdelay $0x4  }
0x420: {  	[tilespmem:s9+$0x30] =	vst v8  }
0x421: {  	v8 =	vld.idx.msk [tilespmem:v9+s25+$0x0], $0xffff;
	_ =	sdelay $0x3  }
0x422: {  	s10 =	simm.s32 $0x1  }
0x423: {  	v10 =	vmov s10;
	[tilespmem:s8+$0x30] =	vst v8  }
0x424: {  	v8 =	vand.u32 $0x7F, v10;
	v10 =	vld.idx.msk [tilespmem:v9+s26+$0x0], $0xffff  }
0x425: {  	v9 =	vadd.s32 v0, v8;
	_ =	sdelay $0x1  }
0x426: {  	s5 =	simm.s32 $0x2;
	s9 =	simm.s32 $0x92C0  }
.LBB2_28:
0x427: {  	s8 =	sadd.s32 $0x80, s8  }
0x428: {  	[tilespmem:s7+$0x30] =	vst v10;
	s7 =	sadd.s32 $0x80, s7;
	s1 =	smov.u32 s5;
	s10 =	sadd.s32 $0x1, s5  }
0x429: {  	p0 =	sne.s32 s5, $0x5F;
	v10 =	vld.idx.msk [tilespmem:v9+s28+$0x0], $0xffff;
	_ =	sdelay $0x5  }
0x42a: {  	[tilespmem:s9+$0xFFFFFFC0] =	vst v10  }
0x42b: {  	v10 =	vld.idx.msk [tilespmem:v9+s25+$0x0], $0xffff;
	_ =	sdelay $0x5  }
0x42c: {  	[tilespmem:s8+$0xFFFFFFC0] =	vst v10  }
0x42d: {  	v9 =	vld.idx.msk [tilespmem:v9+s26+$0x0], $0xffff;
	_ =	sdelay $0x1  }
0x42e: {  	v10 =	vadd.s32 v1, v8;
	_ =	sdelay $0x3  }
0x42f: {  	[tilespmem:s7+$0xFFFFFFC0] =	vst v9  }
0x430: {  	v9 =	vld.idx.msk [tilespmem:v10+s28+$0x0], $0xffff;
	_ =	sdelay $0x5  }
0x431: {  	[tilespmem:s9+$0xFFFFFFD0] =	vst v9  }
0x432: {  	v9 =	vld.idx.msk [tilespmem:v10+s25+$0x0], $0xffff;
	_ =	sdelay $0x5  }
0x433: {  	[tilespmem:s8+$0xFFFFFFD0] =	vst v9  }
0x434: {  	v9 =	vld.idx.msk [tilespmem:v10+s26+$0x0], $0xffff;
	_ =	sdelay $0x1  }
0x435: {  	v10 =	vadd.s32 v2, v8;
	_ =	sdelay $0x3  }
0x436: {  	[tilespmem:s7+$0xFFFFFFD0] =	vst v9  }
0x437: {  	v9 =	vld.idx.msk [tilespmem:v10+s28+$0x0], $0xffff;
	_ =	sdelay $0x5  }
0x438: {  	[tilespmem:s9+$0xFFFFFFE0] =	vst v9  }
0x439: {  	v9 =	vld.idx.msk [tilespmem:v10+s25+$0x0], $0xffff;
	_ =	sdelay $0x5  }
0x43a: {  	[tilespmem:s8+$0xFFFFFFE0] =	vst v9  }
0x43b: {  	v9 =	vld.idx.msk [tilespmem:v10+s26+$0x0], $0xffff;
	_ =	sdelay $0x1  }
0x43c: {  	v10 =	vadd.s32 v3, v8;
	_ =	sdelay $0x3  }
0x43d: {  	[tilespmem:s7+$0xFFFFFFE0] =	vst v9  }
0x43e: {  	v9 =	vld.idx.msk [tilespmem:v10+s28+$0x0], $0xffff;
	_ =	sdelay $0x5  }
0x43f: {  	[tilespmem:s9+$0xFFFFFFF0] =	vst v9  }
0x440: {  	v9 =	vld.idx.msk [tilespmem:v10+s25+$0x0], $0xffff;
	_ =	sdelay $0x5  }
0x441: {  	[tilespmem:s8+$0xFFFFFFF0] =	vst v9  }
0x442: {  	v9 =	vld.idx.msk [tilespmem:v10+s26+$0x0], $0xffff;
	_ =	sdelay $0x1  }
0x443: {  	v10 =	vadd.s32 v4, v8;
	_ =	sdelay $0x3  }
0x444: {  	[tilespmem:s7+$0xFFFFFFF0] =	vst v9  }
0x445: {  	v9 =	vld.idx.msk [tilespmem:v10+s28+$0x0], $0xffff;
	_ =	sdelay $0x5  }
0x446: {  	[tilespmem:s9+$0x0] =	vst v9  }
0x447: {  	v9 =	vld.idx.msk [tilespmem:v10+s25+$0x0], $0xffff;
	_ =	sdelay $0x5  }
0x448: {  	[tilespmem:s8+$0x0] =	vst v9  }
0x449: {  	v9 =	vld.idx.msk [tilespmem:v10+s26+$0x0], $0xffff;
	_ =	sdelay $0x1  }
0x44a: {  	v10 =	vadd.s32 v5, v8;
	_ =	sdelay $0x3  }
0x44b: {  	[tilespmem:s7+$0x0] =	vst v9  }
0x44c: {  	v9 =	vld.idx.msk [tilespmem:v10+s28+$0x0], $0xffff;
	_ =	sdelay $0x5  }
0x44d: {  	[tilespmem:s9+$0x10] =	vst v9  }
0x44e: {  	v9 =	vld.idx.msk [tilespmem:v10+s25+$0x0], $0xffff;
	_ =	sdelay $0x5  }
0x44f: {  	[tilespmem:s8+$0x10] =	vst v9  }
0x450: {  	v9 =	vld.idx.msk [tilespmem:v10+s26+$0x0], $0xffff;
	_ =	sdelay $0x1  }
0x451: {  	v10 =	vadd.s32 v6, v8;
	_ =	sdelay $0x3  }
0x452: {  	[tilespmem:s7+$0x10] =	vst v9  }
0x453: {  	v9 =	vld.idx.msk [tilespmem:v10+s28+$0x0], $0xffff;
	_ =	sdelay $0x5  }
0x454: {  	[tilespmem:s9+$0x20] =	vst v9  }
0x455: {  	v9 =	vld.idx.msk [tilespmem:v10+s25+$0x0], $0xffff;
	_ =	sdelay $0x5  }
0x456: {  	[tilespmem:s8+$0x20] =	vst v9  }
0x457: {  	v9 =	vld.idx.msk [tilespmem:v10+s26+$0x0], $0xffff;
	_ =	sdelay $0x1  }
0x458: {  	v8 =	vadd.s32 v7, v8;
	_ =	sdelay $0x3  }
0x459: {  	[tilespmem:s7+$0x20] =	vst v9  }
0x45a: {  	v9 =	vld.idx.msk [tilespmem:v8+s28+$0x0], $0xffff;
	_ =	sdelay $0x5  }
0x45b: {  	[tilespmem:s9+$0x30] =	vst v9  }
0x45c: {  	v9 =	vld.idx.msk [tilespmem:v8+s25+$0x0], $0xffff;
	_ =	sdelay $0x5  }
0x45d: {  	[tilespmem:s8+$0x30] =	vst v9  }
0x45e: {  	v9 =	vmov s1;
	v10 =	vld.idx.msk [tilespmem:v8+s26+$0x0], $0xffff  }
.Ltmp13:
0x45f: {  	v8 =	vand.u32 $0x7F, v9;
	(pc) =	sbr.rel @p0 .LBB2_28-.Ltmp13, $2  }
0x460: {  	v9 =	vadd.s32 v0, v8;
	_ =	sdelay $0x2  }
0x461: {  	s5 =	smov.u32 s10;
	s9 =	sadd.s32 $0x80, s9  }
0x462: {  	_ =	sdelay $0x2  }
0x463: {  	[tilespmem:s7+$0x30] =	vst v10  }
0x464: {  	v10 =	vld.idx.msk [tilespmem:v9+s28+$0x0], $0xffff;
	_ =	sdelay $0x4  }
0x465: {  	[tilespmem:s9+$0xFFFFFFC0] =	vst v10  }
0x466: {  	v10 =	vld.idx.msk [tilespmem:v9+s25+$0x0], $0xffff;
	_ =	sdelay $0x3  }
0x467: {  	s1 =	sadd.s32 $0x80, s8  }
0x468: {  	[tilespmem:s1+$0xFFFFFFC0] =	vst v10  }
0x469: {  	v57 =	vld.idx.msk [tilespmem:v9+s26+$0x0], $0xffff  }
0x46a: {  	v58 =	vadd.s32 v1, v8;
	_ =	sdelay $0x2  }
0x46b: {  	s5 =	sadd.s32 $0x80, s7  }
0x46c: {  	[tilespmem:s5+$0xFFFFFFC0] =	vst v57  }
0x46d: {  	v9 =	vld.idx.msk [tilespmem:v58+s28+$0x0], $0xffff;
	_ =	sdelay $0x4  }
0x46e: {  	[tilespmem:s9+$0xFFFFFFD0] =	vst v9  }
0x46f: {  	v9 =	vld.idx.msk [tilespmem:v58+s25+$0x0], $0xffff;
	_ =	sdelay $0x4  }
0x470: {  	[tilespmem:s1+$0xFFFFFFD0] =	vst v9  }
0x471: {  	v9 =	vld.idx.msk [tilespmem:v58+s26+$0x0], $0xffff  }
0x472: {  	v59 =	vadd.s32 v2, v8;
	_ =	sdelay $0x3  }
0x473: {  	[tilespmem:s5+$0xFFFFFFD0] =	vst v9  }
0x474: {  	v9 =	vld.idx.msk [tilespmem:v59+s28+$0x0], $0xffff;
	_ =	sdelay $0x4  }
0x475: {  	[tilespmem:s9+$0xFFFFFFE0] =	vst v9  }
0x476: {  	v9 =	vld.idx.msk [tilespmem:v59+s25+$0x0], $0xffff;
	_ =	sdelay $0x4  }
0x477: {  	[tilespmem:s1+$0xFFFFFFE0] =	vst v9  }
0x478: {  	v9 =	vld.idx.msk [tilespmem:v59+s26+$0x0], $0xffff  }
0x479: {  	v60 =	vadd.s32 v3, v8;
	_ =	sdelay $0x3  }
0x47a: {  	[tilespmem:s5+$0xFFFFFFE0] =	vst v9  }
0x47b: {  	v9 =	vld.idx.msk [tilespmem:v60+s28+$0x0], $0xffff;
	_ =	sdelay $0x4  }
0x47c: {  	[tilespmem:s9+$0xFFFFFFF0] =	vst v9  }
0x47d: {  	v9 =	vld.idx.msk [tilespmem:v60+s25+$0x0], $0xffff;
	_ =	sdelay $0x4  }
0x47e: {  	[tilespmem:s1+$0xFFFFFFF0] =	vst v9  }
0x47f: {  	v9 =	vld.idx.msk [tilespmem:v60+s26+$0x0], $0xffff  }
0x480: {  	v61 =	vadd.s32 v4, v8;
	_ =	sdelay $0x3  }
0x481: {  	[tilespmem:s5+$0xFFFFFFF0] =	vst v9  }
0x482: {  	v9 =	vld.idx.msk [tilespmem:v61+s28+$0x0], $0xffff;
	_ =	sdelay $0x4  }
0x483: {  	[tilespmem:s9+$0x0] =	vst v9  }
0x484: {  	v9 =	vld.idx.msk [tilespmem:v61+s25+$0x0], $0xffff;
	_ =	sdelay $0x4  }
0x485: {  	[tilespmem:s1+$0x0] =	vst v9  }
0x486: {  	v9 =	vld.idx.msk [tilespmem:v61+s26+$0x0], $0xffff  }
0x487: {  	v62 =	vadd.s32 v5, v8;
	_ =	sdelay $0x3  }
0x488: {  	[tilespmem:s5+$0x0] =	vst v9  }
0x489: {  	v9 =	vld.idx.msk [tilespmem:v62+s28+$0x0], $0xffff;
	_ =	sdelay $0x4  }
0x48a: {  	[tilespmem:s9+$0x10] =	vst v9  }
0x48b: {  	v9 =	vld.idx.msk [tilespmem:v62+s25+$0x0], $0xffff;
	_ =	sdelay $0x4  }
0x48c: {  	[tilespmem:s1+$0x10] =	vst v9  }
0x48d: {  	v9 =	vld.idx.msk [tilespmem:v62+s26+$0x0], $0xffff  }
0x48e: {  	v63 =	vadd.s32 v6, v8;
	_ =	sdelay $0x3  }
0x48f: {  	[tilespmem:s5+$0x10] =	vst v9  }
0x490: {  	v9 =	vld.idx.msk [tilespmem:v63+s28+$0x0], $0xffff;
	_ =	sdelay $0x4  }
0x491: {  	[tilespmem:s9+$0x20] =	vst v9  }
0x492: {  	v9 =	vld.idx.msk [tilespmem:v63+s25+$0x0], $0xffff;
	_ =	sdelay $0x4  }
0x493: {  	[tilespmem:s1+$0x20] =	vst v9  }
0x494: {  	v9 =	vld.idx.msk [tilespmem:v63+s26+$0x0], $0xffff  }
0x495: {  	v8 =	vadd.s32 v7, v8;
	_ =	sdelay $0x3  }
0x496: {  	[tilespmem:s5+$0x20] =	vst v9  }
0x497: {  	v9 =	vld.idx.msk [tilespmem:v8+s28+$0x0], $0xffff;
	_ =	sdelay $0x4  }
0x498: {  	[tilespmem:s9+$0x30] =	vst v9  }
0x499: {  	v9 =	vld.idx.msk [tilespmem:v8+s25+$0x0], $0xffff;
	_ =	sdelay $0x4  }
0x49a: {  	[tilespmem:s1+$0x30] =	vst v9  }
0x49b: {  	v8 =	vld.idx.msk [tilespmem:v8+s26+$0x0], $0xffff;
	_ =	sdelay $0x4  }
0x49c: {  	s8 =	simm.s32 $0x9200;
	[tilespmem:s5+$0x30] =	vst v8  }
0x49d: {  	[hbm4b:s22+s2] =	stream.linear.scatter [tilespmem:s8], [sflag:$0x4], $0x80, $0x38;
	[tilespmem:$0x12200] =	vst v63  }
0x49e: {  	s9 =	simm.s32 $0xC200  }
0x49f: {  	[hbm4b:s21+s2] =	stream.linear.scatter [tilespmem:s9], [sflag:$0x4], $0x80, $0x38;
	[tilespmem:$0x12200] =	vst v63  }
0x4a0: {  	s10 =	simm.s32 $0xF200;
	s7 =	simm.s32 $0x80;
	s1 =	smov.u32 s20  }
0x4a1: {  	[hbm4b:s20+s2] =	stream.linear.scatter [tilespmem:s10], [sflag:$0x4], $0x80, $0x38;
	[tilespmem:$0x12200] =	vst v63  }
0x4a2: {  	s8 =	smov.u32 s21;
	s9 =	smov.u32 s22;
	s10 =	simm.s32 $0x400  }
.LBB2_30:
0x4a3: {  	p0 =	sne.s32 s10, $0xBE00;
	s5 =	sadd.s32 $0x9200, s7;
	s9 =	sadd.s32 $0x800, s9  }
0x4a4: {  	[hbm4b:s9+s2] =	stream.linear.scatter [tilespmem:s5], [sflag:$0x4], $0x80, $0x38;
	[tilespmem:$0x12200] =	vst v63  }
.Ltmp14:
0x4a5: {  	s8 =	sadd.s32 $0x800, s8;
	s5 =	sadd.s32 $0xC200, s7;
	(pc) =	sbr.rel @p0 .LBB2_30-.Ltmp14, $4  }
0x4a6: {  	[hbm4b:s8+s2] =	stream.linear.scatter [tilespmem:s5], [sflag:$0x4], $0x80, $0x38;
	[tilespmem:$0x12200] =	vst v63  }
0x4a7: {  	s1 =	sadd.s32 $0x800, s1;
	s5 =	sadd.s32 $0xF200, s7  }
0x4a8: {  	[hbm4b:s1+s2] =	stream.linear.scatter [tilespmem:s5], [sflag:$0x4], $0x80, $0x38;
	[tilespmem:$0x12200] =	vst v63  }
0x4a9: {  	s7 =	sshra.s32 s10, $0x2;
	s10 =	sadd.s32 $0x200, s10  }
0x4aa: {  	s5 =	sadd.s32 $0x9200, s7;
	s9 =	sadd.s32 $0x800, s9  }
0x4ab: {  	[hbm4b:s9+s2] =	stream.linear.scatter [tilespmem:s5], [sflag:$0x4], $0x80, $0x38;
	[tilespmem:$0x12200] =	vst v63  }
0x4ac: {  	s8 =	sadd.s32 $0x800, s8;
	s9 =	sadd.s32 $0xC200, s7  }
0x4ad: {  	[hbm4b:s8+s2] =	stream.linear.scatter [tilespmem:s9], [sflag:$0x4], $0x80, $0x38;
	[tilespmem:$0x12200] =	vst v63  }
0x4ae: {  	s10 =	sadd.s32 $0xF200, s7;
	s1 =	sadd.s32 $0x800, s1  }
0x4af: {  	[hbm4b:s1+s2] =	stream.linear.scatter [tilespmem:s10], [sflag:$0x4], $0x80, $0x38;
	[tilespmem:$0x12200] =	vst v63  }
0x4b0: {  	_ =	swait.ge [sflag:s0], $0x80  }
0x4b1: {  	[sflag:s0] =	ssyncset.done $0x0  }
0x4b2: {  	[sflag:s0] =	ssyncadd.s32 $0xFFFFFF80  }
0x4b3: {  	_ =	swait.ge [sflag:s0], $0x80  }
0x4b4: {  	[sflag:s0] =	ssyncset.done $0x0  }
0x4b5: {  	[sflag:s0] =	ssyncadd.s32 $0xFFFFFF80  }
0x4b6: {  	_ =	swait.ge [sflag:s0], $0x80  }
0x4b7: {  	s1 =	simm.s32 $0x5F;
	[sflag:s0] =	ssyncset.done $0x0  }
.LBB2_32:
0x4b8: {  	p0 =	sne.s32 s1, $0x1;
	s1 =	sadd.s32 $0xFFFFFFFF, s1;
	[sflag:s0] =	ssyncadd.s32 $0xFFFFFF80  }
0x4b9: {  	_ =	swait.ge [sflag:s0], $0x80  }
0x4ba: {  	[sflag:s0] =	ssyncset.done $0x0  }
0x4bb: {  	[sflag:s0] =	ssyncadd.s32 $0xFFFFFF80  }
.Ltmp15:
0x4bc: {  	_ =	swait.ge [sflag:s0], $0x80;
	(pc) =	sbr.rel @p0 .LBB2_32-.Ltmp15, $4  }
0x4bd: {  	[sflag:s0] =	ssyncset.done $0x0  }
0x4be: {  	[sflag:s0] =	ssyncadd.s32 $0xFFFFFF80  }
0x4bf: {  	_ =	swait.ge [sflag:s0], $0x80  }
0x4c0: {  	[sflag:s0] =	ssyncset.done $0x0  }
0x4c1: {  	s6 =	sadd.s32 $0x1, s6;
	s1 =	rddreg [dreg:$0xb]  }
0x4c2: {  	p0 =	sne.s32 s6, s1  }
.Ltmp16:
0x4c3: {  	_ = 	snop;
	(pc) =	sbr.rel @p0 .LBB2_1-.Ltmp16, $2  }
0x4c4: {  	_ =	sdelay $0x2  }
0x4c5: {  	[sflag:s0] =	ssyncadd.s32 $0xFFFFFF80  }
0x4c6: {  	_ =	sfence.sel $0x180000  }
0x4c7: {  	[bflag:$0x0] =	sbarrier.arrive $0xFFFF  }
0x4c8: {  	_ =	strace $0x90000047  }
0x4c9: {  	s0 =	stileid.u32;
	[bflag:$0x2] =	sbarrier.arrive $0xFFFF  }
0x4ca: {  	p0 =	sne.s32 s0, $0x0;
	s0 =	rddreg [dreg:$0x5]  }
0x4cb: {  	s0 =	sadd.s32 @!p0 $0x100000, s0  }
0x4cc: {  	[sflag:s0] =	ssyncadd.tile.s32 @!p0 $0x1;
	_ =	shalt  }
.Lfunc_end2:
_tile_overlayer_lowered:
.L_overlay_start_2:
0x4cd: {  	(tag) =	ssettag $0x2  }
0x4ce: {  	s0 =	rddreg [dreg:$0x0];
	s2 =	stileid.u32  }
0x4cf: {  	s1 =	rddreg [dreg:$0x1];
	p0 =	sne.s32 s2, $0x0  }
0x4d0: {  	s3 =	rddreg [dreg:$0x2];
	[bflag:$0x3] =	sbarrier.arrive $0xFFFF;
	s2 =	simm.s32 @!p0 $0x1C05  }
0x4d1: {  	[timem:s3], [sflag:s2] =	dma.local @!p0 [hbm:s0], s1  }
0x4d2: {  	s0 =	simm.s32 @!p0 $0x5  }
0x4d3: {  	_ =	swait.ge @!p0 [sflag:s0], s1  }
0x4d4: {  	s1 =	ssub.s32 @!p0 $0x0, s1;
	[sflag:s0] =	ssyncset.done @!p0 $0x0  }
0x4d5: {  	[sflag:s0] =	ssyncadd.s32 @!p0 s1  }
0x4d6: {  	[bflag:$0x3] =	sbarrier.arrive $0xFFFF  }
0x4d7: {  	_ =	shalt  }

</sc_bundles>
